<compile_context>
chip_gen: v7x
topology: tpu7x:2x2x1
jax: 0.10.2.dev20260603
libtpu: 0.0.44.dev20260713+nightly
codegen_flags: <defaults>
</compile_context>

<pallas_src>
import functools

import jax
import jax.numpy as jnp
from jax import lax
from jax.experimental import pallas as pl
from jax.experimental.pallas import tpu as pltpu
from jax.experimental.pallas import tpu_sc as plsc

H = 128
G = 64
NC = 2
NS = 16
NW = NC * NS
CH = 128


def _deg_body(n_pad, cpw, dst_hbm, ones_hbm, zeros_hbm, out_hbm,
              dst_v, ones_v, acc):
    c = lax.axis_index("c")
    s = lax.axis_index("s")
    wid = c * NS + s
    rpt = n_pad // NS
    pltpu.sync_copy(zeros_hbm.at[pl.ds(s * rpt, rpt)],
                    acc.at[pl.ds(s * rpt, rpt)])
    pltpu.sync_copy(dst_hbm.at[pl.ds(wid * cpw, cpw)], dst_v)
    pltpu.sync_copy(ones_hbm, ones_v)
    plsc.subcore_barrier()

    def body(j, carry):
        pltpu.sync_copy(ones_v, acc.at[dst_v.at[j]], add=True)
        return carry

    lax.fori_loop(0, cpw, body, 0)
    plsc.subcore_barrier()
    pltpu.sync_copy(acc.at[pl.ds(s * rpt, rpt)],
                    out_hbm.at[c, pl.ds(s * rpt, rpt)])


WB = 40


def _aggr_body(n_pad, cpw, src_hbm, dst_hbm, g_hbm, zeros_hbm,
               out_hbm, swin, dwin, rows0, rows1, psem0, psem1, acc):
    c = lax.axis_index("c")
    s = lax.axis_index("s")
    wid = c * NS + s
    rpt = n_pad // NS
    pltpu.sync_copy(zeros_hbm.at[pl.ds(s * rpt, rpt)],
                    acc.at[pl.ds(s * rpt, rpt)])
    plsc.subcore_barrier()

    nwin = cpw // WB

    bufs = (rows0, rows1)
    sems = (psem0, psem1)

    def win(w, carry):
        base = wid * cpw + w * WB
        pltpu.sync_copy(src_hbm.at[pl.ds(base, WB)], swin)
        pltpu.sync_copy(dst_hbm.at[pl.ds(base, WB)], dwin)
        cp = pltpu.async_copy(g_hbm.at[swin.at[0]], bufs[0], sems[0])
        for k in range(WB):
            nxt = None
            if k + 1 < WB:
                nxt = pltpu.async_copy(g_hbm.at[swin.at[k + 1]],
                                       bufs[(k + 1) % 2], sems[(k + 1) % 2])
            cp.wait()
            pltpu.sync_copy(bufs[k % 2], acc.at[dwin.at[k]], add=True)
            cp = nxt
        return carry

    lax.fori_loop(0, nwin, win, 0)
    plsc.subcore_barrier()
    pltpu.sync_copy(acc.at[pl.ds(s * rpt, rpt)],
                    out_hbm.at[c, pl.ds(s * rpt, rpt)])


def _dense1_body(deg2_ref, emb_ref, w1a_ref, b1a_ref, w1b_ref, b1b_ref,
                 g_ref):
    d = deg2_ref[0, :, 0:1] + deg2_ref[1, :, 0:1]
    u = jnp.dot(emb_ref[...], w1a_ref[...],
                preferred_element_type=jnp.float32)
    t = jnp.maximum((1.0 + d) * u + b1a_ref[...], 0.0)
    h1 = jnp.dot(t, w1b_ref[...],
                 preferred_element_type=jnp.float32) + b1b_ref[...]
    g_ref[...] = jnp.maximum(h1, 0.0)


def _dense2_body(g_ref, p_ref, batch_ref, w2a_ref, b2a_ref, w2b_ref,
                 b2b_ref, wlin_ref, blin_ref, out_ref):
    z = g_ref[...] + p_ref[0] + p_ref[1]
    t = jnp.maximum(
        jnp.dot(z, w2a_ref[...], preferred_element_type=jnp.float32)
        + b2a_ref[...], 0.0)
    h2 = jnp.dot(t, w2b_ref[...],
                 preferred_element_type=jnp.float32) + b2b_ref[...]
    gid = lax.broadcasted_iota(jnp.int32, (G, batch_ref.shape[1]), 0)
    m = (gid == batch_ref[...]).astype(jnp.float32)
    sums = jnp.dot(m, h2, preferred_element_type=jnp.float32)
    counts = jnp.sum(m, axis=1, keepdims=True)
    pooled = sums / jnp.maximum(counts, 1.0)
    out_ref[...] = jnp.dot(pooled, wlin_ref[...],
                           preferred_element_type=jnp.float32) + blin_ref[...]


def kernel(x, edge_index, edge_attr, batch, emb, W1a, b1a, W1b, b1b,
           W2a, b2a, W2b, b2b, Wlin, blin):
    n = x.shape[0]
    e = edge_index.shape[1]
    n_pad = ((n + NS * 8 - 1) // (NS * 8)) * (NS * 8)
    cpw = (e + NW * CH - 1) // (NW * CH)
    cpw = ((cpw + WB - 1) // WB) * WB
    e_pad = NW * CH * cpw
    pad_idx = n

    src_p = jnp.concatenate(
        [edge_index[0], jnp.full((e_pad - e,), pad_idx, jnp.int32)]
    ).reshape(NW * cpw, CH)
    dst_p = jnp.concatenate(
        [edge_index[1], jnp.full((e_pad - e,), pad_idx, jnp.int32)]
    ).reshape(NW * cpw, CH)

    ones_h = jnp.ones((CH, H), jnp.float32)
    zeros_h = jnp.zeros((n_pad, H), jnp.float32)

    mesh = plsc.VectorSubcoreMesh(
        core_axis_name="c", subcore_axis_name="s",
        num_cores=NC, num_subcores=NS)

    deg_call = pl.kernel(
        functools.partial(_deg_body, n_pad, cpw),
        out_type=jax.ShapeDtypeStruct((NC, n_pad, H), jnp.float32),
        mesh=mesh,
        scratch_types=[
            pltpu.VMEM((cpw, CH), jnp.int32),
            pltpu.VMEM((CH, H), jnp.float32),
            pltpu.VMEM_SHARED((n_pad, H), jnp.float32),
        ],
    )
    deg2 = deg_call(dst_p, ones_h, zeros_h)

    g = pl.pallas_call(
        _dense1_body,
        out_shape=jax.ShapeDtypeStruct((n_pad, H), jnp.float32),
    )(deg2, emb, W1a, b1a[None], W1b, b1b[None])

    aggr_call = pl.kernel(
        functools.partial(_aggr_body, n_pad, cpw),
        out_type=jax.ShapeDtypeStruct((NC, n_pad, H), jnp.float32),
        mesh=mesh,
        scratch_types=[
            pltpu.VMEM((WB, CH), jnp.int32),
            pltpu.VMEM((WB, CH), jnp.int32),
            pltpu.VMEM((CH, H), jnp.float32),
            pltpu.VMEM((CH, H), jnp.float32),
            pltpu.SemaphoreType.DMA,
            pltpu.SemaphoreType.DMA,
            pltpu.VMEM_SHARED((n_pad, H), jnp.float32),
        ],
    )
    parts = aggr_call(src_p, dst_p, g, zeros_h)

    batch_p = jnp.concatenate(
        [batch, jnp.full((n_pad - n,), -1, jnp.int32)])[None]

    out = pl.pallas_call(
        _dense2_body,
        out_shape=jax.ShapeDtypeStruct((G, Wlin.shape[1]), jnp.float32),
    )(g, parts, batch_p, W2a, b2a[None], W2b, b2b[None], Wlin, blin[None])
    return out

# --- scband reference (transcript-rebuilt; emitter-appended) ---
"""Pipeline reference for scband-simple-gin-24721831756436 (READ-ONLY COPY).

The authoritative reference and input builder live on the scoring server;
editing this copy changes nothing except your own understanding.
"""

import jax, jax.numpy as jnp
import numpy as np

N = 10000
E = 320000
H = 128
OUT = 128
G = 64


def setup_inputs(seed: int = 0) -> dict:
    key = jax.random.key(seed)
    ks = jax.random.split(key, 14)
    x = jnp.zeros((N,), dtype=jnp.int32)  # node_embedding has a single row -> all indices 0
    edge_index = jax.random.randint(ks[0], (2, E), 0, N, dtype=jnp.int32)
    edge_attr = jax.random.normal(ks[1], (E, 4), dtype=jnp.float32)
    batch = jnp.sort(jax.random.randint(ks[2], (N,), 0, G, dtype=jnp.int32))
    s = 1.0 / np.sqrt(H)
    emb = jax.random.normal(ks[3], (1, H), dtype=jnp.float32)
    W1a = jax.random.uniform(ks[4], (H, H), jnp.float32, -s, s)
    b1a = jax.random.uniform(ks[5], (H,), jnp.float32, -s, s)
    W1b = jax.random.uniform(ks[6], (H, H), jnp.float32, -s, s)
    b1b = jax.random.uniform(ks[7], (H,), jnp.float32, -s, s)
    W2a = jax.random.uniform(ks[8], (H, H), jnp.float32, -s, s)
    b2a = jax.random.uniform(ks[9], (H,), jnp.float32, -s, s)
    W2b = jax.random.uniform(ks[10], (H, H), jnp.float32, -s, s)
    b2b = jax.random.uniform(ks[11], (H,), jnp.float32, -s, s)
    Wlin = jax.random.uniform(ks[12], (H, OUT), jnp.float32, -s, s)
    blin = jax.random.uniform(ks[13], (OUT,), jnp.float32, -s, s)
    return {"x": x, "edge_index": edge_index, "edge_attr": edge_attr, "batch": batch,
            "emb": emb, "W1a": W1a, "b1a": b1a, "W1b": W1b, "b1b": b1b,
            "W2a": W2a, "b2a": b2a, "W2b": W2b, "b2b": b2b, "Wlin": Wlin, "blin": blin}


def _gin_conv(h, edge_index, Wa, ba, Wb, bb):
    src = edge_index[0]
    dst = edge_index[1]
    aggr = jax.ops.segment_sum(h[src], dst, num_segments=h.shape[0])
    z = h + aggr  # GINConv default eps=0: (1+eps)*x + sum_neighbors
    z = jnp.maximum(z @ Wa + ba, 0.0)
    z = z @ Wb + bb
    return z


def reference(x, edge_index, edge_attr, batch, emb, W1a, b1a, W1b, b1b,
              W2a, b2a, W2b, b2b, Wlin, blin):
    h = emb[x]  # embedding lookup, all index 0
    h = _gin_conv(h, edge_index, W1a, b1a, W1b, b1b)
    h = jnp.maximum(h, 0.0)
    h = _gin_conv(h, edge_index, W2a, b2a, W2b, b2b)
    # global_mean_pool over batch
    sums = jax.ops.segment_sum(h, batch, num_segments=G)
    counts = jax.ops.segment_sum(jnp.ones((h.shape[0],), dtype=h.dtype), batch, num_segments=G)
    pooled = sums / jnp.maximum(counts, 1.0)[:, None]
    out = pooled @ Wlin + blin
    return out

if __name__ == "__main__":
    import jax
    _d = setup_inputs()
    print(jax.jit(kernel)(*tuple(_d.values())))

</pallas_src>

<mosaic_0001>
#map = affine_map<(d0, d1) -> (0, 0)>
#map1 = affine_map<(d0, d1) -> (0, 0, 0)>
module attributes {stable_mosaic.version = 14 : i64} {
  func.func @_deg_body(%arg0: i32, %arg1: i32, %arg2: memref<2560x128xi32, #tpu.memory_space<hbm>>, %arg3: memref<128x128xf32, #tpu.memory_space<hbm>>, %arg4: memref<10112x128xf32, #tpu.memory_space<hbm>>, %arg5: memref<2x10112x128xf32, #tpu.memory_space<hbm>>, %arg6: memref<80x128xi32, #tpu.memory_space<vmem>>, %arg7: memref<128x128xf32, #tpu.memory_space<vmem>>, %arg8: memref<10112x128xf32, #tpu.memory_space<vmem_shared>>) attributes {dimension_semantics = [#tpu.dimension_semantics<core_parallel>, #tpu.dimension_semantics<subcore_parallel>], iteration_bounds = array<i64: 2, 16>, scalar_prefetch = 0 : i64, scratch_operands = 3 : i64, tpu.core_type = #tpu.core_type<sc_vector_subcore>, window_params = [{transform_indices = #map}, {transform_indices = #map}, {transform_indices = #map}, {transform_indices = #map1}]} {
    %mul3A = arith.constant 16 : i32
    %mul3A_0 = arith.muli %arg0, %mul3A : i32
    %add3A = arith.addi %mul3A_0, %arg1 : i32
    %mul3A_1 = arith.constant 632 : i32
    %mul3A_2 = arith.muli %arg1, %mul3A_1 : i32
    %mul3A_3 = arith.constant 632 : i32
    %mul3A_4 = arith.muli %arg1, %mul3A_3 : i32
    "tpu.region"() ({
      %run_scoped3A = tpu.sem_alloc : memref<!tpu.dma_semaphore, #tpu.memory_space<semaphore_mem>>
      %dma_start3A = arith.constant 0 : i32
      %dma_start3A_17 = tpu.memref_slice %arg8[%mul3A_4, %dma_start3A] : memref<10112x128xf32, #tpu.memory_space<vmem_shared>> -> memref<632x128xf32, #tpu.memory_space<vmem_shared>>
      %dma_start3A_18 = arith.constant 0 : i32
      %dma_start3A_19 = tpu.memref_slice %arg4[%mul3A_2, %dma_start3A_18] : memref<10112x128xf32, #tpu.memory_space<hbm>> -> memref<632x128xf32, #tpu.memory_space<hbm>>
      tpu.enqueue_dma source(%dma_start3A_19 : memref<632x128xf32, #tpu.memory_space<hbm>>) target(%dma_start3A_17 : memref<632x128xf32, #tpu.memory_space<vmem_shared>>) target_semaphore(%run_scoped3A : memref<!tpu.dma_semaphore, #tpu.memory_space<semaphore_mem>>)
      %dma_wait3A = arith.constant 0 : i32
      %dma_wait3A_20 = tpu.memref_slice %arg8[%mul3A_4, %dma_wait3A] : memref<10112x128xf32, #tpu.memory_space<vmem_shared>> -> memref<632x128xf32, #tpu.memory_space<vmem_shared>>
      %dma_wait3A_21 = arith.constant 0 : i32
      %dma_wait3A_22 = tpu.memref_slice %arg4[%mul3A_2, %dma_wait3A_21] : memref<10112x128xf32, #tpu.memory_space<hbm>> -> memref<632x128xf32, #tpu.memory_space<hbm>>
      tpu.wait_dma2 semaphore(%run_scoped3A : memref<!tpu.dma_semaphore, #tpu.memory_space<semaphore_mem>>) src(%dma_wait3A_22 : memref<632x128xf32, #tpu.memory_space<hbm>>) dst(%dma_wait3A_20 : memref<632x128xf32, #tpu.memory_space<vmem_shared>>)
      tpu.yield
    }) : () -> ()
    %mul3A_5 = arith.constant 80 : i32
    %mul3A_6 = arith.muli %add3A, %mul3A_5 : i32
    "tpu.region"() ({
      %run_scoped3A = tpu.sem_alloc : memref<!tpu.dma_semaphore, #tpu.memory_space<semaphore_mem>>
      %dma_start3A = arith.constant 0 : i32
      %dma_start3A_17 = tpu.memref_slice %arg2[%mul3A_6, %dma_start3A] : memref<2560x128xi32, #tpu.memory_space<hbm>> -> memref<80x128xi32, #tpu.memory_space<hbm>>
      %dma_start3A_18 = arith.constant 0 : i32
      %dma_start3A_19 = tpu.memref_slice %arg2[%mul3A_6, %dma_start3A_18] : memref<2560x128xi32, #tpu.memory_space<hbm>> -> memref<80x128xi32, #tpu.memory_space<hbm>>
      tpu.enqueue_dma source(%dma_start3A_19 : memref<80x128xi32, #tpu.memory_space<hbm>>) target(%arg6 : memref<80x128xi32, #tpu.memory_space<vmem>>) target_semaphore(%run_scoped3A : memref<!tpu.dma_semaphore, #tpu.memory_space<semaphore_mem>>)
      %dma_wait3A = arith.constant 0 : i32
      %dma_wait3A_20 = tpu.memref_slice %arg2[%mul3A_6, %dma_wait3A] : memref<2560x128xi32, #tpu.memory_space<hbm>> -> memref<80x128xi32, #tpu.memory_space<hbm>>
      %dma_wait3A_21 = arith.constant 0 : i32
      %dma_wait3A_22 = tpu.memref_slice %arg2[%mul3A_6, %dma_wait3A_21] : memref<2560x128xi32, #tpu.memory_space<hbm>> -> memref<80x128xi32, #tpu.memory_space<hbm>>
      tpu.wait_dma2 semaphore(%run_scoped3A : memref<!tpu.dma_semaphore, #tpu.memory_space<semaphore_mem>>) src(%dma_wait3A_22 : memref<80x128xi32, #tpu.memory_space<hbm>>) dst(%arg6 : memref<80x128xi32, #tpu.memory_space<vmem>>)
      tpu.yield
    }) : () -> ()
    "tpu.region"() ({
      %run_scoped3A = tpu.sem_alloc : memref<!tpu.dma_semaphore, #tpu.memory_space<semaphore_mem>>
      tpu.enqueue_dma source(%arg3 : memref<128x128xf32, #tpu.memory_space<hbm>>) target(%arg7 : memref<128x128xf32, #tpu.memory_space<vmem>>) target_semaphore(%run_scoped3A : memref<!tpu.dma_semaphore, #tpu.memory_space<semaphore_mem>>)
      tpu.wait_dma2 semaphore(%run_scoped3A : memref<!tpu.dma_semaphore, #tpu.memory_space<semaphore_mem>>) src(%arg3 : memref<128x128xf32, #tpu.memory_space<hbm>>) dst(%arg7 : memref<128x128xf32, #tpu.memory_space<vmem>>)
      tpu.yield
    }) : () -> ()
    %barrier3A = arith.constant 0 : index
    tpu.barrier barrier_id(%barrier3A)
    %scan3A = arith.constant 0 : i32
    %scan3A_7 = arith.constant 0 : i32
    %scan3A_8 = arith.constant 80 : i32
    %scan3A_9 = arith.addi %scan3A_7, %scan3A_8 : i32
    %scan3A_10 = arith.constant 1 : i32
    scf.for %scan3A_17 = %scan3A_7 to %scan3A_9 step %scan3A_10  : i32 {
      "tpu.region"() ({
        %run_scoped3A = tpu.sem_alloc : memref<!tpu.dma_semaphore, #tpu.memory_space<semaphore_mem>>
        %dma_start3A = arith.constant 0 : i32
        %dma_start3A_18 = tpu.memref_slice %arg6[%scan3A_17, %dma_start3A] : memref<80x128xi32, #tpu.memory_space<vmem>> -> memref<1x128xi32, #tpu.memory_space<vmem>>
        %dma_start3A_19 = tpu.memref_squeeze %dma_start3A_18 : memref<1x128xi32, #tpu.memory_space<vmem>> -> memref<128xi32, #tpu.memory_space<vmem>>
        %dma_start3A_20 = arith.constant 0 : i32
        %dma_start3A_21 = arith.constant 0 : i32
        %dma_start3A_22 = tpu.memref_slice %arg8[%dma_start3A_20, %dma_start3A_21] : memref<10112x128xf32, #tpu.memory_space<vmem_shared>> -> memref<10112x128xf32, #tpu.memory_space<vmem_shared>>
        tpu.enqueue_indirect_dma source(%arg7 : memref<128x128xf32, #tpu.memory_space<vmem>>) target(%dma_start3A_22 : memref<10112x128xf32, #tpu.memory_space<vmem_shared>>) offsets(%dma_start3A_19 : memref<128xi32, #tpu.memory_space<vmem>>) semaphore(%run_scoped3A : memref<!tpu.dma_semaphore, #tpu.memory_space<semaphore_mem>>) {add = true}
        %dma_wait3A = arith.constant 0 : i32
        %dma_wait3A_23 = tpu.memref_slice %arg6[%scan3A_17, %dma_wait3A] : memref<80x128xi32, #tpu.memory_space<vmem>> -> memref<1x128xi32, #tpu.memory_space<vmem>>
        %dma_wait3A_24 = tpu.memref_squeeze %dma_wait3A_23 : memref<1x128xi32, #tpu.memory_space<vmem>> -> memref<128xi32, #tpu.memory_space<vmem>>
        %dma_wait3A_25 = arith.constant 0 : i32
        %dma_wait3A_26 = arith.constant 0 : i32
        %dma_wait3A_27 = tpu.memref_slice %arg8[%dma_wait3A_25, %dma_wait3A_26] : memref<10112x128xf32, #tpu.memory_space<vmem_shared>> -> memref<10112x128xf32, #tpu.memory_space<vmem_shared>>
        tpu.wait_indirect_dma semaphore(%run_scoped3A : memref<!tpu.dma_semaphore, #tpu.memory_space<semaphore_mem>>) src(%arg7 : memref<128x128xf32, #tpu.memory_space<vmem>>) dst(%dma_wait3A_27 : memref<10112x128xf32, #tpu.memory_space<vmem_shared>>)
        tpu.yield
      }) : () -> ()
    }
    %scan3A_11 = arith.constant 80 : i32
    %barrier3A_12 = arith.constant 0 : index
    tpu.barrier barrier_id(%barrier3A_12)
    %mul3A_13 = arith.constant 632 : i32
    %mul3A_14 = arith.muli %arg1, %mul3A_13 : i32
    %mul3A_15 = arith.constant 632 : i32
    %mul3A_16 = arith.muli %arg1, %mul3A_15 : i32
    "tpu.region"() ({
      %run_scoped3A = tpu.sem_alloc : memref<!tpu.dma_semaphore, #tpu.memory_space<semaphore_mem>>
      %dma_start3A = arith.constant 0 : i32
      %dma_start3A_17 = tpu.memref_slice %arg5[%arg0, %mul3A_16, %dma_start3A] : memref<2x10112x128xf32, #tpu.memory_space<hbm>> -> memref<1x632x128xf32, #tpu.memory_space<hbm>>
      %dma_start3A_18 = tpu.memref_squeeze %dma_start3A_17 : memref<1x632x128xf32, #tpu.memory_space<hbm>> -> memref<632x128xf32, #tpu.memory_space<hbm>>
      %dma_start3A_19 = arith.constant 0 : i32
      %dma_start3A_20 = tpu.memref_slice %arg8[%mul3A_14, %dma_start3A_19] : memref<10112x128xf32, #tpu.memory_space<vmem_shared>> -> memref<632x128xf32, #tpu.memory_space<vmem_shared>>
      tpu.enqueue_dma source(%dma_start3A_20 : memref<632x128xf32, #tpu.memory_space<vmem_shared>>) target(%dma_start3A_18 : memref<632x128xf32, #tpu.memory_space<hbm>>) target_semaphore(%run_scoped3A : memref<!tpu.dma_semaphore, #tpu.memory_space<semaphore_mem>>)
      %dma_wait3A = arith.constant 0 : i32
      %dma_wait3A_21 = tpu.memref_slice %arg5[%arg0, %mul3A_16, %dma_wait3A] : memref<2x10112x128xf32, #tpu.memory_space<hbm>> -> memref<1x632x128xf32, #tpu.memory_space<hbm>>
      %dma_wait3A_22 = tpu.memref_squeeze %dma_wait3A_21 : memref<1x632x128xf32, #tpu.memory_space<hbm>> -> memref<632x128xf32, #tpu.memory_space<hbm>>
      %dma_wait3A_23 = arith.constant 0 : i32
      %dma_wait3A_24 = tpu.memref_slice %arg8[%mul3A_14, %dma_wait3A_23] : memref<10112x128xf32, #tpu.memory_space<vmem_shared>> -> memref<632x128xf32, #tpu.memory_space<vmem_shared>>
      tpu.wait_dma2 semaphore(%run_scoped3A : memref<!tpu.dma_semaphore, #tpu.memory_space<semaphore_mem>>) src(%dma_wait3A_24 : memref<632x128xf32, #tpu.memory_space<vmem_shared>>) dst(%dma_wait3A_22 : memref<632x128xf32, #tpu.memory_space<hbm>>)
      tpu.yield
    }) : () -> ()
    return
  }
}

#map = affine_map<(d0, d1) -> (0, 0)>
#map1 = affine_map<(d0, d1) -> (0, 0, 0)>
module attributes {stable_mosaic.version = 14 : i64} {
  func.func @_aggr_body(%arg0: i32, %arg1: i32, %arg2: memref<2560x128xi32, #tpu.memory_space<hbm>>, %arg3: memref<2560x128xi32, #tpu.memory_space<hbm>>, %arg4: memref<10112x128xf32, #tpu.memory_space<hbm>>, %arg5: memref<10112x128xf32, #tpu.memory_space<hbm>>, %arg6: memref<2x10112x128xf32, #tpu.memory_space<hbm>>, %arg7: memref<40x128xi32, #tpu.memory_space<vmem>>, %arg8: memref<40x128xi32, #tpu.memory_space<vmem>>, %arg9: memref<128x128xf32, #tpu.memory_space<vmem>>, %arg10: memref<128x128xf32, #tpu.memory_space<vmem>>, %arg11: memref<!tpu.dma_semaphore, #tpu.memory_space<semaphore_mem>>, %arg12: memref<!tpu.dma_semaphore, #tpu.memory_space<semaphore_mem>>, %arg13: memref<10112x128xf32, #tpu.memory_space<vmem_shared>>) attributes {dimension_semantics = [#tpu.dimension_semantics<core_parallel>, #tpu.dimension_semantics<subcore_parallel>], iteration_bounds = array<i64: 2, 16>, scalar_prefetch = 0 : i64, scratch_operands = 7 : i64, tpu.core_type = #tpu.core_type<sc_vector_subcore>, window_params = [{transform_indices = #map}, {transform_indices = #map}, {transform_indices = #map}, {transform_indices = #map}, {transform_indices = #map1}]} {
    %mul3A = arith.constant 16 : i32
    %mul3A_0 = arith.muli %arg0, %mul3A : i32
    %add3A = arith.addi %mul3A_0, %arg1 : i32
    %mul3A_1 = arith.constant 632 : i32
    %mul3A_2 = arith.muli %arg1, %mul3A_1 : i32
    %mul3A_3 = arith.constant 632 : i32
    %mul3A_4 = arith.muli %arg1, %mul3A_3 : i32
    "tpu.region"() ({
      %run_scoped3A = tpu.sem_alloc : memref<!tpu.dma_semaphore, #tpu.memory_space<semaphore_mem>>
      %dma_start3A = arith.constant 0 : i32
      %dma_start3A_15 = tpu.memref_slice %arg13[%mul3A_4, %dma_start3A] : memref<10112x128xf32, #tpu.memory_space<vmem_shared>> -> memref<632x128xf32, #tpu.memory_space<vmem_shared>>
      %dma_start3A_16 = arith.constant 0 : i32
      %dma_start3A_17 = tpu.memref_slice %arg5[%mul3A_2, %dma_start3A_16] : memref<10112x128xf32, #tpu.memory_space<hbm>> -> memref<632x128xf32, #tpu.memory_space<hbm>>
      tpu.enqueue_dma source(%dma_start3A_17 : memref<632x128xf32, #tpu.memory_space<hbm>>) target(%dma_start3A_15 : memref<632x128xf32, #tpu.memory_space<vmem_shared>>) target_semaphore(%run_scoped3A : memref<!tpu.dma_semaphore, #tpu.memory_space<semaphore_mem>>)
      %dma_wait3A = arith.constant 0 : i32
      %dma_wait3A_18 = tpu.memref_slice %arg13[%mul3A_4, %dma_wait3A] : memref<10112x128xf32, #tpu.memory_space<vmem_shared>> -> memref<632x128xf32, #tpu.memory_space<vmem_shared>>
      %dma_wait3A_19 = arith.constant 0 : i32
      %dma_wait3A_20 = tpu.memref_slice %arg5[%mul3A_2, %dma_wait3A_19] : memref<10112x128xf32, #tpu.memory_space<hbm>> -> memref<632x128xf32, #tpu.memory_space<hbm>>
      tpu.wait_dma2 semaphore(%run_scoped3A : memref<!tpu.dma_semaphore, #tpu.memory_space<semaphore_mem>>) src(%dma_wait3A_20 : memref<632x128xf32, #tpu.memory_space<hbm>>) dst(%dma_wait3A_18 : memref<632x128xf32, #tpu.memory_space<vmem_shared>>)
      tpu.yield
    }) : () -> ()
    %barrier3A = arith.constant 0 : index
    tpu.barrier barrier_id(%barrier3A)
    %scan3A = arith.constant 0 : i32
    %scan3A_5 = arith.constant 0 : i32
    %scan3A_6 = arith.constant 2 : i32
    %scan3A_7 = arith.addi %scan3A_5, %scan3A_6 : i32
    %scan3A_8 = arith.constant 1 : i32
    scf.for %scan3A_15 = %scan3A_5 to %scan3A_7 step %scan3A_8  : i32 {
      %mul3A_16 = arith.constant 80 : i32
      %mul3A_17 = arith.muli %add3A, %mul3A_16 : i32
      %mul3A_18 = arith.constant 40 : i32
      %mul3A_19 = arith.muli %scan3A_15, %mul3A_18 : i32
      %add3A_20 = arith.addi %mul3A_17, %mul3A_19 : i32
      "tpu.region"() ({
        %run_scoped3A_618 = tpu.sem_alloc : memref<!tpu.dma_semaphore, #tpu.memory_space<semaphore_mem>>
        %dma_start3A_619 = arith.constant 0 : i32
        %dma_start3A_620 = tpu.memref_slice %arg2[%add3A_20, %dma_start3A_619] : memref<2560x128xi32, #tpu.memory_space<hbm>> -> memref<40x128xi32, #tpu.memory_space<hbm>>
        %dma_start3A_621 = arith.constant 0 : i32
        %dma_start3A_622 = tpu.memref_slice %arg2[%add3A_20, %dma_start3A_621] : memref<2560x128xi32, #tpu.memory_space<hbm>> -> memref<40x128xi32, #tpu.memory_space<hbm>>
        tpu.enqueue_dma source(%dma_start3A_622 : memref<40x128xi32, #tpu.memory_space<hbm>>) target(%arg7 : memref<40x128xi32, #tpu.memory_space<vmem>>) target_semaphore(%run_scoped3A_618 : memref<!tpu.dma_semaphore, #tpu.memory_space<semaphore_mem>>)
        %dma_wait3A_623 = arith.constant 0 : i32
        %dma_wait3A_624 = tpu.memref_slice %arg2[%add3A_20, %dma_wait3A_623] : memref<2560x128xi32, #tpu.memory_space<hbm>> -> memref<40x128xi32, #tpu.memory_space<hbm>>
        %dma_wait3A_625 = arith.constant 0 : i32
        %dma_wait3A_626 = tpu.memref_slice %arg2[%add3A_20, %dma_wait3A_625] : memref<2560x128xi32, #tpu.memory_space<hbm>> -> memref<40x128xi32, #tpu.memory_space<hbm>>
        tpu.wait_dma2 semaphore(%run_scoped3A_618 : memref<!tpu.dma_semaphore, #tpu.memory_space<semaphore_mem>>) src(%dma_wait3A_626 : memref<40x128xi32, #tpu.memory_space<hbm>>) dst(%arg7 : memref<40x128xi32, #tpu.memory_space<vmem>>)
        tpu.yield
      }) : () -> ()
      "tpu.region"() ({
        %run_scoped3A_618 = tpu.sem_alloc : memref<!tpu.dma_semaphore, #tpu.memory_space<semaphore_mem>>
        %dma_start3A_619 = arith.constant 0 : i32
        %dma_start3A_620 = tpu.memref_slice %arg3[%add3A_20, %dma_start3A_619] : memref<2560x128xi32, #tpu.memory_space<hbm>> -> memref<40x128xi32, #tpu.memory_space<hbm>>
        %dma_start3A_621 = arith.constant 0 : i32
        %dma_start3A_622 = tpu.memref_slice %arg3[%add3A_20, %dma_start3A_621] : memref<2560x128xi32, #tpu.memory_space<hbm>> -> memref<40x128xi32, #tpu.memory_space<hbm>>
        tpu.enqueue_dma source(%dma_start3A_622 : memref<40x128xi32, #tpu.memory_space<hbm>>) target(%arg8 : memref<40x128xi32, #tpu.memory_space<vmem>>) target_semaphore(%run_scoped3A_618 : memref<!tpu.dma_semaphore, #tpu.memory_space<semaphore_mem>>)
        %dma_wait3A_623 = arith.constant 0 : i32
        %dma_wait3A_624 = tpu.memref_slice %arg3[%add3A_20, %dma_wait3A_623] : memref<2560x128xi32, #tpu.memory_space<hbm>> -> memref<40x128xi32, #tpu.memory_space<hbm>>
        %dma_wait3A_625 = arith.constant 0 : i32
        %dma_wait3A_626 = tpu.memref_slice %arg3[%add3A_20, %dma_wait3A_625] : memref<2560x128xi32, #tpu.memory_space<hbm>> -> memref<40x128xi32, #tpu.memory_space<hbm>>
        tpu.wait_dma2 semaphore(%run_scoped3A_618 : memref<!tpu.dma_semaphore, #tpu.memory_space<semaphore_mem>>) src(%dma_wait3A_626 : memref<40x128xi32, #tpu.memory_space<hbm>>) dst(%arg8 : memref<40x128xi32, #tpu.memory_space<vmem>>)
        tpu.yield
      }) : () -> ()
      %dma_start3A = arith.constant 0 : i32
      %dma_start3A_21 = arith.constant 0 : i32
      %dma_start3A_22 = tpu.memref_slice %arg7[%dma_start3A, %dma_start3A_21] : memref<40x128xi32, #tpu.memory_space<vmem>> -> memref<1x128xi32, #tpu.memory_space<vmem>>
      %dma_start3A_23 = tpu.memref_squeeze %dma_start3A_22 : memref<1x128xi32, #tpu.memory_space<vmem>> -> memref<128xi32, #tpu.memory_space<vmem>>
      %dma_start3A_24 = arith.constant 0 : i32
      %dma_start3A_25 = arith.constant 0 : i32
      %dma_start3A_26 = tpu.memref_slice %arg4[%dma_start3A_24, %dma_start3A_25] : memref<10112x128xf32, #tpu.memory_space<hbm>> -> memref<10112x128xf32, #tpu.memory_space<hbm>>
      tpu.enqueue_indirect_dma source(%dma_start3A_26 : memref<10112x128xf32, #tpu.memory_space<hbm>>) target(%arg9 : memref<128x128xf32, #tpu.memory_space<vmem>>) offsets(%dma_start3A_23 : memref<128xi32, #tpu.memory_space<vmem>>) semaphore(%arg11 : memref<!tpu.dma_semaphore, #tpu.memory_space<semaphore_mem>>)
      %dma_start3A_27 = arith.constant 1 : i32
      %dma_start3A_28 = arith.constant 0 : i32
      %dma_start3A_29 = tpu.memref_slice %arg7[%dma_start3A_27, %dma_start3A_28] : memref<40x128xi32, #tpu.memory_space<vmem>> -> memref<1x128xi32, #tpu.memory_space<vmem>>
      %dma_start3A_30 = tpu.memref_squeeze %dma_start3A_29 : memref<1x128xi32, #tpu.memory_space<vmem>> -> memref<128xi32, #tpu.memory_space<vmem>>
      %dma_start3A_31 = arith.constant 0 : i32
      %dma_start3A_32 = arith.constant 0 : i32
      %dma_start3A_33 = tpu.memref_slice %arg4[%dma_start3A_31, %dma_start3A_32] : memref<10112x128xf32, #tpu.memory_space<hbm>> -> memref<10112x128xf32, #tpu.memory_space<hbm>>
      tpu.enqueue_indirect_dma source(%dma_start3A_33 : memref<10112x128xf32, #tpu.memory_space<hbm>>) target(%arg10 : memref<128x128xf32, #tpu.memory_space<vmem>>) offsets(%dma_start3A_30 : memref<128xi32, #tpu.memory_space<vmem>>) semaphore(%arg12 : memref<!tpu.dma_semaphore, #tpu.memory_space<semaphore_mem>>)
      %dma_wait3A = arith.constant 0 : i32
      %dma_wait3A_34 = arith.constant 0 : i32
      %dma_wait3A_35 = tpu.memref_slice %arg7[%dma_wait3A, %dma_wait3A_34] : memref<40x128xi32, #tpu.memory_space<vmem>> -> memref<1x128xi32, #tpu.memory_space<vmem>>
      %dma_wait3A_36 = tpu.memref_squeeze %dma_wait3A_35 : memref<1x128xi32, #tpu.memory_space<vmem>> -> memref<128xi32, #tpu.memory_space<vmem>>
      %dma_wait3A_37 = arith.constant 0 : i32
      %dma_wait3A_38 = arith.constant 0 : i32
      %dma_wait3A_39 = tpu.memref_slice %arg4[%dma_wait3A_37, %dma_wait3A_38] : memref<10112x128xf32, #tpu.memory_space<hbm>> -> memref<10112x128xf32, #tpu.memory_space<hbm>>
      tpu.wait_indirect_dma semaphore(%arg11 : memref<!tpu.dma_semaphore, #tpu.memory_space<semaphore_mem>>) src(%dma_wait3A_39 : memref<10112x128xf32, #tpu.memory_space<hbm>>) dst(%arg9 : memref<128x128xf32, #tpu.memory_space<vmem>>)
      %run_scoped3A = arith.constant 0 : i32
      "tpu.region"() ({
        %run_scoped3A_618 = tpu.sem_alloc : memref<!tpu.dma_semaphore, #tpu.memory_space<semaphore_mem>>
        %dma_start3A_619 = arith.constant 0 : i32
        %dma_start3A_620 = tpu.memref_slice %arg8[%run_scoped3A, %dma_start3A_619] : memref<40x128xi32, #tpu.memory_space<vmem>> -> memref<1x128xi32, #tpu.memory_space<vmem>>
        %dma_start3A_621 = tpu.memref_squeeze %dma_start3A_620 : memref<1x128xi32, #tpu.memory_space<vmem>> -> memref<128xi32, #tpu.memory_space<vmem>>
        %dma_start3A_622 = arith.constant 0 : i32
        %dma_start3A_623 = arith.constant 0 : i32
        %dma_start3A_624 = tpu.memref_slice %arg13[%dma_start3A_622, %dma_start3A_623] : memref<10112x128xf32, #tpu.memory_space<vmem_shared>> -> memref<10112x128xf32, #tpu.memory_space<vmem_shared>>
        tpu.enqueue_indirect_dma source(%arg9 : memref<128x128xf32, #tpu.memory_space<vmem>>) target(%dma_start3A_624 : memref<10112x128xf32, #tpu.memory_space<vmem_shared>>) offsets(%dma_start3A_621 : memref<128xi32, #tpu.memory_space<vmem>>) semaphore(%run_scoped3A_618 : memref<!tpu.dma_semaphore, #tpu.memory_space<semaphore_mem>>) {add = true}
        %dma_wait3A_625 = arith.constant 0 : i32
        %dma_wait3A_626 = tpu.memref_slice %arg8[%run_scoped3A, %dma_wait3A_625] : memref<40x128xi32, #tpu.memory_space<vmem>> -> memref<1x128xi32, #tpu.memory_space<vmem>>
        %dma_wait3A_627 = tpu.memref_squeeze %dma_wait3A_626 : memref<1x128xi32, #tpu.memory_space<vmem>> -> memref<128xi32, #tpu.memory_space<vmem>>
        %dma_wait3A_628 = arith.constant 0 : i32
        %dma_wait3A_629 = arith.constant 0 : i32
        %dma_wait3A_630 = tpu.memref_slice %arg13[%dma_wait3A_628, %dma_wait3A_629] : memref<10112x128xf32, #tpu.memory_space<vmem_shared>> -> memref<10112x128xf32, #tpu.memory_space<vmem_shared>>
        tpu.wait_indirect_dma semaphore(%run_scoped3A_618 : memref<!tpu.dma_semaphore, #tpu.memory_space<semaphore_mem>>) src(%arg9 : memref<128x128xf32, #tpu.memory_space<vmem>>) dst(%dma_wait3A_630 : memref<10112x128xf32, #tpu.memory_space<vmem_shared>>)
        tpu.yield
      }) : () -> ()
      %dma_start3A_40 = arith.constant 2 : i32
      %dma_start3A_41 = arith.constant 0 : i32
      %dma_start3A_42 = tpu.memref_slice %arg7[%dma_start3A_40, %dma_start3A_41] : memref<40x128xi32, #tpu.memory_space<vmem>> -> memref<1x128xi32, #tpu.memory_space<vmem>>
      %dma_start3A_43 = tpu.memref_squeeze %dma_start3A_42 : memref<1x128xi32, #tpu.memory_space<vmem>> -> memref<128xi32, #tpu.memory_space<vmem>>
      %dma_start3A_44 = arith.constant 0 : i32
      %dma_start3A_45 = arith.constant 0 : i32
      %dma_start3A_46 = tpu.memref_slice %arg4[%dma_start3A_44, %dma_start3A_45] : memref<10112x128xf32, #tpu.memory_space<hbm>> -> memref<10112x128xf32, #tpu.memory_space<hbm>>
      tpu.enqueue_indirect_dma source(%dma_start3A_46 : memref<10112x128xf32, #tpu.memory_space<hbm>>) target(%arg9 : memref<128x128xf32, #tpu.memory_space<vmem>>) offsets(%dma_start3A_43 : memref<128xi32, #tpu.memory_space<vmem>>) semaphore(%arg11 : memref<!tpu.dma_semaphore, #tpu.memory_space<semaphore_mem>>)
      %dma_wait3A_47 = arith.constant 1 : i32
      %dma_wait3A_48 = arith.constant 0 : i32
      %dma_wait3A_49 = tpu.memref_slice %arg7[%dma_wait3A_47, %dma_wait3A_48] : memref<40x128xi32, #tpu.memory_space<vmem>> -> memref<1x128xi32, #tpu.memory_space<vmem>>
      %dma_wait3A_50 = tpu.memref_squeeze %dma_wait3A_49 : memref<1x128xi32, #tpu.memory_space<vmem>> -> memref<128xi32, #tpu.memory_space<vmem>>
      %dma_wait3A_51 = arith.constant 0 : i32
      %dma_wait3A_52 = arith.constant 0 : i32
      %dma_wait3A_53 = tpu.memref_slice %arg4[%dma_wait3A_51, %dma_wait3A_52] : memref<10112x128xf32, #tpu.memory_space<hbm>> -> memref<10112x128xf32, #tpu.memory_space<hbm>>
      tpu.wait_indirect_dma semaphore(%arg12 : memref<!tpu.dma_semaphore, #tpu.memory_space<semaphore_mem>>) src(%dma_wait3A_53 : memref<10112x128xf32, #tpu.memory_space<hbm>>) dst(%arg10 : memref<128x128xf32, #tpu.memory_space<vmem>>)
      %run_scoped3A_54 = arith.constant 1 : i32
      "tpu.region"() ({
        %run_scoped3A_618 = tpu.sem_alloc : memref<!tpu.dma_semaphore, #tpu.memory_space<semaphore_mem>>
        %dma_start3A_619 = arith.constant 0 : i32
        %dma_start3A_620 = tpu.memref_slice %arg8[%run_scoped3A_54, %dma_start3A_619] : memref<40x128xi32, #tpu.memory_space<vmem>> -> memref<1x128xi32, #tpu.memory_space<vmem>>
        %dma_start3A_621 = tpu.memref_squeeze %dma_start3A_620 : memref<1x128xi32, #tpu.memory_space<vmem>> -> memref<128xi32, #tpu.memory_space<vmem>>
        %dma_start3A_622 = arith.constant 0 : i32
        %dma_start3A_623 = arith.constant 0 : i32
        %dma_start3A_624 = tpu.memref_slice %arg13[%dma_start3A_622, %dma_start3A_623] : memref<10112x128xf32, #tpu.memory_space<vmem_shared>> -> memref<10112x128xf32, #tpu.memory_space<vmem_shared>>
        tpu.enqueue_indirect_dma source(%arg10 : memref<128x128xf32, #tpu.memory_space<vmem>>) target(%dma_start3A_624 : memref<10112x128xf32, #tpu.memory_space<vmem_shared>>) offsets(%dma_start3A_621 : memref<128xi32, #tpu.memory_space<vmem>>) semaphore(%run_scoped3A_618 : memref<!tpu.dma_semaphore, #tpu.memory_space<semaphore_mem>>) {add = true}
        %dma_wait3A_625 = arith.constant 0 : i32
        %dma_wait3A_626 = tpu.memref_slice %arg8[%run_scoped3A_54, %dma_wait3A_625] : memref<40x128xi32, #tpu.memory_space<vmem>> -> memref<1x128xi32, #tpu.memory_space<vmem>>
        %dma_wait3A_627 = tpu.memref_squeeze %dma_wait3A_626 : memref<1x128xi32, #tpu.memory_space<vmem>> -> memref<128xi32, #tpu.memory_space<vmem>>
        %dma_wait3A_628 = arith.constant 0 : i32
        %dma_wait3A_629 = arith.constant 0 : i32
        %dma_wait3A_630 = tpu.memref_slice %arg13[%dma_wait3A_628, %dma_wait3A_629] : memref<10112x128xf32, #tpu.memory_space<vmem_shared>> -> memref<10112x128xf32, #tpu.memory_space<vmem_shared>>
        tpu.wait_indirect_dma semaphore(%run_scoped3A_618 : memref<!tpu.dma_semaphore, #tpu.memory_space<semaphore_mem>>) src(%arg10 : memref<128x128xf32, #tpu.memory_space<vmem>>) dst(%dma_wait3A_630 : memref<10112x128xf32, #tpu.memory_space<vmem_shared>>)
        tpu.yield
      }) : () -> ()
      %dma_start3A_55 = arith.constant 3 : i32
      %dma_start3A_56 = arith.constant 0 : i32
      %dma_start3A_57 = tpu.memref_slice %arg7[%dma_start3A_55, %dma_start3A_56] : memref<40x128xi32, #tpu.memory_space<vmem>> -> memref<1x128xi32, #tpu.memory_space<vmem>>
      %dma_start3A_58 = tpu.memref_squeeze %dma_start3A_57 : memref<1x128xi32, #tpu.memory_space<vmem>> -> memref<128xi32, #tpu.memory_space<vmem>>
      %dma_start3A_59 = arith.constant 0 : i32
      %dma_start3A_60 = arith.constant 0 : i32
      %dma_start3A_61 = tpu.memref_slice %arg4[%dma_start3A_59, %dma_start3A_60] : memref<10112x128xf32, #tpu.memory_space<hbm>> -> memref<10112x128xf32, #tpu.memory_space<hbm>>
      tpu.enqueue_indirect_dma source(%dma_start3A_61 : memref<10112x128xf32, #tpu.memory_space<hbm>>) target(%arg10 : memref<128x128xf32, #tpu.memory_space<vmem>>) offsets(%dma_start3A_58 : memref<128xi32, #tpu.memory_space<vmem>>) semaphore(%arg12 : memref<!tpu.dma_semaphore, #tpu.memory_space<semaphore_mem>>)
      %dma_wait3A_62 = arith.constant 2 : i32
      %dma_wait3A_63 = arith.constant 0 : i32
      %dma_wait3A_64 = tpu.memref_slice %arg7[%dma_wait3A_62, %dma_wait3A_63] : memref<40x128xi32, #tpu.memory_space<vmem>> -> memref<1x128xi32, #tpu.memory_space<vmem>>
      %dma_wait3A_65 = tpu.memref_squeeze %dma_wait3A_64 : memref<1x128xi32, #tpu.memory_space<vmem>> -> memref<128xi32, #tpu.memory_space<vmem>>
      %dma_wait3A_66 = arith.constant 0 : i32
      %dma_wait3A_67 = arith.constant 0 : i32
      %dma_wait3A_68 = tpu.memref_slice %arg4[%dma_wait3A_66, %dma_wait3A_67] : memref<10112x128xf32, #tpu.memory_space<hbm>> -> memref<10112x128xf32, #tpu.memory_space<hbm>>
      tpu.wait_indirect_dma semaphore(%arg11 : memref<!tpu.dma_semaphore, #tpu.memory_space<semaphore_mem>>) src(%dma_wait3A_68 : memref<10112x128xf32, #tpu.memory_space<hbm>>) dst(%arg9 : memref<128x128xf32, #tpu.memory_space<vmem>>)
      %run_scoped3A_69 = arith.constant 2 : i32
      "tpu.region"() ({
        %run_scoped3A_618 = tpu.sem_alloc : memref<!tpu.dma_semaphore, #tpu.memory_space<semaphore_mem>>
        %dma_start3A_619 = arith.constant 0 : i32
        %dma_start3A_620 = tpu.memref_slice %arg8[%run_scoped3A_69, %dma_start3A_619] : memref<40x128xi32, #tpu.memory_space<vmem>> -> memref<1x128xi32, #tpu.memory_space<vmem>>
        %dma_start3A_621 = tpu.memref_squeeze %dma_start3A_620 : memref<1x128xi32, #tpu.memory_space<vmem>> -> memref<128xi32, #tpu.memory_space<vmem>>
        %dma_start3A_622 = arith.constant 0 : i32
        %dma_start3A_623 = arith.constant 0 : i32
        %dma_start3A_624 = tpu.memref_slice %arg13[%dma_start3A_622, %dma_start3A_623] : memref<10112x128xf32, #tpu.memory_space<vmem_shared>> -> memref<10112x128xf32, #tpu.memory_space<vmem_shared>>
        tpu.enqueue_indirect_dma source(%arg9 : memref<128x128xf32, #tpu.memory_space<vmem>>) target(%dma_start3A_624 : memref<10112x128xf32, #tpu.memory_space<vmem_shared>>) offsets(%dma_start3A_621 : memref<128xi32, #tpu.memory_space<vmem>>) semaphore(%run_scoped3A_618 : memref<!tpu.dma_semaphore, #tpu.memory_space<semaphore_mem>>) {add = true}
        %dma_wait3A_625 = arith.constant 0 : i32
        %dma_wait3A_626 = tpu.memref_slice %arg8[%run_scoped3A_69, %dma_wait3A_625] : memref<40x128xi32, #tpu.memory_space<vmem>> -> memref<1x128xi32, #tpu.memory_space<vmem>>
        %dma_wait3A_627 = tpu.memref_squeeze %dma_wait3A_626 : memref<1x128xi32, #tpu.memory_space<vmem>> -> memref<128xi32, #tpu.memory_space<vmem>>
        %dma_wait3A_628 = arith.constant 0 : i32
        %dma_wait3A_629 = arith.constant 0 : i32
        %dma_wait3A_630 = tpu.memref_slice %arg13[%dma_wait3A_628, %dma_wait3A_629] : memref<10112x128xf32, #tpu.memory_space<vmem_shared>> -> memref<10112x128xf32, #tpu.memory_space<vmem_shared>>
        tpu.wait_indirect_dma semaphore(%run_scoped3A_618 : memref<!tpu.dma_semaphore, #tpu.memory_space<semaphore_mem>>) src(%arg9 : memref<128x128xf32, #tpu.memory_space<vmem>>) dst(%dma_wait3A_630 : memref<10112x128xf32, #tpu.memory_space<vmem_shared>>)
        tpu.yield
      }) : () -> ()
      %dma_start3A_70 = arith.constant 4 : i32
      %dma_start3A_71 = arith.constant 0 : i32
      %dma_start3A_72 = tpu.memref_slice %arg7[%dma_start3A_70, %dma_start3A_71] : memref<40x128xi32, #tpu.memory_space<vmem>> -> memref<1x128xi32, #tpu.memory_space<vmem>>
      %dma_start3A_73 = tpu.memref_squeeze %dma_start3A_72 : memref<1x128xi32, #tpu.memory_space<vmem>> -> memref<128xi32, #tpu.memory_space<vmem>>
      %dma_start3A_74 = arith.constant 0 : i32
      %dma_start3A_75 = arith.constant 0 : i32
      %dma_start3A_76 = tpu.memref_slice %arg4[%dma_start3A_74, %dma_start3A_75] : memref<10112x128xf32, #tpu.memory_space<hbm>> -> memref<10112x128xf32, #tpu.memory_space<hbm>>
      tpu.enqueue_indirect_dma source(%dma_start3A_76 : memref<10112x128xf32, #tpu.memory_space<hbm>>) target(%arg9 : memref<128x128xf32, #tpu.memory_space<vmem>>) offsets(%dma_start3A_73 : memref<128xi32, #tpu.memory_space<vmem>>) semaphore(%arg11 : memref<!tpu.dma_semaphore, #tpu.memory_space<semaphore_mem>>)
      %dma_wait3A_77 = arith.constant 3 : i32
      %dma_wait3A_78 = arith.constant 0 : i32
      %dma_wait3A_79 = tpu.memref_slice %arg7[%dma_wait3A_77, %dma_wait3A_78] : memref<40x128xi32, #tpu.memory_space<vmem>> -> memref<1x128xi32, #tpu.memory_space<vmem>>
      %dma_wait3A_80 = tpu.memref_squeeze %dma_wait3A_79 : memref<1x128xi32, #tpu.memory_space<vmem>> -> memref<128xi32, #tpu.memory_space<vmem>>
      %dma_wait3A_81 = arith.constant 0 : i32
      %dma_wait3A_82 = arith.constant 0 : i32
      %dma_wait3A_83 = tpu.memref_slice %arg4[%dma_wait3A_81, %dma_wait3A_82] : memref<10112x128xf32, #tpu.memory_space<hbm>> -> memref<10112x128xf32, #tpu.memory_space<hbm>>
      tpu.wait_indirect_dma semaphore(%arg12 : memref<!tpu.dma_semaphore, #tpu.memory_space<semaphore_mem>>) src(%dma_wait3A_83 : memref<10112x128xf32, #tpu.memory_space<hbm>>) dst(%arg10 : memref<128x128xf32, #tpu.memory_space<vmem>>)
      %run_scoped3A_84 = arith.constant 3 : i32
      "tpu.region"() ({
        %run_scoped3A_618 = tpu.sem_alloc : memref<!tpu.dma_semaphore, #tpu.memory_space<semaphore_mem>>
        %dma_start3A_619 = arith.constant 0 : i32
        %dma_start3A_620 = tpu.memref_slice %arg8[%run_scoped3A_84, %dma_start3A_619] : memref<40x128xi32, #tpu.memory_space<vmem>> -> memref<1x128xi32, #tpu.memory_space<vmem>>
        %dma_start3A_621 = tpu.memref_squeeze %dma_start3A_620 : memref<1x128xi32, #tpu.memory_space<vmem>> -> memref<128xi32, #tpu.memory_space<vmem>>
        %dma_start3A_622 = arith.constant 0 : i32
        %dma_start3A_623 = arith.constant 0 : i32
        %dma_start3A_624 = tpu.memref_slice %arg13[%dma_start3A_622, %dma_start3A_623] : memref<10112x128xf32, #tpu.memory_space<vmem_shared>> -> memref<10112x128xf32, #tpu.memory_space<vmem_shared>>
        tpu.enqueue_indirect_dma source(%arg10 : memref<128x128xf32, #tpu.memory_space<vmem>>) target(%dma_start3A_624 : memref<10112x128xf32, #tpu.memory_space<vmem_shared>>) offsets(%dma_start3A_621 : memref<128xi32, #tpu.memory_space<vmem>>) semaphore(%run_scoped3A_618 : memref<!tpu.dma_semaphore, #tpu.memory_space<semaphore_mem>>) {add = true}
        %dma_wait3A_625 = arith.constant 0 : i32
        %dma_wait3A_626 = tpu.memref_slice %arg8[%run_scoped3A_84, %dma_wait3A_625] : memref<40x128xi32, #tpu.memory_space<vmem>> -> memref<1x128xi32, #tpu.memory_space<vmem>>
        %dma_wait3A_627 = tpu.memref_squeeze %dma_wait3A_626 : memref<1x128xi32, #tpu.memory_space<vmem>> -> memref<128xi32, #tpu.memory_space<vmem>>
        %dma_wait3A_628 = arith.constant 0 : i32
        %dma_wait3A_629 = arith.constant 0 : i32
        %dma_wait3A_630 = tpu.memref_slice %arg13[%dma_wait3A_628, %dma_wait3A_629] : memref<10112x128xf32, #tpu.memory_space<vmem_shared>> -> memref<10112x128xf32, #tpu.memory_space<vmem_shared>>
        tpu.wait_indirect_dma semaphore(%run_scoped3A_618 : memref<!tpu.dma_semaphore, #tpu.memory_space<semaphore_mem>>) src(%arg10 : memref<128x128xf32, #tpu.memory_space<vmem>>) dst(%dma_wait3A_630 : memref<10112x128xf32, #tpu.memory_space<vmem_shared>>)
        tpu.yield
      }) : () -> ()
      %dma_start3A_85 = arith.constant 5 : i32
      %dma_start3A_86 = arith.constant 0 : i32
      %dma_start3A_87 = tpu.memref_slice %arg7[%dma_start3A_85, %dma_start3A_86] : memref<40x128xi32, #tpu.memory_space<vmem>> -> memref<1x128xi32, #tpu.memory_space<vmem>>
      %dma_start3A_88 = tpu.memref_squeeze %dma_start3A_87 : memref<1x128xi32, #tpu.memory_space<vmem>> -> memref<128xi32, #tpu.memory_space<vmem>>
      %dma_start3A_89 = arith.constant 0 : i32
      %dma_start3A_90 = arith.constant 0 : i32
      %dma_start3A_91 = tpu.memref_slice %arg4[%dma_start3A_89, %dma_start3A_90] : memref<10112x128xf32, #tpu.memory_space<hbm>> -> memref<10112x128xf32, #tpu.memory_space<hbm>>
      tpu.enqueue_indirect_dma source(%dma_start3A_91 : memref<10112x128xf32, #tpu.memory_space<hbm>>) target(%arg10 : memref<128x128xf32, #tpu.memory_space<vmem>>) offsets(%dma_start3A_88 : memref<128xi32, #tpu.memory_space<vmem>>) semaphore(%arg12 : memref<!tpu.dma_semaphore, #tpu.memory_space<semaphore_mem>>)
      %dma_wait3A_92 = arith.constant 4 : i32
      %dma_wait3A_93 = arith.constant 0 : i32
      %dma_wait3A_94 = tpu.memref_slice %arg7[%dma_wait3A_92, %dma_wait3A_93] : memref<40x128xi32, #tpu.memory_space<vmem>> -> memref<1x128xi32, #tpu.memory_space<vmem>>
      %dma_wait3A_95 = tpu.memref_squeeze %dma_wait3A_94 : memref<1x128xi32, #tpu.memory_space<vmem>> -> memref<128xi32, #tpu.memory_space<vmem>>
      %dma_wait3A_96 = arith.constant 0 : i32
      %dma_wait3A_97 = arith.constant 0 : i32
      %dma_wait3A_98 = tpu.memref_slice %arg4[%dma_wait3A_96, %dma_wait3A_97] : memref<10112x128xf32, #tpu.memory_space<hbm>> -> memref<10112x128xf32, #tpu.memory_space<hbm>>
      tpu.wait_indirect_dma semaphore(%arg11 : memref<!tpu.dma_semaphore, #tpu.memory_space<semaphore_mem>>) src(%dma_wait3A_98 : memref<10112x128xf32, #tpu.memory_space<hbm>>) dst(%arg9 : memref<128x128xf32, #tpu.memory_space<vmem>>)
      %run_scoped3A_99 = arith.constant 4 : i32
      "tpu.region"() ({
        %run_scoped3A_618 = tpu.sem_alloc : memref<!tpu.dma_semaphore, #tpu.memory_space<semaphore_mem>>
        %dma_start3A_619 = arith.constant 0 : i32
        %dma_start3A_620 = tpu.memref_slice %arg8[%run_scoped3A_99, %dma_start3A_619] : memref<40x128xi32, #tpu.memory_space<vmem>> -> memref<1x128xi32, #tpu.memory_space<vmem>>
        %dma_start3A_621 = tpu.memref_squeeze %dma_start3A_620 : memref<1x128xi32, #tpu.memory_space<vmem>> -> memref<128xi32, #tpu.memory_space<vmem>>
        %dma_start3A_622 = arith.constant 0 : i32
        %dma_start3A_623 = arith.constant 0 : i32
        %dma_start3A_624 = tpu.memref_slice %arg13[%dma_start3A_622, %dma_start3A_623] : memref<10112x128xf32, #tpu.memory_space<vmem_shared>> -> memref<10112x128xf32, #tpu.memory_space<vmem_shared>>
        tpu.enqueue_indirect_dma source(%arg9 : memref<128x128xf32, #tpu.memory_space<vmem>>) target(%dma_start3A_624 : memref<10112x128xf32, #tpu.memory_space<vmem_shared>>) offsets(%dma_start3A_621 : memref<128xi32, #tpu.memory_space<vmem>>) semaphore(%run_scoped3A_618 : memref<!tpu.dma_semaphore, #tpu.memory_space<semaphore_mem>>) {add = true}
        %dma_wait3A_625 = arith.constant 0 : i32
        %dma_wait3A_626 = tpu.memref_slice %arg8[%run_scoped3A_99, %dma_wait3A_625] : memref<40x128xi32, #tpu.memory_space<vmem>> -> memref<1x128xi32, #tpu.memory_space<vmem>>
        %dma_wait3A_627 = tpu.memref_squeeze %dma_wait3A_626 : memref<1x128xi32, #tpu.memory_space<vmem>> -> memref<128xi32, #tpu.memory_space<vmem>>
        %dma_wait3A_628 = arith.constant 0 : i32
        %dma_wait3A_629 = arith.constant 0 : i32
        %dma_wait3A_630 = tpu.memref_slice %arg13[%dma_wait3A_628, %dma_wait3A_629] : memref<10112x128xf32, #tpu.memory_space<vmem_shared>> -> memref<10112x128xf32, #tpu.memory_space<vmem_shared>>
        tpu.wait_indirect_dma semaphore(%run_scoped3A_618 : memref<!tpu.dma_semaphore, #tpu.memory_space<semaphore_mem>>) src(%arg9 : memref<128x128xf32, #tpu.memory_space<vmem>>) dst(%dma_wait3A_630 : memref<10112x128xf32, #tpu.memory_space<vmem_shared>>)
        tpu.yield
      }) : () -> ()
      %dma_start3A_100 = arith.constant 6 : i32
      %dma_start3A_101 = arith.constant 0 : i32
      %dma_start3A_102 = tpu.memref_slice %arg7[%dma_start3A_100, %dma_start3A_101] : memref<40x128xi32, #tpu.memory_space<vmem>> -> memref<1x128xi32, #tpu.memory_space<vmem>>
      %dma_start3A_103 = tpu.memref_squeeze %dma_start3A_102 : memref<1x128xi32, #tpu.memory_space<vmem>> -> memref<128xi32, #tpu.memory_space<vmem>>
      %dma_start3A_104 = arith.constant 0 : i32
      %dma_start3A_105 = arith.constant 0 : i32
      %dma_start3A_106 = tpu.memref_slice %arg4[%dma_start3A_104, %dma_start3A_105] : memref<10112x128xf32, #tpu.memory_space<hbm>> -> memref<10112x128xf32, #tpu.memory_space<hbm>>
      tpu.enqueue_indirect_dma source(%dma_start3A_106 : memref<10112x128xf32, #tpu.memory_space<hbm>>) target(%arg9 : memref<128x128xf32, #tpu.memory_space<vmem>>) offsets(%dma_start3A_103 : memref<128xi32, #tpu.memory_space<vmem>>) semaphore(%arg11 : memref<!tpu.dma_semaphore, #tpu.memory_space<semaphore_mem>>)
      %dma_wait3A_107 = arith.constant 5 : i32
      %dma_wait3A_108 = arith.constant 0 : i32
      %dma_wait3A_109 = tpu.memref_slice %arg7[%dma_wait3A_107, %dma_wait3A_108] : memref<40x128xi32, #tpu.memory_space<vmem>> -> memref<1x128xi32, #tpu.memory_space<vmem>>
      %dma_wait3A_110 = tpu.memref_squeeze %dma_wait3A_109 : memref<1x128xi32, #tpu.memory_space<vmem>> -> memref<128xi32, #tpu.memory_space<vmem>>
      %dma_wait3A_111 = arith.constant 0 : i32
      %dma_wait3A_112 = arith.constant 0 : i32
      %dma_wait3A_113 = tpu.memref_slice %arg4[%dma_wait3A_111, %dma_wait3A_112] : memref<10112x128xf32, #tpu.memory_space<hbm>> -> memref<10112x128xf32, #tpu.memory_space<hbm>>
      tpu.wait_indirect_dma semaphore(%arg12 : memref<!tpu.dma_semaphore, #tpu.memory_space<semaphore_mem>>) src(%dma_wait3A_113 : memref<10112x128xf32, #tpu.memory_space<hbm>>) dst(%arg10 : memref<128x128xf32, #tpu.memory_space<vmem>>)
      %run_scoped3A_114 = arith.constant 5 : i32
      "tpu.region"() ({
        %run_scoped3A_618 = tpu.sem_alloc : memref<!tpu.dma_semaphore, #tpu.memory_space<semaphore_mem>>
        %dma_start3A_619 = arith.constant 0 : i32
        %dma_start3A_620 = tpu.memref_slice %arg8[%run_scoped3A_114, %dma_start3A_619] : memref<40x128xi32, #tpu.memory_space<vmem>> -> memref<1x128xi32, #tpu.memory_space<vmem>>
        %dma_start3A_621 = tpu.memref_squeeze %dma_start3A_620 : memref<1x128xi32, #tpu.memory_space<vmem>> -> memref<128xi32, #tpu.memory_space<vmem>>
        %dma_start3A_622 = arith.constant 0 : i32
        %dma_start3A_623 = arith.constant 0 : i32
        %dma_start3A_624 = tpu.memref_slice %arg13[%dma_start3A_622, %dma_start3A_623] : memref<10112x128xf32, #tpu.memory_space<vmem_shared>> -> memref<10112x128xf32, #tpu.memory_space<vmem_shared>>
        tpu.enqueue_indirect_dma source(%arg10 : memref<128x128xf32, #tpu.memory_space<vmem>>) target(%dma_start3A_624 : memref<10112x128xf32, #tpu.memory_space<vmem_shared>>) offsets(%dma_start3A_621 : memref<128xi32, #tpu.memory_space<vmem>>) semaphore(%run_scoped3A_618 : memref<!tpu.dma_semaphore, #tpu.memory_space<semaphore_mem>>) {add = true}
        %dma_wait3A_625 = arith.constant 0 : i32
        %dma_wait3A_626 = tpu.memref_slice %arg8[%run_scoped3A_114, %dma_wait3A_625] : memref<40x128xi32, #tpu.memory_space<vmem>> -> memref<1x128xi32, #tpu.memory_space<vmem>>
        %dma_wait3A_627 = tpu.memref_squeeze %dma_wait3A_626 : memref<1x128xi32, #tpu.memory_space<vmem>> -> memref<128xi32, #tpu.memory_space<vmem>>
        %dma_wait3A_628 = arith.constant 0 : i32
        %dma_wait3A_629 = arith.constant 0 : i32
        %dma_wait3A_630 = tpu.memref_slice %arg13[%dma_wait3A_628, %dma_wait3A_629] : memref<10112x128xf32, #tpu.memory_space<vmem_shared>> -> memref<10112x128xf32, #tpu.memory_space<vmem_shared>>
        tpu.wait_indirect_dma semaphore(%run_scoped3A_618 : memref<!tpu.dma_semaphore, #tpu.memory_space<semaphore_mem>>) src(%arg10 : memref<128x128xf32, #tpu.memory_space<vmem>>) dst(%dma_wait3A_630 : memref<10112x128xf32, #tpu.memory_space<vmem_shared>>)
        tpu.yield
      }) : () -> ()
      %dma_start3A_115 = arith.constant 7 : i32
      %dma_start3A_116 = arith.constant 0 : i32
      %dma_start3A_117 = tpu.memref_slice %arg7[%dma_start3A_115, %dma_start3A_116] : memref<40x128xi32, #tpu.memory_space<vmem>> -> memref<1x128xi32, #tpu.memory_space<vmem>>
      %dma_start3A_118 = tpu.memref_squeeze %dma_start3A_117 : memref<1x128xi32, #tpu.memory_space<vmem>> -> memref<128xi32, #tpu.memory_space<vmem>>
      %dma_start3A_119 = arith.constant 0 : i32
      %dma_start3A_120 = arith.constant 0 : i32
      %dma_start3A_121 = tpu.memref_slice %arg4[%dma_start3A_119, %dma_start3A_120] : memref<10112x128xf32, #tpu.memory_space<hbm>> -> memref<10112x128xf32, #tpu.memory_space<hbm>>
      tpu.enqueue_indirect_dma source(%dma_start3A_121 : memref<10112x128xf32, #tpu.memory_space<hbm>>) target(%arg10 : memref<128x128xf32, #tpu.memory_space<vmem>>) offsets(%dma_start3A_118 : memref<128xi32, #tpu.memory_space<vmem>>) semaphore(%arg12 : memref<!tpu.dma_semaphore, #tpu.memory_space<semaphore_mem>>)
      %dma_wait3A_122 = arith.constant 6 : i32
      %dma_wait3A_123 = arith.constant 0 : i32
      %dma_wait3A_124 = tpu.memref_slice %arg7[%dma_wait3A_122, %dma_wait3A_123] : memref<40x128xi32, #tpu.memory_space<vmem>> -> memref<1x128xi32, #tpu.memory_space<vmem>>
      %dma_wait3A_125 = tpu.memref_squeeze %dma_wait3A_124 : memref<1x128xi32, #tpu.memory_space<vmem>> -> memref<128xi32, #tpu.memory_space<vmem>>
      %dma_wait3A_126 = arith.constant 0 : i32
      %dma_wait3A_127 = arith.constant 0 : i32
      %dma_wait3A_128 = tpu.memref_slice %arg4[%dma_wait3A_126, %dma_wait3A_127] : memref<10112x128xf32, #tpu.memory_space<hbm>> -> memref<10112x128xf32, #tpu.memory_space<hbm>>
      tpu.wait_indirect_dma semaphore(%arg11 : memref<!tpu.dma_semaphore, #tpu.memory_space<semaphore_mem>>) src(%dma_wait3A_128 : memref<10112x128xf32, #tpu.memory_space<hbm>>) dst(%arg9 : memref<128x128xf32, #tpu.memory_space<vmem>>)
      %run_scoped3A_129 = arith.constant 6 : i32
      "tpu.region"() ({
        %run_scoped3A_618 = tpu.sem_alloc : memref<!tpu.dma_semaphore, #tpu.memory_space<semaphore_mem>>
        %dma_start3A_619 = arith.constant 0 : i32
        %dma_start3A_620 = tpu.memref_slice %arg8[%run_scoped3A_129, %dma_start3A_619] : memref<40x128xi32, #tpu.memory_space<vmem>> -> memref<1x128xi32, #tpu.memory_space<vmem>>
        %dma_start3A_621 = tpu.memref_squeeze %dma_start3A_620 : memref<1x128xi32, #tpu.memory_space<vmem>> -> memref<128xi32, #tpu.memory_space<vmem>>
        %dma_start3A_622 = arith.constant 0 : i32
        %dma_start3A_623 = arith.constant 0 : i32
        %dma_start3A_624 = tpu.memref_slice %arg13[%dma_start3A_622, %dma_start3A_623] : memref<10112x128xf32, #tpu.memory_space<vmem_shared>> -> memref<10112x128xf32, #tpu.memory_space<vmem_shared>>
        tpu.enqueue_indirect_dma source(%arg9 : memref<128x128xf32, #tpu.memory_space<vmem>>) target(%dma_start3A_624 : memref<10112x128xf32, #tpu.memory_space<vmem_shared>>) offsets(%dma_start3A_621 : memref<128xi32, #tpu.memory_space<vmem>>) semaphore(%run_scoped3A_618 : memref<!tpu.dma_semaphore, #tpu.memory_space<semaphore_mem>>) {add = true}
        %dma_wait3A_625 = arith.constant 0 : i32
        %dma_wait3A_626 = tpu.memref_slice %arg8[%run_scoped3A_129, %dma_wait3A_625] : memref<40x128xi32, #tpu.memory_space<vmem>> -> memref<1x128xi32, #tpu.memory_space<vmem>>
        %dma_wait3A_627 = tpu.memref_squeeze %dma_wait3A_626 : memref<1x128xi32, #tpu.memory_space<vmem>> -> memref<128xi32, #tpu.memory_space<vmem>>
        %dma_wait3A_628 = arith.constant 0 : i32
        %dma_wait3A_629 = arith.constant 0 : i32
        %dma_wait3A_630 = tpu.memref_slice %arg13[%dma_wait3A_628, %dma_wait3A_629] : memref<10112x128xf32, #tpu.memory_space<vmem_shared>> -> memref<10112x128xf32, #tpu.memory_space<vmem_shared>>
        tpu.wait_indirect_dma semaphore(%run_scoped3A_618 : memref<!tpu.dma_semaphore, #tpu.memory_space<semaphore_mem>>) src(%arg9 : memref<128x128xf32, #tpu.memory_space<vmem>>) dst(%dma_wait3A_630 : memref<10112x128xf32, #tpu.memory_space<vmem_shared>>)
        tpu.yield
      }) : () -> ()
      %dma_start3A_130 = arith.constant 8 : i32
      %dma_start3A_131 = arith.constant 0 : i32
      %dma_start3A_132 = tpu.memref_slice %arg7[%dma_start3A_130, %dma_start3A_131] : memref<40x128xi32, #tpu.memory_space<vmem>> -> memref<1x128xi32, #tpu.memory_space<vmem>>
      %dma_start3A_133 = tpu.memref_squeeze %dma_start3A_132 : memref<1x128xi32, #tpu.memory_space<vmem>> -> memref<128xi32, #tpu.memory_space<vmem>>
      %dma_start3A_134 = arith.constant 0 : i32
      %dma_start3A_135 = arith.constant 0 : i32
      %dma_start3A_136 = tpu.memref_slice %arg4[%dma_start3A_134, %dma_start3A_135] : memref<10112x128xf32, #tpu.memory_space<hbm>> -> memref<10112x128xf32, #tpu.memory_space<hbm>>
      tpu.enqueue_indirect_dma source(%dma_start3A_136 : memref<10112x128xf32, #tpu.memory_space<hbm>>) target(%arg9 : memref<128x128xf32, #tpu.memory_space<vmem>>) offsets(%dma_start3A_133 : memref<128xi32, #tpu.memory_space<vmem>>) semaphore(%arg11 : memref<!tpu.dma_semaphore, #tpu.memory_space<semaphore_mem>>)
      %dma_wait3A_137 = arith.constant 7 : i32
      %dma_wait3A_138 = arith.constant 0 : i32
      %dma_wait3A_139 = tpu.memref_slice %arg7[%dma_wait3A_137, %dma_wait3A_138] : memref<40x128xi32, #tpu.memory_space<vmem>> -> memref<1x128xi32, #tpu.memory_space<vmem>>
      %dma_wait3A_140 = tpu.memref_squeeze %dma_wait3A_139 : memref<1x128xi32, #tpu.memory_space<vmem>> -> memref<128xi32, #tpu.memory_space<vmem>>
      %dma_wait3A_141 = arith.constant 0 : i32
      %dma_wait3A_142 = arith.constant 0 : i32
      %dma_wait3A_143 = tpu.memref_slice %arg4[%dma_wait3A_141, %dma_wait3A_142] : memref<10112x128xf32, #tpu.memory_space<hbm>> -> memref<10112x128xf32, #tpu.memory_space<hbm>>
      tpu.wait_indirect_dma semaphore(%arg12 : memref<!tpu.dma_semaphore, #tpu.memory_space<semaphore_mem>>) src(%dma_wait3A_143 : memref<10112x128xf32, #tpu.memory_space<hbm>>) dst(%arg10 : memref<128x128xf32, #tpu.memory_space<vmem>>)
      %run_scoped3A_144 = arith.constant 7 : i32
      "tpu.region"() ({
        %run_scoped3A_618 = tpu.sem_alloc : memref<!tpu.dma_semaphore, #tpu.memory_space<semaphore_mem>>
        %dma_start3A_619 = arith.constant 0 : i32
        %dma_start3A_620 = tpu.memref_slice %arg8[%run_scoped3A_144, %dma_start3A_619] : memref<40x128xi32, #tpu.memory_space<vmem>> -> memref<1x128xi32, #tpu.memory_space<vmem>>
        %dma_start3A_621 = tpu.memref_squeeze %dma_start3A_620 : memref<1x128xi32, #tpu.memory_space<vmem>> -> memref<128xi32, #tpu.memory_space<vmem>>
        %dma_start3A_622 = arith.constant 0 : i32
        %dma_start3A_623 = arith.constant 0 : i32
        %dma_start3A_624 = tpu.memref_slice %arg13[%dma_start3A_622, %dma_start3A_623] : memref<10112x128xf32, #tpu.memory_space<vmem_shared>> -> memref<10112x128xf32, #tpu.memory_space<vmem_shared>>
        tpu.enqueue_indirect_dma source(%arg10 : memref<128x128xf32, #tpu.memory_space<vmem>>) target(%dma_start3A_624 : memref<10112x128xf32, #tpu.memory_space<vmem_shared>>) offsets(%dma_start3A_621 : memref<128xi32, #tpu.memory_space<vmem>>) semaphore(%run_scoped3A_618 : memref<!tpu.dma_semaphore, #tpu.memory_space<semaphore_mem>>) {add = true}
        %dma_wait3A_625 = arith.constant 0 : i32
        %dma_wait3A_626 = tpu.memref_slice %arg8[%run_scoped3A_144, %dma_wait3A_625] : memref<40x128xi32, #tpu.memory_space<vmem>> -> memref<1x128xi32, #tpu.memory_space<vmem>>
        %dma_wait3A_627 = tpu.memref_squeeze %dma_wait3A_626 : memref<1x128xi32, #tpu.memory_space<vmem>> -> memref<128xi32, #tpu.memory_space<vmem>>
        %dma_wait3A_628 = arith.constant 0 : i32
        %dma_wait3A_629 = arith.constant 0 : i32
        %dma_wait3A_630 = tpu.memref_slice %arg13[%dma_wait3A_628, %dma_wait3A_629] : memref<10112x128xf32, #tpu.memory_space<vmem_shared>> -> memref<10112x128xf32, #tpu.memory_space<vmem_shared>>
        tpu.wait_indirect_dma semaphore(%run_scoped3A_618 : memref<!tpu.dma_semaphore, #tpu.memory_space<semaphore_mem>>) src(%arg10 : memref<128x128xf32, #tpu.memory_space<vmem>>) dst(%dma_wait3A_630 : memref<10112x128xf32, #tpu.memory_space<vmem_shared>>)
        tpu.yield
      }) : () -> ()
      %dma_start3A_145 = arith.constant 9 : i32
      %dma_start3A_146 = arith.constant 0 : i32
      %dma_start3A_147 = tpu.memref_slice %arg7[%dma_start3A_145, %dma_start3A_146] : memref<40x128xi32, #tpu.memory_space<vmem>> -> memref<1x128xi32, #tpu.memory_space<vmem>>
      %dma_start3A_148 = tpu.memref_squeeze %dma_start3A_147 : memref<1x128xi32, #tpu.memory_space<vmem>> -> memref<128xi32, #tpu.memory_space<vmem>>
      %dma_start3A_149 = arith.constant 0 : i32
      %dma_start3A_150 = arith.constant 0 : i32
      %dma_start3A_151 = tpu.memref_slice %arg4[%dma_start3A_149, %dma_start3A_150] : memref<10112x128xf32, #tpu.memory_space<hbm>> -> memref<10112x128xf32, #tpu.memory_space<hbm>>
      tpu.enqueue_indirect_dma source(%dma_start3A_151 : memref<10112x128xf32, #tpu.memory_space<hbm>>) target(%arg10 : memref<128x128xf32, #tpu.memory_space<vmem>>) offsets(%dma_start3A_148 : memref<128xi32, #tpu.memory_space<vmem>>) semaphore(%arg12 : memref<!tpu.dma_semaphore, #tpu.memory_space<semaphore_mem>>)
      %dma_wait3A_152 = arith.constant 8 : i32
      %dma_wait3A_153 = arith.constant 0 : i32
      %dma_wait3A_154 = tpu.memref_slice %arg7[%dma_wait3A_152, %dma_wait3A_153] : memref<40x128xi32, #tpu.memory_space<vmem>> -> memref<1x128xi32, #tpu.memory_space<vmem>>
      %dma_wait3A_155 = tpu.memref_squeeze %dma_wait3A_154 : memref<1x128xi32, #tpu.memory_space<vmem>> -> memref<128xi32, #tpu.memory_space<vmem>>
      %dma_wait3A_156 = arith.constant 0 : i32
      %dma_wait3A_157 = arith.constant 0 : i32
      %dma_wait3A_158 = tpu.memref_slice %arg4[%dma_wait3A_156, %dma_wait3A_157] : memref<10112x128xf32, #tpu.memory_space<hbm>> -> memref<10112x128xf32, #tpu.memory_space<hbm>>
      tpu.wait_indirect_dma semaphore(%arg11 : memref<!tpu.dma_semaphore, #tpu.memory_space<semaphore_mem>>) src(%dma_wait3A_158 : memref<10112x128xf32, #tpu.memory_space<hbm>>) dst(%arg9 : memref<128x128xf32, #tpu.memory_space<vmem>>)
      %run_scoped3A_159 = arith.constant 8 : i32
      "tpu.region"() ({
        %run_scoped3A_618 = tpu.sem_alloc : memref<!tpu.dma_semaphore, #tpu.memory_space<semaphore_mem>>
        %dma_start3A_619 = arith.constant 0 : i32
        %dma_start3A_620 = tpu.memref_slice %arg8[%run_scoped3A_159, %dma_start3A_619] : memref<40x128xi32, #tpu.memory_space<vmem>> -> memref<1x128xi32, #tpu.memory_space<vmem>>
        %dma_start3A_621 = tpu.memref_squeeze %dma_start3A_620 : memref<1x128xi32, #tpu.memory_space<vmem>> -> memref<128xi32, #tpu.memory_space<vmem>>
        %dma_start3A_622 = arith.constant 0 : i32
        %dma_start3A_623 = arith.constant 0 : i32
        %dma_start3A_624 = tpu.memref_slice %arg13[%dma_start3A_622, %dma_start3A_623] : memref<10112x128xf32, #tpu.memory_space<vmem_shared>> -> memref<10112x128xf32, #tpu.memory_space<vmem_shared>>
        tpu.enqueue_indirect_dma source(%arg9 : memref<128x128xf32, #tpu.memory_space<vmem>>) target(%dma_start3A_624 : memref<10112x128xf32, #tpu.memory_space<vmem_shared>>) offsets(%dma_start3A_621 : memref<128xi32, #tpu.memory_space<vmem>>) semaphore(%run_scoped3A_618 : memref<!tpu.dma_semaphore, #tpu.memory_space<semaphore_mem>>) {add = true}
        %dma_wait3A_625 = arith.constant 0 : i32
        %dma_wait3A_626 = tpu.memref_slice %arg8[%run_scoped3A_159, %dma_wait3A_625] : memref<40x128xi32, #tpu.memory_space<vmem>> -> memref<1x128xi32, #tpu.memory_space<vmem>>
        %dma_wait3A_627 = tpu.memref_squeeze %dma_wait3A_626 : memref<1x128xi32, #tpu.memory_space<vmem>> -> memref<128xi32, #tpu.memory_space<vmem>>
        %dma_wait3A_628 = arith.constant 0 : i32
        %dma_wait3A_629 = arith.constant 0 : i32
        %dma_wait3A_630 = tpu.memref_slice %arg13[%dma_wait3A_628, %dma_wait3A_629] : memref<10112x128xf32, #tpu.memory_space<vmem_shared>> -> memref<10112x128xf32, #tpu.memory_space<vmem_shared>>
        tpu.wait_indirect_dma semaphore(%run_scoped3A_618 : memref<!tpu.dma_semaphore, #tpu.memory_space<semaphore_mem>>) src(%arg9 : memref<128x128xf32, #tpu.memory_space<vmem>>) dst(%dma_wait3A_630 : memref<10112x128xf32, #tpu.memory_space<vmem_shared>>)
        tpu.yield
      }) : () -> ()
      %dma_start3A_160 = arith.constant 10 : i32
      %dma_start3A_161 = arith.constant 0 : i32
      %dma_start3A_162 = tpu.memref_slice %arg7[%dma_start3A_160, %dma_start3A_161] : memref<40x128xi32, #tpu.memory_space<vmem>> -> memref<1x128xi32, #tpu.memory_space<vmem>>
      %dma_start3A_163 = tpu.memref_squeeze %dma_start3A_162 : memref<1x128xi32, #tpu.memory_space<vmem>> -> memref<128xi32, #tpu.memory_space<vmem>>
      %dma_start3A_164 = arith.constant 0 : i32
      %dma_start3A_165 = arith.constant 0 : i32
      %dma_start3A_166 = tpu.memref_slice %arg4[%dma_start3A_164, %dma_start3A_165] : memref<10112x128xf32, #tpu.memory_space<hbm>> -> memref<10112x128xf32, #tpu.memory_space<hbm>>
      tpu.enqueue_indirect_dma source(%dma_start3A_166 : memref<10112x128xf32, #tpu.memory_space<hbm>>) target(%arg9 : memref<128x128xf32, #tpu.memory_space<vmem>>) offsets(%dma_start3A_163 : memref<128xi32, #tpu.memory_space<vmem>>) semaphore(%arg11 : memref<!tpu.dma_semaphore, #tpu.memory_space<semaphore_mem>>)
      %dma_wait3A_167 = arith.constant 9 : i32
      %dma_wait3A_168 = arith.constant 0 : i32
      %dma_wait3A_169 = tpu.memref_slice %arg7[%dma_wait3A_167, %dma_wait3A_168] : memref<40x128xi32, #tpu.memory_space<vmem>> -> memref<1x128xi32, #tpu.memory_space<vmem>>
      %dma_wait3A_170 = tpu.memref_squeeze %dma_wait3A_169 : memref<1x128xi32, #tpu.memory_space<vmem>> -> memref<128xi32, #tpu.memory_space<vmem>>
      %dma_wait3A_171 = arith.constant 0 : i32
      %dma_wait3A_172 = arith.constant 0 : i32
      %dma_wait3A_173 = tpu.memref_slice %arg4[%dma_wait3A_171, %dma_wait3A_172] : memref<10112x128xf32, #tpu.memory_space<hbm>> -> memref<10112x128xf32, #tpu.memory_space<hbm>>
      tpu.wait_indirect_dma semaphore(%arg12 : memref<!tpu.dma_semaphore, #tpu.memory_space<semaphore_mem>>) src(%dma_wait3A_173 : memref<10112x128xf32, #tpu.memory_space<hbm>>) dst(%arg10 : memref<128x128xf32, #tpu.memory_space<vmem>>)
      %run_scoped3A_174 = arith.constant 9 : i32
      "tpu.region"() ({
        %run_scoped3A_618 = tpu.sem_alloc : memref<!tpu.dma_semaphore, #tpu.memory_space<semaphore_mem>>
        %dma_start3A_619 = arith.constant 0 : i32
        %dma_start3A_620 = tpu.memref_slice %arg8[%run_scoped3A_174, %dma_start3A_619] : memref<40x128xi32, #tpu.memory_space<vmem>> -> memref<1x128xi32, #tpu.memory_space<vmem>>
        %dma_start3A_621 = tpu.memref_squeeze %dma_start3A_620 : memref<1x128xi32, #tpu.memory_space<vmem>> -> memref<128xi32, #tpu.memory_space<vmem>>
        %dma_start3A_622 = arith.constant 0 : i32
        %dma_start3A_623 = arith.constant 0 : i32
        %dma_start3A_624 = tpu.memref_slice %arg13[%dma_start3A_622, %dma_start3A_623] : memref<10112x128xf32, #tpu.memory_space<vmem_shared>> -> memref<10112x128xf32, #tpu.memory_space<vmem_shared>>
        tpu.enqueue_indirect_dma source(%arg10 : memref<128x128xf32, #tpu.memory_space<vmem>>) target(%dma_start3A_624 : memref<10112x128xf32, #tpu.memory_space<vmem_shared>>) offsets(%dma_start3A_621 : memref<128xi32, #tpu.memory_space<vmem>>) semaphore(%run_scoped3A_618 : memref<!tpu.dma_semaphore, #tpu.memory_space<semaphore_mem>>) {add = true}
        %dma_wait3A_625 = arith.constant 0 : i32
        %dma_wait3A_626 = tpu.memref_slice %arg8[%run_scoped3A_174, %dma_wait3A_625] : memref<40x128xi32, #tpu.memory_space<vmem>> -> memref<1x128xi32, #tpu.memory_space<vmem>>
        %dma_wait3A_627 = tpu.memref_squeeze %dma_wait3A_626 : memref<1x128xi32, #tpu.memory_space<vmem>> -> memref<128xi32, #tpu.memory_space<vmem>>
        %dma_wait3A_628 = arith.constant 0 : i32
        %dma_wait3A_629 = arith.constant 0 : i32
        %dma_wait3A_630 = tpu.memref_slice %arg13[%dma_wait3A_628, %dma_wait3A_629] : memref<10112x128xf32, #tpu.memory_space<vmem_shared>> -> memref<10112x128xf32, #tpu.memory_space<vmem_shared>>
        tpu.wait_indirect_dma semaphore(%run_scoped3A_618 : memref<!tpu.dma_semaphore, #tpu.memory_space<semaphore_mem>>) src(%arg10 : memref<128x128xf32, #tpu.memory_space<vmem>>) dst(%dma_wait3A_630 : memref<10112x128xf32, #tpu.memory_space<vmem_shared>>)
        tpu.yield
      }) : () -> ()
      %dma_start3A_175 = arith.constant 11 : i32
      %dma_start3A_176 = arith.constant 0 : i32
      %dma_start3A_177 = tpu.memref_slice %arg7[%dma_start3A_175, %dma_start3A_176] : memref<40x128xi32, #tpu.memory_space<vmem>> -> memref<1x128xi32, #tpu.memory_space<vmem>>
      %dma_start3A_178 = tpu.memref_squeeze %dma_start3A_177 : memref<1x128xi32, #tpu.memory_space<vmem>> -> memref<128xi32, #tpu.memory_space<vmem>>
      %dma_start3A_179 = arith.constant 0 : i32
      %dma_start3A_180 = arith.constant 0 : i32
      %dma_start3A_181 = tpu.memref_slice %arg4[%dma_start3A_179, %dma_start3A_180] : memref<10112x128xf32, #tpu.memory_space<hbm>> -> memref<10112x128xf32, #tpu.memory_space<hbm>>
      tpu.enqueue_indirect_dma source(%dma_start3A_181 : memref<10112x128xf32, #tpu.memory_space<hbm>>) target(%arg10 : memref<128x128xf32, #tpu.memory_space<vmem>>) offsets(%dma_start3A_178 : memref<128xi32, #tpu.memory_space<vmem>>) semaphore(%arg12 : memref<!tpu.dma_semaphore, #tpu.memory_space<semaphore_mem>>)
      %dma_wait3A_182 = arith.constant 10 : i32
      %dma_wait3A_183 = arith.constant 0 : i32
      %dma_wait3A_184 = tpu.memref_slice %arg7[%dma_wait3A_182, %dma_wait3A_183] : memref<40x128xi32, #tpu.memory_space<vmem>> -> memref<1x128xi32, #tpu.memory_space<vmem>>
      %dma_wait3A_185 = tpu.memref_squeeze %dma_wait3A_184 : memref<1x128xi32, #tpu.memory_space<vmem>> -> memref<128xi32, #tpu.memory_space<vmem>>
      %dma_wait3A_186 = arith.constant 0 : i32
      %dma_wait3A_187 = arith.constant 0 : i32
      %dma_wait3A_188 = tpu.memref_slice %arg4[%dma_wait3A_186, %dma_wait3A_187] : memref<10112x128xf32, #tpu.memory_space<hbm>> -> memref<10112x128xf32, #tpu.memory_space<hbm>>
      tpu.wait_indirect_dma semaphore(%arg11 : memref<!tpu.dma_semaphore, #tpu.memory_space<semaphore_mem>>) src(%dma_wait3A_188 : memref<10112x128xf32, #tpu.memory_space<hbm>>) dst(%arg9 : memref<128x128xf32, #tpu.memory_space<vmem>>)
      %run_scoped3A_189 = arith.constant 10 : i32
      "tpu.region"() ({
        %run_scoped3A_618 = tpu.sem_alloc : memref<!tpu.dma_semaphore, #tpu.memory_space<semaphore_mem>>
        %dma_start3A_619 = arith.constant 0 : i32
        %dma_start3A_620 = tpu.memref_slice %arg8[%run_scoped3A_189, %dma_start3A_619] : memref<40x128xi32, #tpu.memory_space<vmem>> -> memref<1x128xi32, #tpu.memory_space<vmem>>
        %dma_start3A_621 = tpu.memref_squeeze %dma_start3A_620 : memref<1x128xi32, #tpu.memory_space<vmem>> -> memref<128xi32, #tpu.memory_space<vmem>>
        %dma_start3A_622 = arith.constant 0 : i32
        %dma_start3A_623 = arith.constant 0 : i32
        %dma_start3A_624 = tpu.memref_slice %arg13[%dma_start3A_622, %dma_start3A_623] : memref<10112x128xf32, #tpu.memory_space<vmem_shared>> -> memref<10112x128xf32, #tpu.memory_space<vmem_shared>>
        tpu.enqueue_indirect_dma source(%arg9 : memref<128x128xf32, #tpu.memory_space<vmem>>) target(%dma_start3A_624 : memref<10112x128xf32, #tpu.memory_space<vmem_shared>>) offsets(%dma_start3A_621 : memref<128xi32, #tpu.memory_space<vmem>>) semaphore(%run_scoped3A_618 : memref<!tpu.dma_semaphore, #tpu.memory_space<semaphore_mem>>) {add = true}
        %dma_wait3A_625 = arith.constant 0 : i32
        %dma_wait3A_626 = tpu.memref_slice %arg8[%run_scoped3A_189, %dma_wait3A_625] : memref<40x128xi32, #tpu.memory_space<vmem>> -> memref<1x128xi32, #tpu.memory_space<vmem>>
        %dma_wait3A_627 = tpu.memref_squeeze %dma_wait3A_626 : memref<1x128xi32, #tpu.memory_space<vmem>> -> memref<128xi32, #tpu.memory_space<vmem>>
        %dma_wait3A_628 = arith.constant 0 : i32
        %dma_wait3A_629 = arith.constant 0 : i32
        %dma_wait3A_630 = tpu.memref_slice %arg13[%dma_wait3A_628, %dma_wait3A_629] : memref<10112x128xf32, #tpu.memory_space<vmem_shared>> -> memref<10112x128xf32, #tpu.memory_space<vmem_shared>>
        tpu.wait_indirect_dma semaphore(%run_scoped3A_618 : memref<!tpu.dma_semaphore, #tpu.memory_space<semaphore_mem>>) src(%arg9 : memref<128x128xf32, #tpu.memory_space<vmem>>) dst(%dma_wait3A_630 : memref<10112x128xf32, #tpu.memory_space<vmem_shared>>)
        tpu.yield
      }) : () -> ()
      %dma_start3A_190 = arith.constant 12 : i32
      %dma_start3A_191 = arith.constant 0 : i32
      %dma_start3A_192 = tpu.memref_slice %arg7[%dma_start3A_190, %dma_start3A_191] : memref<40x128xi32, #tpu.memory_space<vmem>> -> memref<1x128xi32, #tpu.memory_space<vmem>>
      %dma_start3A_193 = tpu.memref_squeeze %dma_start3A_192 : memref<1x128xi32, #tpu.memory_space<vmem>> -> memref<128xi32, #tpu.memory_space<vmem>>
      %dma_start3A_194 = arith.constant 0 : i32
      %dma_start3A_195 = arith.constant 0 : i32
      %dma_start3A_196 = tpu.memref_slice %arg4[%dma_start3A_194, %dma_start3A_195] : memref<10112x128xf32, #tpu.memory_space<hbm>> -> memref<10112x128xf32, #tpu.memory_space<hbm>>
      tpu.enqueue_indirect_dma source(%dma_start3A_196 : memref<10112x128xf32, #tpu.memory_space<hbm>>) target(%arg9 : memref<128x128xf32, #tpu.memory_space<vmem>>) offsets(%dma_start3A_193 : memref<128xi32, #tpu.memory_space<vmem>>) semaphore(%arg11 : memref<!tpu.dma_semaphore, #tpu.memory_space<semaphore_mem>>)
      %dma_wait3A_197 = arith.constant 11 : i32
      %dma_wait3A_198 = arith.constant 0 : i32
      %dma_wait3A_199 = tpu.memref_slice %arg7[%dma_wait3A_197, %dma_wait3A_198] : memref<40x128xi32, #tpu.memory_space<vmem>> -> memref<1x128xi32, #tpu.memory_space<vmem>>
      %dma_wait3A_200 = tpu.memref_squeeze %dma_wait3A_199 : memref<1x128xi32, #tpu.memory_space<vmem>> -> memref<128xi32, #tpu.memory_space<vmem>>
      %dma_wait3A_201 = arith.constant 0 : i32
      %dma_wait3A_202 = arith.constant 0 : i32
      %dma_wait3A_203 = tpu.memref_slice %arg4[%dma_wait3A_201, %dma_wait3A_202] : memref<10112x128xf32, #tpu.memory_space<hbm>> -> memref<10112x128xf32, #tpu.memory_space<hbm>>
      tpu.wait_indirect_dma semaphore(%arg12 : memref<!tpu.dma_semaphore, #tpu.memory_space<semaphore_mem>>) src(%dma_wait3A_203 : memref<10112x128xf32, #tpu.memory_space<hbm>>) dst(%arg10 : memref<128x128xf32, #tpu.memory_space<vmem>>)
      %run_scoped3A_204 = arith.constant 11 : i32
      "tpu.region"() ({
        %run_scoped3A_618 = tpu.sem_alloc : memref<!tpu.dma_semaphore, #tpu.memory_space<semaphore_mem>>
        %dma_start3A_619 = arith.constant 0 : i32
        %dma_start3A_620 = tpu.memref_slice %arg8[%run_scoped3A_204, %dma_start3A_619] : memref<40x128xi32, #tpu.memory_space<vmem>> -> memref<1x128xi32, #tpu.memory_space<vmem>>
        %dma_start3A_621 = tpu.memref_squeeze %dma_start3A_620 : memref<1x128xi32, #tpu.memory_space<vmem>> -> memref<128xi32, #tpu.memory_space<vmem>>
        %dma_start3A_622 = arith.constant 0 : i32
        %dma_start3A_623 = arith.constant 0 : i32
        %dma_start3A_624 = tpu.memref_slice %arg13[%dma_start3A_622, %dma_start3A_623] : memref<10112x128xf32, #tpu.memory_space<vmem_shared>> -> memref<10112x128xf32, #tpu.memory_space<vmem_shared>>
        tpu.enqueue_indirect_dma source(%arg10 : memref<128x128xf32, #tpu.memory_space<vmem>>) target(%dma_start3A_624 : memref<10112x128xf32, #tpu.memory_space<vmem_shared>>) offsets(%dma_start3A_621 : memref<128xi32, #tpu.memory_space<vmem>>) semaphore(%run_scoped3A_618 : memref<!tpu.dma_semaphore, #tpu.memory_space<semaphore_mem>>) {add = true}
        %dma_wait3A_625 = arith.constant 0 : i32
        %dma_wait3A_626 = tpu.memref_slice %arg8[%run_scoped3A_204, %dma_wait3A_625] : memref<40x128xi32, #tpu.memory_space<vmem>> -> memref<1x128xi32, #tpu.memory_space<vmem>>
        %dma_wait3A_627 = tpu.memref_squeeze %dma_wait3A_626 : memref<1x128xi32, #tpu.memory_space<vmem>> -> memref<128xi32, #tpu.memory_space<vmem>>
        %dma_wait3A_628 = arith.constant 0 : i32
        %dma_wait3A_629 = arith.constant 0 : i32
        %dma_wait3A_630 = tpu.memref_slice %arg13[%dma_wait3A_628, %dma_wait3A_629] : memref<10112x128xf32, #tpu.memory_space<vmem_shared>> -> memref<10112x128xf32, #tpu.memory_space<vmem_shared>>
        tpu.wait_indirect_dma semaphore(%run_scoped3A_618 : memref<!tpu.dma_semaphore, #tpu.memory_space<semaphore_mem>>) src(%arg10 : memref<128x128xf32, #tpu.memory_space<vmem>>) dst(%dma_wait3A_630 : memref<10112x128xf32, #tpu.memory_space<vmem_shared>>)
        tpu.yield
      }) : () -> ()
      %dma_start3A_205 = arith.constant 13 : i32
      %dma_start3A_206 = arith.constant 0 : i32
      %dma_start3A_207 = tpu.memref_slice %arg7[%dma_start3A_205, %dma_start3A_206] : memref<40x128xi32, #tpu.memory_space<vmem>> -> memref<1x128xi32, #tpu.memory_space<vmem>>
      %dma_start3A_208 = tpu.memref_squeeze %dma_start3A_207 : memref<1x128xi32, #tpu.memory_space<vmem>> -> memref<128xi32, #tpu.memory_space<vmem>>
      %dma_start3A_209 = arith.constant 0 : i32
      %dma_start3A_210 = arith.constant 0 : i32
      %dma_start3A_211 = tpu.memref_slice %arg4[%dma_start3A_209, %dma_start3A_210] : memref<10112x128xf32, #tpu.memory_space<hbm>> -> memref<10112x128xf32, #tpu.memory_space<hbm>>
      tpu.enqueue_indirect_dma source(%dma_start3A_211 : memref<10112x128xf32, #tpu.memory_space<hbm>>) target(%arg10 : memref<128x128xf32, #tpu.memory_space<vmem>>) offsets(%dma_start3A_208 : memref<128xi32, #tpu.memory_space<vmem>>) semaphore(%arg12 : memref<!tpu.dma_semaphore, #tpu.memory_space<semaphore_mem>>)
      %dma_wait3A_212 = arith.constant 12 : i32
      %dma_wait3A_213 = arith.constant 0 : i32
      %dma_wait3A_214 = tpu.memref_slice %arg7[%dma_wait3A_212, %dma_wait3A_213] : memref<40x128xi32, #tpu.memory_space<vmem>> -> memref<1x128xi32, #tpu.memory_space<vmem>>
      %dma_wait3A_215 = tpu.memref_squeeze %dma_wait3A_214 : memref<1x128xi32, #tpu.memory_space<vmem>> -> memref<128xi32, #tpu.memory_space<vmem>>
      %dma_wait3A_216 = arith.constant 0 : i32
      %dma_wait3A_217 = arith.constant 0 : i32
      %dma_wait3A_218 = tpu.memref_slice %arg4[%dma_wait3A_216, %dma_wait3A_217] : memref<10112x128xf32, #tpu.memory_space<hbm>> -> memref<10112x128xf32, #tpu.memory_space<hbm>>
      tpu.wait_indirect_dma semaphore(%arg11 : memref<!tpu.dma_semaphore, #tpu.memory_space<semaphore_mem>>) src(%dma_wait3A_218 : memref<10112x128xf32, #tpu.memory_space<hbm>>) dst(%arg9 : memref<128x128xf32, #tpu.memory_space<vmem>>)
      %run_scoped3A_219 = arith.constant 12 : i32
      "tpu.region"() ({
        %run_scoped3A_618 = tpu.sem_alloc : memref<!tpu.dma_semaphore, #tpu.memory_space<semaphore_mem>>
        %dma_start3A_619 = arith.constant 0 : i32
        %dma_start3A_620 = tpu.memref_slice %arg8[%run_scoped3A_219, %dma_start3A_619] : memref<40x128xi32, #tpu.memory_space<vmem>> -> memref<1x128xi32, #tpu.memory_space<vmem>>
        %dma_start3A_621 = tpu.memref_squeeze %dma_start3A_620 : memref<1x128xi32, #tpu.memory_space<vmem>> -> memref<128xi32, #tpu.memory_space<vmem>>
        %dma_start3A_622 = arith.constant 0 : i32
        %dma_start3A_623 = arith.constant 0 : i32
        %dma_start3A_624 = tpu.memref_slice %arg13[%dma_start3A_622, %dma_start3A_623] : memref<10112x128xf32, #tpu.memory_space<vmem_shared>> -> memref<10112x128xf32, #tpu.memory_space<vmem_shared>>
        tpu.enqueue_indirect_dma source(%arg9 : memref<128x128xf32, #tpu.memory_space<vmem>>) target(%dma_start3A_624 : memref<10112x128xf32, #tpu.memory_space<vmem_shared>>) offsets(%dma_start3A_621 : memref<128xi32, #tpu.memory_space<vmem>>) semaphore(%run_scoped3A_618 : memref<!tpu.dma_semaphore, #tpu.memory_space<semaphore_mem>>) {add = true}
        %dma_wait3A_625 = arith.constant 0 : i32
        %dma_wait3A_626 = tpu.memref_slice %arg8[%run_scoped3A_219, %dma_wait3A_625] : memref<40x128xi32, #tpu.memory_space<vmem>> -> memref<1x128xi32, #tpu.memory_space<vmem>>
        %dma_wait3A_627 = tpu.memref_squeeze %dma_wait3A_626 : memref<1x128xi32, #tpu.memory_space<vmem>> -> memref<128xi32, #tpu.memory_space<vmem>>
        %dma_wait3A_628 = arith.constant 0 : i32
        %dma_wait3A_629 = arith.constant 0 : i32
        %dma_wait3A_630 = tpu.memref_slice %arg13[%dma_wait3A_628, %dma_wait3A_629] : memref<10112x128xf32, #tpu.memory_space<vmem_shared>> -> memref<10112x128xf32, #tpu.memory_space<vmem_shared>>
        tpu.wait_indirect_dma semaphore(%run_scoped3A_618 : memref<!tpu.dma_semaphore, #tpu.memory_space<semaphore_mem>>) src(%arg9 : memref<128x128xf32, #tpu.memory_space<vmem>>) dst(%dma_wait3A_630 : memref<10112x128xf32, #tpu.memory_space<vmem_shared>>)
        tpu.yield
      }) : () -> ()
      %dma_start3A_220 = arith.constant 14 : i32
      %dma_start3A_221 = arith.constant 0 : i32
      %dma_start3A_222 = tpu.memref_slice %arg7[%dma_start3A_220, %dma_start3A_221] : memref<40x128xi32, #tpu.memory_space<vmem>> -> memref<1x128xi32, #tpu.memory_space<vmem>>
      %dma_start3A_223 = tpu.memref_squeeze %dma_start3A_222 : memref<1x128xi32, #tpu.memory_space<vmem>> -> memref<128xi32, #tpu.memory_space<vmem>>
      %dma_start3A_224 = arith.constant 0 : i32
      %dma_start3A_225 = arith.constant 0 : i32
      %dma_start3A_226 = tpu.memref_slice %arg4[%dma_start3A_224, %dma_start3A_225] : memref<10112x128xf32, #tpu.memory_space<hbm>> -> memref<10112x128xf32, #tpu.memory_space<hbm>>
      tpu.enqueue_indirect_dma source(%dma_start3A_226 : memref<10112x128xf32, #tpu.memory_space<hbm>>) target(%arg9 : memref<128x128xf32, #tpu.memory_space<vmem>>) offsets(%dma_start3A_223 : memref<128xi32, #tpu.memory_space<vmem>>) semaphore(%arg11 : memref<!tpu.dma_semaphore, #tpu.memory_space<semaphore_mem>>)
      %dma_wait3A_227 = arith.constant 13 : i32
      %dma_wait3A_228 = arith.constant 0 : i32
      %dma_wait3A_229 = tpu.memref_slice %arg7[%dma_wait3A_227, %dma_wait3A_228] : memref<40x128xi32, #tpu.memory_space<vmem>> -> memref<1x128xi32, #tpu.memory_space<vmem>>
      %dma_wait3A_230 = tpu.memref_squeeze %dma_wait3A_229 : memref<1x128xi32, #tpu.memory_space<vmem>> -> memref<128xi32, #tpu.memory_space<vmem>>
      %dma_wait3A_231 = arith.constant 0 : i32
      %dma_wait3A_232 = arith.constant 0 : i32
      %dma_wait3A_233 = tpu.memref_slice %arg4[%dma_wait3A_231, %dma_wait3A_232] : memref<10112x128xf32, #tpu.memory_space<hbm>> -> memref<10112x128xf32, #tpu.memory_space<hbm>>
      tpu.wait_indirect_dma semaphore(%arg12 : memref<!tpu.dma_semaphore, #tpu.memory_space<semaphore_mem>>) src(%dma_wait3A_233 : memref<10112x128xf32, #tpu.memory_space<hbm>>) dst(%arg10 : memref<128x128xf32, #tpu.memory_space<vmem>>)
      %run_scoped3A_234 = arith.constant 13 : i32
      "tpu.region"() ({
        %run_scoped3A_618 = tpu.sem_alloc : memref<!tpu.dma_semaphore, #tpu.memory_space<semaphore_mem>>
        %dma_start3A_619 = arith.constant 0 : i32
        %dma_start3A_620 = tpu.memref_slice %arg8[%run_scoped3A_234, %dma_start3A_619] : memref<40x128xi32, #tpu.memory_space<vmem>> -> memref<1x128xi32, #tpu.memory_space<vmem>>
        %dma_start3A_621 = tpu.memref_squeeze %dma_start3A_620 : memref<1x128xi32, #tpu.memory_space<vmem>> -> memref<128xi32, #tpu.memory_space<vmem>>
        %dma_start3A_622 = arith.constant 0 : i32
        %dma_start3A_623 = arith.constant 0 : i32
        %dma_start3A_624 = tpu.memref_slice %arg13[%dma_start3A_622, %dma_start3A_623] : memref<10112x128xf32, #tpu.memory_space<vmem_shared>> -> memref<10112x128xf32, #tpu.memory_space<vmem_shared>>
        tpu.enqueue_indirect_dma source(%arg10 : memref<128x128xf32, #tpu.memory_space<vmem>>) target(%dma_start3A_624 : memref<10112x128xf32, #tpu.memory_space<vmem_shared>>) offsets(%dma_start3A_621 : memref<128xi32, #tpu.memory_space<vmem>>) semaphore(%run_scoped3A_618 : memref<!tpu.dma_semaphore, #tpu.memory_space<semaphore_mem>>) {add = true}
        %dma_wait3A_625 = arith.constant 0 : i32
        %dma_wait3A_626 = tpu.memref_slice %arg8[%run_scoped3A_234, %dma_wait3A_625] : memref<40x128xi32, #tpu.memory_space<vmem>> -> memref<1x128xi32, #tpu.memory_space<vmem>>
        %dma_wait3A_627 = tpu.memref_squeeze %dma_wait3A_626 : memref<1x128xi32, #tpu.memory_space<vmem>> -> memref<128xi32, #tpu.memory_space<vmem>>
        %dma_wait3A_628 = arith.constant 0 : i32
        %dma_wait3A_629 = arith.constant 0 : i32
        %dma_wait3A_630 = tpu.memref_slice %arg13[%dma_wait3A_628, %dma_wait3A_629] : memref<10112x128xf32, #tpu.memory_space<vmem_shared>> -> memref<10112x128xf32, #tpu.memory_space<vmem_shared>>
        tpu.wait_indirect_dma semaphore(%run_scoped3A_618 : memref<!tpu.dma_semaphore, #tpu.memory_space<semaphore_mem>>) src(%arg10 : memref<128x128xf32, #tpu.memory_space<vmem>>) dst(%dma_wait3A_630 : memref<10112x128xf32, #tpu.memory_space<vmem_shared>>)
        tpu.yield
      }) : () -> ()
      %dma_start3A_235 = arith.constant 15 : i32
      %dma_start3A_236 = arith.constant 0 : i32
      %dma_start3A_237 = tpu.memref_slice %arg7[%dma_start3A_235, %dma_start3A_236] : memref<40x128xi32, #tpu.memory_space<vmem>> -> memref<1x128xi32, #tpu.memory_space<vmem>>
      %dma_start3A_238 = tpu.memref_squeeze %dma_start3A_237 : memref<1x128xi32, #tpu.memory_space<vmem>> -> memref<128xi32, #tpu.memory_space<vmem>>
      %dma_start3A_239 = arith.constant 0 : i32
      %dma_start3A_240 = arith.constant 0 : i32
      %dma_start3A_241 = tpu.memref_slice %arg4[%dma_start3A_239, %dma_start3A_240] : memref<10112x128xf32, #tpu.memory_space<hbm>> -> memref<10112x128xf32, #tpu.memory_space<hbm>>
      tpu.enqueue_indirect_dma source(%dma_start3A_241 : memref<10112x128xf32, #tpu.memory_space<hbm>>) target(%arg10 : memref<128x128xf32, #tpu.memory_space<vmem>>) offsets(%dma_start3A_238 : memref<128xi32, #tpu.memory_space<vmem>>) semaphore(%arg12 : memref<!tpu.dma_semaphore, #tpu.memory_space<semaphore_mem>>)
      %dma_wait3A_242 = arith.constant 14 : i32
      %dma_wait3A_243 = arith.constant 0 : i32
      %dma_wait3A_244 = tpu.memref_slice %arg7[%dma_wait3A_242, %dma_wait3A_243] : memref<40x128xi32, #tpu.memory_space<vmem>> -> memref<1x128xi32, #tpu.memory_space<vmem>>
      %dma_wait3A_245 = tpu.memref_squeeze %dma_wait3A_244 : memref<1x128xi32, #tpu.memory_space<vmem>> -> memref<128xi32, #tpu.memory_space<vmem>>
      %dma_wait3A_246 = arith.constant 0 : i32
      %dma_wait3A_247 = arith.constant 0 : i32
      %dma_wait3A_248 = tpu.memref_slice %arg4[%dma_wait3A_246, %dma_wait3A_247] : memref<10112x128xf32, #tpu.memory_space<hbm>> -> memref<10112x128xf32, #tpu.memory_space<hbm>>
      tpu.wait_indirect_dma semaphore(%arg11 : memref<!tpu.dma_semaphore, #tpu.memory_space<semaphore_mem>>) src(%dma_wait3A_248 : memref<10112x128xf32, #tpu.memory_space<hbm>>) dst(%arg9 : memref<128x128xf32, #tpu.memory_space<vmem>>)
      %run_scoped3A_249 = arith.constant 14 : i32
      "tpu.region"() ({
        %run_scoped3A_618 = tpu.sem_alloc : memref<!tpu.dma_semaphore, #tpu.memory_space<semaphore_mem>>
        %dma_start3A_619 = arith.constant 0 : i32
        %dma_start3A_620 = tpu.memref_slice %arg8[%run_scoped3A_249, %dma_start3A_619] : memref<40x128xi32, #tpu.memory_space<vmem>> -> memref<1x128xi32, #tpu.memory_space<vmem>>
        %dma_start3A_621 = tpu.memref_squeeze %dma_start3A_620 : memref<1x128xi32, #tpu.memory_space<vmem>> -> memref<128xi32, #tpu.memory_space<vmem>>
        %dma_start3A_622 = arith.constant 0 : i32
        %dma_start3A_623 = arith.constant 0 : i32
        %dma_start3A_624 = tpu.memref_slice %arg13[%dma_start3A_622, %dma_start3A_623] : memref<10112x128xf32, #tpu.memory_space<vmem_shared>> -> memref<10112x128xf32, #tpu.memory_space<vmem_shared>>
        tpu.enqueue_indirect_dma source(%arg9 : memref<128x128xf32, #tpu.memory_space<vmem>>) target(%dma_start3A_624 : memref<10112x128xf32, #tpu.memory_space<vmem_shared>>) offsets(%dma_start3A_621 : memref<128xi32, #tpu.memory_space<vmem>>) semaphore(%run_scoped3A_618 : memref<!tpu.dma_semaphore, #tpu.memory_space<semaphore_mem>>) {add = true}
        %dma_wait3A_625 = arith.constant 0 : i32
        %dma_wait3A_626 = tpu.memref_slice %arg8[%run_scoped3A_249, %dma_wait3A_625] : memref<40x128xi32, #tpu.memory_space<vmem>> -> memref<1x128xi32, #tpu.memory_space<vmem>>
        %dma_wait3A_627 = tpu.memref_squeeze %dma_wait3A_626 : memref<1x128xi32, #tpu.memory_space<vmem>> -> memref<128xi32, #tpu.memory_space<vmem>>
        %dma_wait3A_628 = arith.constant 0 : i32
        %dma_wait3A_629 = arith.constant 0 : i32
        %dma_wait3A_630 = tpu.memref_slice %arg13[%dma_wait3A_628, %dma_wait3A_629] : memref<10112x128xf32, #tpu.memory_space<vmem_shared>> -> memref<10112x128xf32, #tpu.memory_space<vmem_shared>>
        tpu.wait_indirect_dma semaphore(%run_scoped3A_618 : memref<!tpu.dma_semaphore, #tpu.memory_space<semaphore_mem>>) src(%arg9 : memref<128x128xf32, #tpu.memory_space<vmem>>) dst(%dma_wait3A_630 : memref<10112x128xf32, #tpu.memory_space<vmem_shared>>)
        tpu.yield
      }) : () -> ()
      %dma_start3A_250 = arith.constant 16 : i32
      %dma_start3A_251 = arith.constant 0 : i32
      %dma_start3A_252 = tpu.memref_slice %arg7[%dma_start3A_250, %dma_start3A_251] : memref<40x128xi32, #tpu.memory_space<vmem>> -> memref<1x128xi32, #tpu.memory_space<vmem>>
      %dma_start3A_253 = tpu.memref_squeeze %dma_start3A_252 : memref<1x128xi32, #tpu.memory_space<vmem>> -> memref<128xi32, #tpu.memory_space<vmem>>
      %dma_start3A_254 = arith.constant 0 : i32
      %dma_start3A_255 = arith.constant 0 : i32
      %dma_start3A_256 = tpu.memref_slice %arg4[%dma_start3A_254, %dma_start3A_255] : memref<10112x128xf32, #tpu.memory_space<hbm>> -> memref<10112x128xf32, #tpu.memory_space<hbm>>
      tpu.enqueue_indirect_dma source(%dma_start3A_256 : memref<10112x128xf32, #tpu.memory_space<hbm>>) target(%arg9 : memref<128x128xf32, #tpu.memory_space<vmem>>) offsets(%dma_start3A_253 : memref<128xi32, #tpu.memory_space<vmem>>) semaphore(%arg11 : memref<!tpu.dma_semaphore, #tpu.memory_space<semaphore_mem>>)
      %dma_wait3A_257 = arith.constant 15 : i32
      %dma_wait3A_258 = arith.constant 0 : i32
      %dma_wait3A_259 = tpu.memref_slice %arg7[%dma_wait3A_257, %dma_wait3A_258] : memref<40x128xi32, #tpu.memory_space<vmem>> -> memref<1x128xi32, #tpu.memory_space<vmem>>
      %dma_wait3A_260 = tpu.memref_squeeze %dma_wait3A_259 : memref<1x128xi32, #tpu.memory_space<vmem>> -> memref<128xi32, #tpu.memory_space<vmem>>
      %dma_wait3A_261 = arith.constant 0 : i32
      %dma_wait3A_262 = arith.constant 0 : i32
      %dma_wait3A_263 = tpu.memref_slice %arg4[%dma_wait3A_261, %dma_wait3A_262] : memref<10112x128xf32, #tpu.memory_space<hbm>> -> memref<10112x128xf32, #tpu.memory_space<hbm>>
      tpu.wait_indirect_dma semaphore(%arg12 : memref<!tpu.dma_semaphore, #tpu.memory_space<semaphore_mem>>) src(%dma_wait3A_263 : memref<10112x128xf32, #tpu.memory_space<hbm>>) dst(%arg10 : memref<128x128xf32, #tpu.memory_space<vmem>>)
      %run_scoped3A_264 = arith.constant 15 : i32
      "tpu.region"() ({
        %run_scoped3A_618 = tpu.sem_alloc : memref<!tpu.dma_semaphore, #tpu.memory_space<semaphore_mem>>
        %dma_start3A_619 = arith.constant 0 : i32
        %dma_start3A_620 = tpu.memref_slice %arg8[%run_scoped3A_264, %dma_start3A_619] : memref<40x128xi32, #tpu.memory_space<vmem>> -> memref<1x128xi32, #tpu.memory_space<vmem>>
        %dma_start3A_621 = tpu.memref_squeeze %dma_start3A_620 : memref<1x128xi32, #tpu.memory_space<vmem>> -> memref<128xi32, #tpu.memory_space<vmem>>
        %dma_start3A_622 = arith.constant 0 : i32
        %dma_start3A_623 = arith.constant 0 : i32
        %dma_start3A_624 = tpu.memref_slice %arg13[%dma_start3A_622, %dma_start3A_623] : memref<10112x128xf32, #tpu.memory_space<vmem_shared>> -> memref<10112x128xf32, #tpu.memory_space<vmem_shared>>
        tpu.enqueue_indirect_dma source(%arg10 : memref<128x128xf32, #tpu.memory_space<vmem>>) target(%dma_start3A_624 : memref<10112x128xf32, #tpu.memory_space<vmem_shared>>) offsets(%dma_start3A_621 : memref<128xi32, #tpu.memory_space<vmem>>) semaphore(%run_scoped3A_618 : memref<!tpu.dma_semaphore, #tpu.memory_space<semaphore_mem>>) {add = true}
        %dma_wait3A_625 = arith.constant 0 : i32
        %dma_wait3A_626 = tpu.memref_slice %arg8[%run_scoped3A_264, %dma_wait3A_625] : memref<40x128xi32, #tpu.memory_space<vmem>> -> memref<1x128xi32, #tpu.memory_space<vmem>>
        %dma_wait3A_627 = tpu.memref_squeeze %dma_wait3A_626 : memref<1x128xi32, #tpu.memory_space<vmem>> -> memref<128xi32, #tpu.memory_space<vmem>>
        %dma_wait3A_628 = arith.constant 0 : i32
        %dma_wait3A_629 = arith.constant 0 : i32
        %dma_wait3A_630 = tpu.memref_slice %arg13[%dma_wait3A_628, %dma_wait3A_629] : memref<10112x128xf32, #tpu.memory_space<vmem_shared>> -> memref<10112x128xf32, #tpu.memory_space<vmem_shared>>
        tpu.wait_indirect_dma semaphore(%run_scoped3A_618 : memref<!tpu.dma_semaphore, #tpu.memory_space<semaphore_mem>>) src(%arg10 : memref<128x128xf32, #tpu.memory_space<vmem>>) dst(%dma_wait3A_630 : memref<10112x128xf32, #tpu.memory_space<vmem_shared>>)
        tpu.yield
      }) : () -> ()
      %dma_start3A_265 = arith.constant 17 : i32
      %dma_start3A_266 = arith.constant 0 : i32
      %dma_start3A_267 = tpu.memref_slice %arg7[%dma_start3A_265, %dma_start3A_266] : memref<40x128xi32, #tpu.memory_space<vmem>> -> memref<1x128xi32, #tpu.memory_space<vmem>>
      %dma_start3A_268 = tpu.memref_squeeze %dma_start3A_267 : memref<1x128xi32, #tpu.memory_space<vmem>> -> memref<128xi32, #tpu.memory_space<vmem>>
      %dma_start3A_269 = arith.constant 0 : i32
      %dma_start3A_270 = arith.constant 0 : i32
      %dma_start3A_271 = tpu.memref_slice %arg4[%dma_start3A_269, %dma_start3A_270] : memref<10112x128xf32, #tpu.memory_space<hbm>> -> memref<10112x128xf32, #tpu.memory_space<hbm>>
      tpu.enqueue_indirect_dma source(%dma_start3A_271 : memref<10112x128xf32, #tpu.memory_space<hbm>>) target(%arg10 : memref<128x128xf32, #tpu.memory_space<vmem>>) offsets(%dma_start3A_268 : memref<128xi32, #tpu.memory_space<vmem>>) semaphore(%arg12 : memref<!tpu.dma_semaphore, #tpu.memory_space<semaphore_mem>>)
      %dma_wait3A_272 = arith.constant 16 : i32
      %dma_wait3A_273 = arith.constant 0 : i32
      %dma_wait3A_274 = tpu.memref_slice %arg7[%dma_wait3A_272, %dma_wait3A_273] : memref<40x128xi32, #tpu.memory_space<vmem>> -> memref<1x128xi32, #tpu.memory_space<vmem>>
      %dma_wait3A_275 = tpu.memref_squeeze %dma_wait3A_274 : memref<1x128xi32, #tpu.memory_space<vmem>> -> memref<128xi32, #tpu.memory_space<vmem>>
      %dma_wait3A_276 = arith.constant 0 : i32
      %dma_wait3A_277 = arith.constant 0 : i32
      %dma_wait3A_278 = tpu.memref_slice %arg4[%dma_wait3A_276, %dma_wait3A_277] : memref<10112x128xf32, #tpu.memory_space<hbm>> -> memref<10112x128xf32, #tpu.memory_space<hbm>>
      tpu.wait_indirect_dma semaphore(%arg11 : memref<!tpu.dma_semaphore, #tpu.memory_space<semaphore_mem>>) src(%dma_wait3A_278 : memref<10112x128xf32, #tpu.memory_space<hbm>>) dst(%arg9 : memref<128x128xf32, #tpu.memory_space<vmem>>)
      %run_scoped3A_279 = arith.constant 16 : i32
      "tpu.region"() ({
        %run_scoped3A_618 = tpu.sem_alloc : memref<!tpu.dma_semaphore, #tpu.memory_space<semaphore_mem>>
        %dma_start3A_619 = arith.constant 0 : i32
        %dma_start3A_620 = tpu.memref_slice %arg8[%run_scoped3A_279, %dma_start3A_619] : memref<40x128xi32, #tpu.memory_space<vmem>> -> memref<1x128xi32, #tpu.memory_space<vmem>>
        %dma_start3A_621 = tpu.memref_squeeze %dma_start3A_620 : memref<1x128xi32, #tpu.memory_space<vmem>> -> memref<128xi32, #tpu.memory_space<vmem>>
        %dma_start3A_622 = arith.constant 0 : i32
        %dma_start3A_623 = arith.constant 0 : i32
        %dma_start3A_624 = tpu.memref_slice %arg13[%dma_start3A_622, %dma_start3A_623] : memref<10112x128xf32, #tpu.memory_space<vmem_shared>> -> memref<10112x128xf32, #tpu.memory_space<vmem_shared>>
        tpu.enqueue_indirect_dma source(%arg9 : memref<128x128xf32, #tpu.memory_space<vmem>>) target(%dma_start3A_624 : memref<10112x128xf32, #tpu.memory_space<vmem_shared>>) offsets(%dma_start3A_621 : memref<128xi32, #tpu.memory_space<vmem>>) semaphore(%run_scoped3A_618 : memref<!tpu.dma_semaphore, #tpu.memory_space<semaphore_mem>>) {add = true}
        %dma_wait3A_625 = arith.constant 0 : i32
        %dma_wait3A_626 = tpu.memref_slice %arg8[%run_scoped3A_279, %dma_wait3A_625] : memref<40x128xi32, #tpu.memory_space<vmem>> -> memref<1x128xi32, #tpu.memory_space<vmem>>
        %dma_wait3A_627 = tpu.memref_squeeze %dma_wait3A_626 : memref<1x128xi32, #tpu.memory_space<vmem>> -> memref<128xi32, #tpu.memory_space<vmem>>
        %dma_wait3A_628 = arith.constant 0 : i32
        %dma_wait3A_629 = arith.constant 0 : i32
        %dma_wait3A_630 = tpu.memref_slice %arg13[%dma_wait3A_628, %dma_wait3A_629] : memref<10112x128xf32, #tpu.memory_space<vmem_shared>> -> memref<10112x128xf32, #tpu.memory_space<vmem_shared>>
        tpu.wait_indirect_dma semaphore(%run_scoped3A_618 : memref<!tpu.dma_semaphore, #tpu.memory_space<semaphore_mem>>) src(%arg9 : memref<128x128xf32, #tpu.memory_space<vmem>>) dst(%dma_wait3A_630 : memref<10112x128xf32, #tpu.memory_space<vmem_shared>>)
        tpu.yield
      }) : () -> ()
      %dma_start3A_280 = arith.constant 18 : i32
      %dma_start3A_281 = arith.constant 0 : i32
      %dma_start3A_282 = tpu.memref_slice %arg7[%dma_start3A_280, %dma_start3A_281] : memref<40x128xi32, #tpu.memory_space<vmem>> -> memref<1x128xi32, #tpu.memory_space<vmem>>
      %dma_start3A_283 = tpu.memref_squeeze %dma_start3A_282 : memref<1x128xi32, #tpu.memory_space<vmem>> -> memref<128xi32, #tpu.memory_space<vmem>>
      %dma_start3A_284 = arith.constant 0 : i32
      %dma_start3A_285 = arith.constant 0 : i32
      %dma_start3A_286 = tpu.memref_slice %arg4[%dma_start3A_284, %dma_start3A_285] : memref<10112x128xf32, #tpu.memory_space<hbm>> -> memref<10112x128xf32, #tpu.memory_space<hbm>>
      tpu.enqueue_indirect_dma source(%dma_start3A_286 : memref<10112x128xf32, #tpu.memory_space<hbm>>) target(%arg9 : memref<128x128xf32, #tpu.memory_space<vmem>>) offsets(%dma_start3A_283 : memref<128xi32, #tpu.memory_space<vmem>>) semaphore(%arg11 : memref<!tpu.dma_semaphore, #tpu.memory_space<semaphore_mem>>)
      %dma_wait3A_287 = arith.constant 17 : i32
      %dma_wait3A_288 = arith.constant 0 : i32
      %dma_wait3A_289 = tpu.memref_slice %arg7[%dma_wait3A_287, %dma_wait3A_288] : memref<40x128xi32, #tpu.memory_space<vmem>> -> memref<1x128xi32, #tpu.memory_space<vmem>>
      %dma_wait3A_290 = tpu.memref_squeeze %dma_wait3A_289 : memref<1x128xi32, #tpu.memory_space<vmem>> -> memref<128xi32, #tpu.memory_space<vmem>>
      %dma_wait3A_291 = arith.constant 0 : i32
      %dma_wait3A_292 = arith.constant 0 : i32
      %dma_wait3A_293 = tpu.memref_slice %arg4[%dma_wait3A_291, %dma_wait3A_292] : memref<10112x128xf32, #tpu.memory_space<hbm>> -> memref<10112x128xf32, #tpu.memory_space<hbm>>
      tpu.wait_indirect_dma semaphore(%arg12 : memref<!tpu.dma_semaphore, #tpu.memory_space<semaphore_mem>>) src(%dma_wait3A_293 : memref<10112x128xf32, #tpu.memory_space<hbm>>) dst(%arg10 : memref<128x128xf32, #tpu.memory_space<vmem>>)
      %run_scoped3A_294 = arith.constant 17 : i32
      "tpu.region"() ({
        %run_scoped3A_618 = tpu.sem_alloc : memref<!tpu.dma_semaphore, #tpu.memory_space<semaphore_mem>>
        %dma_start3A_619 = arith.constant 0 : i32
        %dma_start3A_620 = tpu.memref_slice %arg8[%run_scoped3A_294, %dma_start3A_619] : memref<40x128xi32, #tpu.memory_space<vmem>> -> memref<1x128xi32, #tpu.memory_space<vmem>>
        %dma_start3A_621 = tpu.memref_squeeze %dma_start3A_620 : memref<1x128xi32, #tpu.memory_space<vmem>> -> memref<128xi32, #tpu.memory_space<vmem>>
        %dma_start3A_622 = arith.constant 0 : i32
        %dma_start3A_623 = arith.constant 0 : i32
        %dma_start3A_624 = tpu.memref_slice %arg13[%dma_start3A_622, %dma_start3A_623] : memref<10112x128xf32, #tpu.memory_space<vmem_shared>> -> memref<10112x128xf32, #tpu.memory_space<vmem_shared>>
        tpu.enqueue_indirect_dma source(%arg10 : memref<128x128xf32, #tpu.memory_space<vmem>>) target(%dma_start3A_624 : memref<10112x128xf32, #tpu.memory_space<vmem_shared>>) offsets(%dma_start3A_621 : memref<128xi32, #tpu.memory_space<vmem>>) semaphore(%run_scoped3A_618 : memref<!tpu.dma_semaphore, #tpu.memory_space<semaphore_mem>>) {add = true}
        %dma_wait3A_625 = arith.constant 0 : i32
        %dma_wait3A_626 = tpu.memref_slice %arg8[%run_scoped3A_294, %dma_wait3A_625] : memref<40x128xi32, #tpu.memory_space<vmem>> -> memref<1x128xi32, #tpu.memory_space<vmem>>
        %dma_wait3A_627 = tpu.memref_squeeze %dma_wait3A_626 : memref<1x128xi32, #tpu.memory_space<vmem>> -> memref<128xi32, #tpu.memory_space<vmem>>
        %dma_wait3A_628 = arith.constant 0 : i32
        %dma_wait3A_629 = arith.constant 0 : i32
        %dma_wait3A_630 = tpu.memref_slice %arg13[%dma_wait3A_628, %dma_wait3A_629] : memref<10112x128xf32, #tpu.memory_space<vmem_shared>> -> memref<10112x128xf32, #tpu.memory_space<vmem_shared>>
        tpu.wait_indirect_dma semaphore(%run_scoped3A_618 : memref<!tpu.dma_semaphore, #tpu.memory_space<semaphore_mem>>) src(%arg10 : memref<128x128xf32, #tpu.memory_space<vmem>>) dst(%dma_wait3A_630 : memref<10112x128xf32, #tpu.memory_space<vmem_shared>>)
        tpu.yield
      }) : () -> ()
      %dma_start3A_295 = arith.constant 19 : i32
      %dma_start3A_296 = arith.constant 0 : i32
      %dma_start3A_297 = tpu.memref_slice %arg7[%dma_start3A_295, %dma_start3A_296] : memref<40x128xi32, #tpu.memory_space<vmem>> -> memref<1x128xi32, #tpu.memory_space<vmem>>
      %dma_start3A_298 = tpu.memref_squeeze %dma_start3A_297 : memref<1x128xi32, #tpu.memory_space<vmem>> -> memref<128xi32, #tpu.memory_space<vmem>>
      %dma_start3A_299 = arith.constant 0 : i32
      %dma_start3A_300 = arith.constant 0 : i32
      %dma_start3A_301 = tpu.memref_slice %arg4[%dma_start3A_299, %dma_start3A_300] : memref<10112x128xf32, #tpu.memory_space<hbm>> -> memref<10112x128xf32, #tpu.memory_space<hbm>>
      tpu.enqueue_indirect_dma source(%dma_start3A_301 : memref<10112x128xf32, #tpu.memory_space<hbm>>) target(%arg10 : memref<128x128xf32, #tpu.memory_space<vmem>>) offsets(%dma_start3A_298 : memref<128xi32, #tpu.memory_space<vmem>>) semaphore(%arg12 : memref<!tpu.dma_semaphore, #tpu.memory_space<semaphore_mem>>)
      %dma_wait3A_302 = arith.constant 18 : i32
      %dma_wait3A_303 = arith.constant 0 : i32
      %dma_wait3A_304 = tpu.memref_slice %arg7[%dma_wait3A_302, %dma_wait3A_303] : memref<40x128xi32, #tpu.memory_space<vmem>> -> memref<1x128xi32, #tpu.memory_space<vmem>>
      %dma_wait3A_305 = tpu.memref_squeeze %dma_wait3A_304 : memref<1x128xi32, #tpu.memory_space<vmem>> -> memref<128xi32, #tpu.memory_space<vmem>>
      %dma_wait3A_306 = arith.constant 0 : i32
      %dma_wait3A_307 = arith.constant 0 : i32
      %dma_wait3A_308 = tpu.memref_slice %arg4[%dma_wait3A_306, %dma_wait3A_307] : memref<10112x128xf32, #tpu.memory_space<hbm>> -> memref<10112x128xf32, #tpu.memory_space<hbm>>
      tpu.wait_indirect_dma semaphore(%arg11 : memref<!tpu.dma_semaphore, #tpu.memory_space<semaphore_mem>>) src(%dma_wait3A_308 : memref<10112x128xf32, #tpu.memory_space<hbm>>) dst(%arg9 : memref<128x128xf32, #tpu.memory_space<vmem>>)
      %run_scoped3A_309 = arith.constant 18 : i32
      "tpu.region"() ({
        %run_scoped3A_618 = tpu.sem_alloc : memref<!tpu.dma_semaphore, #tpu.memory_space<semaphore_mem>>
        %dma_start3A_619 = arith.constant 0 : i32
        %dma_start3A_620 = tpu.memref_slice %arg8[%run_scoped3A_309, %dma_start3A_619] : memref<40x128xi32, #tpu.memory_space<vmem>> -> memref<1x128xi32, #tpu.memory_space<vmem>>
        %dma_start3A_621 = tpu.memref_squeeze %dma_start3A_620 : memref<1x128xi32, #tpu.memory_space<vmem>> -> memref<128xi32, #tpu.memory_space<vmem>>
        %dma_start3A_622 = arith.constant 0 : i32
        %dma_start3A_623 = arith.constant 0 : i32
        %dma_start3A_624 = tpu.memref_slice %arg13[%dma_start3A_622, %dma_start3A_623] : memref<10112x128xf32, #tpu.memory_space<vmem_shared>> -> memref<10112x128xf32, #tpu.memory_space<vmem_shared>>
        tpu.enqueue_indirect_dma source(%arg9 : memref<128x128xf32, #tpu.memory_space<vmem>>) target(%dma_start3A_624 : memref<10112x128xf32, #tpu.memory_space<vmem_shared>>) offsets(%dma_start3A_621 : memref<128xi32, #tpu.memory_space<vmem>>) semaphore(%run_scoped3A_618 : memref<!tpu.dma_semaphore, #tpu.memory_space<semaphore_mem>>) {add = true}
        %dma_wait3A_625 = arith.constant 0 : i32
        %dma_wait3A_626 = tpu.memref_slice %arg8[%run_scoped3A_309, %dma_wait3A_625] : memref<40x128xi32, #tpu.memory_space<vmem>> -> memref<1x128xi32, #tpu.memory_space<vmem>>
        %dma_wait3A_627 = tpu.memref_squeeze %dma_wait3A_626 : memref<1x128xi32, #tpu.memory_space<vmem>> -> memref<128xi32, #tpu.memory_space<vmem>>
        %dma_wait3A_628 = arith.constant 0 : i32
        %dma_wait3A_629 = arith.constant 0 : i32
        %dma_wait3A_630 = tpu.memref_slice %arg13[%dma_wait3A_628, %dma_wait3A_629] : memref<10112x128xf32, #tpu.memory_space<vmem_shared>> -> memref<10112x128xf32, #tpu.memory_space<vmem_shared>>
        tpu.wait_indirect_dma semaphore(%run_scoped3A_618 : memref<!tpu.dma_semaphore, #tpu.memory_space<semaphore_mem>>) src(%arg9 : memref<128x128xf32, #tpu.memory_space<vmem>>) dst(%dma_wait3A_630 : memref<10112x128xf32, #tpu.memory_space<vmem_shared>>)
        tpu.yield
      }) : () -> ()
      %dma_start3A_310 = arith.constant 20 : i32
      %dma_start3A_311 = arith.constant 0 : i32
      %dma_start3A_312 = tpu.memref_slice %arg7[%dma_start3A_310, %dma_start3A_311] : memref<40x128xi32, #tpu.memory_space<vmem>> -> memref<1x128xi32, #tpu.memory_space<vmem>>
      %dma_start3A_313 = tpu.memref_squeeze %dma_start3A_312 : memref<1x128xi32, #tpu.memory_space<vmem>> -> memref<128xi32, #tpu.memory_space<vmem>>
      %dma_start3A_314 = arith.constant 0 : i32
      %dma_start3A_315 = arith.constant 0 : i32
      %dma_start3A_316 = tpu.memref_slice %arg4[%dma_start3A_314, %dma_start3A_315] : memref<10112x128xf32, #tpu.memory_space<hbm>> -> memref<10112x128xf32, #tpu.memory_space<hbm>>
      tpu.enqueue_indirect_dma source(%dma_start3A_316 : memref<10112x128xf32, #tpu.memory_space<hbm>>) target(%arg9 : memref<128x128xf32, #tpu.memory_space<vmem>>) offsets(%dma_start3A_313 : memref<128xi32, #tpu.memory_space<vmem>>) semaphore(%arg11 : memref<!tpu.dma_semaphore, #tpu.memory_space<semaphore_mem>>)
      %dma_wait3A_317 = arith.constant 19 : i32
      %dma_wait3A_318 = arith.constant 0 : i32
      %dma_wait3A_319 = tpu.memref_slice %arg7[%dma_wait3A_317, %dma_wait3A_318] : memref<40x128xi32, #tpu.memory_space<vmem>> -> memref<1x128xi32, #tpu.memory_space<vmem>>
      %dma_wait3A_320 = tpu.memref_squeeze %dma_wait3A_319 : memref<1x128xi32, #tpu.memory_space<vmem>> -> memref<128xi32, #tpu.memory_space<vmem>>
      %dma_wait3A_321 = arith.constant 0 : i32
      %dma_wait3A_322 = arith.constant 0 : i32
      %dma_wait3A_323 = tpu.memref_slice %arg4[%dma_wait3A_321, %dma_wait3A_322] : memref<10112x128xf32, #tpu.memory_space<hbm>> -> memref<10112x128xf32, #tpu.memory_space<hbm>>
      tpu.wait_indirect_dma semaphore(%arg12 : memref<!tpu.dma_semaphore, #tpu.memory_space<semaphore_mem>>) src(%dma_wait3A_323 : memref<10112x128xf32, #tpu.memory_space<hbm>>) dst(%arg10 : memref<128x128xf32, #tpu.memory_space<vmem>>)
      %run_scoped3A_324 = arith.constant 19 : i32
      "tpu.region"() ({
        %run_scoped3A_618 = tpu.sem_alloc : memref<!tpu.dma_semaphore, #tpu.memory_space<semaphore_mem>>
        %dma_start3A_619 = arith.constant 0 : i32
        %dma_start3A_620 = tpu.memref_slice %arg8[%run_scoped3A_324, %dma_start3A_619] : memref<40x128xi32, #tpu.memory_space<vmem>> -> memref<1x128xi32, #tpu.memory_space<vmem>>
        %dma_start3A_621 = tpu.memref_squeeze %dma_start3A_620 : memref<1x128xi32, #tpu.memory_space<vmem>> -> memref<128xi32, #tpu.memory_space<vmem>>
        %dma_start3A_622 = arith.constant 0 : i32
        %dma_start3A_623 = arith.constant 0 : i32
        %dma_start3A_624 = tpu.memref_slice %arg13[%dma_start3A_622, %dma_start3A_623] : memref<10112x128xf32, #tpu.memory_space<vmem_shared>> -> memref<10112x128xf32, #tpu.memory_space<vmem_shared>>
        tpu.enqueue_indirect_dma source(%arg10 : memref<128x128xf32, #tpu.memory_space<vmem>>) target(%dma_start3A_624 : memref<10112x128xf32, #tpu.memory_space<vmem_shared>>) offsets(%dma_start3A_621 : memref<128xi32, #tpu.memory_space<vmem>>) semaphore(%run_scoped3A_618 : memref<!tpu.dma_semaphore, #tpu.memory_space<semaphore_mem>>) {add = true}
        %dma_wait3A_625 = arith.constant 0 : i32
        %dma_wait3A_626 = tpu.memref_slice %arg8[%run_scoped3A_324, %dma_wait3A_625] : memref<40x128xi32, #tpu.memory_space<vmem>> -> memref<1x128xi32, #tpu.memory_space<vmem>>
        %dma_wait3A_627 = tpu.memref_squeeze %dma_wait3A_626 : memref<1x128xi32, #tpu.memory_space<vmem>> -> memref<128xi32, #tpu.memory_space<vmem>>
        %dma_wait3A_628 = arith.constant 0 : i32
        %dma_wait3A_629 = arith.constant 0 : i32
        %dma_wait3A_630 = tpu.memref_slice %arg13[%dma_wait3A_628, %dma_wait3A_629] : memref<10112x128xf32, #tpu.memory_space<vmem_shared>> -> memref<10112x128xf32, #tpu.memory_space<vmem_shared>>
        tpu.wait_indirect_dma semaphore(%run_scoped3A_618 : memref<!tpu.dma_semaphore, #tpu.memory_space<semaphore_mem>>) src(%arg10 : memref<128x128xf32, #tpu.memory_space<vmem>>) dst(%dma_wait3A_630 : memref<10112x128xf32, #tpu.memory_space<vmem_shared>>)
        tpu.yield
      }) : () -> ()
      %dma_start3A_325 = arith.constant 21 : i32
      %dma_start3A_326 = arith.constant 0 : i32
      %dma_start3A_327 = tpu.memref_slice %arg7[%dma_start3A_325, %dma_start3A_326] : memref<40x128xi32, #tpu.memory_space<vmem>> -> memref<1x128xi32, #tpu.memory_space<vmem>>
      %dma_start3A_328 = tpu.memref_squeeze %dma_start3A_327 : memref<1x128xi32, #tpu.memory_space<vmem>> -> memref<128xi32, #tpu.memory_space<vmem>>
      %dma_start3A_329 = arith.constant 0 : i32
      %dma_start3A_330 = arith.constant 0 : i32
      %dma_start3A_331 = tpu.memref_slice %arg4[%dma_start3A_329, %dma_start3A_330] : memref<10112x128xf32, #tpu.memory_space<hbm>> -> memref<10112x128xf32, #tpu.memory_space<hbm>>
      tpu.enqueue_indirect_dma source(%dma_start3A_331 : memref<10112x128xf32, #tpu.memory_space<hbm>>) target(%arg10 : memref<128x128xf32, #tpu.memory_space<vmem>>) offsets(%dma_start3A_328 : memref<128xi32, #tpu.memory_space<vmem>>) semaphore(%arg12 : memref<!tpu.dma_semaphore, #tpu.memory_space<semaphore_mem>>)
      %dma_wait3A_332 = arith.constant 20 : i32
      %dma_wait3A_333 = arith.constant 0 : i32
      %dma_wait3A_334 = tpu.memref_slice %arg7[%dma_wait3A_332, %dma_wait3A_333] : memref<40x128xi32, #tpu.memory_space<vmem>> -> memref<1x128xi32, #tpu.memory_space<vmem>>
      %dma_wait3A_335 = tpu.memref_squeeze %dma_wait3A_334 : memref<1x128xi32, #tpu.memory_space<vmem>> -> memref<128xi32, #tpu.memory_space<vmem>>
      %dma_wait3A_336 = arith.constant 0 : i32
      %dma_wait3A_337 = arith.constant 0 : i32
      %dma_wait3A_338 = tpu.memref_slice %arg4[%dma_wait3A_336, %dma_wait3A_337] : memref<10112x128xf32, #tpu.memory_space<hbm>> -> memref<10112x128xf32, #tpu.memory_space<hbm>>
      tpu.wait_indirect_dma semaphore(%arg11 : memref<!tpu.dma_semaphore, #tpu.memory_space<semaphore_mem>>) src(%dma_wait3A_338 : memref<10112x128xf32, #tpu.memory_space<hbm>>) dst(%arg9 : memref<128x128xf32, #tpu.memory_space<vmem>>)
      %run_scoped3A_339 = arith.constant 20 : i32
      "tpu.region"() ({
        %run_scoped3A_618 = tpu.sem_alloc : memref<!tpu.dma_semaphore, #tpu.memory_space<semaphore_mem>>
        %dma_start3A_619 = arith.constant 0 : i32
        %dma_start3A_620 = tpu.memref_slice %arg8[%run_scoped3A_339, %dma_start3A_619] : memref<40x128xi32, #tpu.memory_space<vmem>> -> memref<1x128xi32, #tpu.memory_space<vmem>>
        %dma_start3A_621 = tpu.memref_squeeze %dma_start3A_620 : memref<1x128xi32, #tpu.memory_space<vmem>> -> memref<128xi32, #tpu.memory_space<vmem>>
        %dma_start3A_622 = arith.constant 0 : i32
        %dma_start3A_623 = arith.constant 0 : i32
        %dma_start3A_624 = tpu.memref_slice %arg13[%dma_start3A_622, %dma_start3A_623] : memref<10112x128xf32, #tpu.memory_space<vmem_shared>> -> memref<10112x128xf32, #tpu.memory_space<vmem_shared>>
        tpu.enqueue_indirect_dma source(%arg9 : memref<128x128xf32, #tpu.memory_space<vmem>>) target(%dma_start3A_624 : memref<10112x128xf32, #tpu.memory_space<vmem_shared>>) offsets(%dma_start3A_621 : memref<128xi32, #tpu.memory_space<vmem>>) semaphore(%run_scoped3A_618 : memref<!tpu.dma_semaphore, #tpu.memory_space<semaphore_mem>>) {add = true}
        %dma_wait3A_625 = arith.constant 0 : i32
        %dma_wait3A_626 = tpu.memref_slice %arg8[%run_scoped3A_339, %dma_wait3A_625] : memref<40x128xi32, #tpu.memory_space<vmem>> -> memref<1x128xi32, #tpu.memory_space<vmem>>
        %dma_wait3A_627 = tpu.memref_squeeze %dma_wait3A_626 : memref<1x128xi32, #tpu.memory_space<vmem>> -> memref<128xi32, #tpu.memory_space<vmem>>
        %dma_wait3A_628 = arith.constant 0 : i32
        %dma_wait3A_629 = arith.constant 0 : i32
        %dma_wait3A_630 = tpu.memref_slice %arg13[%dma_wait3A_628, %dma_wait3A_629] : memref<10112x128xf32, #tpu.memory_space<vmem_shared>> -> memref<10112x128xf32, #tpu.memory_space<vmem_shared>>
        tpu.wait_indirect_dma semaphore(%run_scoped3A_618 : memref<!tpu.dma_semaphore, #tpu.memory_space<semaphore_mem>>) src(%arg9 : memref<128x128xf32, #tpu.memory_space<vmem>>) dst(%dma_wait3A_630 : memref<10112x128xf32, #tpu.memory_space<vmem_shared>>)
        tpu.yield
      }) : () -> ()
      %dma_start3A_340 = arith.constant 22 : i32
      %dma_start3A_341 = arith.constant 0 : i32
      %dma_start3A_342 = tpu.memref_slice %arg7[%dma_start3A_340, %dma_start3A_341] : memref<40x128xi32, #tpu.memory_space<vmem>> -> memref<1x128xi32, #tpu.memory_space<vmem>>
      %dma_start3A_343 = tpu.memref_squeeze %dma_start3A_342 : memref<1x128xi32, #tpu.memory_space<vmem>> -> memref<128xi32, #tpu.memory_space<vmem>>
      %dma_start3A_344 = arith.constant 0 : i32
      %dma_start3A_345 = arith.constant 0 : i32
      %dma_start3A_346 = tpu.memref_slice %arg4[%dma_start3A_344, %dma_start3A_345] : memref<10112x128xf32, #tpu.memory_space<hbm>> -> memref<10112x128xf32, #tpu.memory_space<hbm>>
      tpu.enqueue_indirect_dma source(%dma_start3A_346 : memref<10112x128xf32, #tpu.memory_space<hbm>>) target(%arg9 : memref<128x128xf32, #tpu.memory_space<vmem>>) offsets(%dma_start3A_343 : memref<128xi32, #tpu.memory_space<vmem>>) semaphore(%arg11 : memref<!tpu.dma_semaphore, #tpu.memory_space<semaphore_mem>>)
      %dma_wait3A_347 = arith.constant 21 : i32
      %dma_wait3A_348 = arith.constant 0 : i32
      %dma_wait3A_349 = tpu.memref_slice %arg7[%dma_wait3A_347, %dma_wait3A_348] : memref<40x128xi32, #tpu.memory_space<vmem>> -> memref<1x128xi32, #tpu.memory_space<vmem>>
      %dma_wait3A_350 = tpu.memref_squeeze %dma_wait3A_349 : memref<1x128xi32, #tpu.memory_space<vmem>> -> memref<128xi32, #tpu.memory_space<vmem>>
      %dma_wait3A_351 = arith.constant 0 : i32
      %dma_wait3A_352 = arith.constant 0 : i32
      %dma_wait3A_353 = tpu.memref_slice %arg4[%dma_wait3A_351, %dma_wait3A_352] : memref<10112x128xf32, #tpu.memory_space<hbm>> -> memref<10112x128xf32, #tpu.memory_space<hbm>>
      tpu.wait_indirect_dma semaphore(%arg12 : memref<!tpu.dma_semaphore, #tpu.memory_space<semaphore_mem>>) src(%dma_wait3A_353 : memref<10112x128xf32, #tpu.memory_space<hbm>>) dst(%arg10 : memref<128x128xf32, #tpu.memory_space<vmem>>)
      %run_scoped3A_354 = arith.constant 21 : i32
      "tpu.region"() ({
        %run_scoped3A_618 = tpu.sem_alloc : memref<!tpu.dma_semaphore, #tpu.memory_space<semaphore_mem>>
        %dma_start3A_619 = arith.constant 0 : i32
        %dma_start3A_620 = tpu.memref_slice %arg8[%run_scoped3A_354, %dma_start3A_619] : memref<40x128xi32, #tpu.memory_space<vmem>> -> memref<1x128xi32, #tpu.memory_space<vmem>>
        %dma_start3A_621 = tpu.memref_squeeze %dma_start3A_620 : memref<1x128xi32, #tpu.memory_space<vmem>> -> memref<128xi32, #tpu.memory_space<vmem>>
        %dma_start3A_622 = arith.constant 0 : i32
        %dma_start3A_623 = arith.constant 0 : i32
        %dma_start3A_624 = tpu.memref_slice %arg13[%dma_start3A_622, %dma_start3A_623] : memref<10112x128xf32, #tpu.memory_space<vmem_shared>> -> memref<10112x128xf32, #tpu.memory_space<vmem_shared>>
        tpu.enqueue_indirect_dma source(%arg10 : memref<128x128xf32, #tpu.memory_space<vmem>>) target(%dma_start3A_624 : memref<10112x128xf32, #tpu.memory_space<vmem_shared>>) offsets(%dma_start3A_621 : memref<128xi32, #tpu.memory_space<vmem>>) semaphore(%run_scoped3A_618 : memref<!tpu.dma_semaphore, #tpu.memory_space<semaphore_mem>>) {add = true}
        %dma_wait3A_625 = arith.constant 0 : i32
        %dma_wait3A_626 = tpu.memref_slice %arg8[%run_scoped3A_354, %dma_wait3A_625] : memref<40x128xi32, #tpu.memory_space<vmem>> -> memref<1x128xi32, #tpu.memory_space<vmem>>
        %dma_wait3A_627 = tpu.memref_squeeze %dma_wait3A_626 : memref<1x128xi32, #tpu.memory_space<vmem>> -> memref<128xi32, #tpu.memory_space<vmem>>
        %dma_wait3A_628 = arith.constant 0 : i32
        %dma_wait3A_629 = arith.constant 0 : i32
        %dma_wait3A_630 = tpu.memref_slice %arg13[%dma_wait3A_628, %dma_wait3A_629] : memref<10112x128xf32, #tpu.memory_space<vmem_shared>> -> memref<10112x128xf32, #tpu.memory_space<vmem_shared>>
        tpu.wait_indirect_dma semaphore(%run_scoped3A_618 : memref<!tpu.dma_semaphore, #tpu.memory_space<semaphore_mem>>) src(%arg10 : memref<128x128xf32, #tpu.memory_space<vmem>>) dst(%dma_wait3A_630 : memref<10112x128xf32, #tpu.memory_space<vmem_shared>>)
        tpu.yield
      }) : () -> ()
      %dma_start3A_355 = arith.constant 23 : i32
      %dma_start3A_356 = arith.constant 0 : i32
      %dma_start3A_357 = tpu.memref_slice %arg7[%dma_start3A_355, %dma_start3A_356] : memref<40x128xi32, #tpu.memory_space<vmem>> -> memref<1x128xi32, #tpu.memory_space<vmem>>
      %dma_start3A_358 = tpu.memref_squeeze %dma_start3A_357 : memref<1x128xi32, #tpu.memory_space<vmem>> -> memref<128xi32, #tpu.memory_space<vmem>>
      %dma_start3A_359 = arith.constant 0 : i32
      %dma_start3A_360 = arith.constant 0 : i32
      %dma_start3A_361 = tpu.memref_slice %arg4[%dma_start3A_359, %dma_start3A_360] : memref<10112x128xf32, #tpu.memory_space<hbm>> -> memref<10112x128xf32, #tpu.memory_space<hbm>>
      tpu.enqueue_indirect_dma source(%dma_start3A_361 : memref<10112x128xf32, #tpu.memory_space<hbm>>) target(%arg10 : memref<128x128xf32, #tpu.memory_space<vmem>>) offsets(%dma_start3A_358 : memref<128xi32, #tpu.memory_space<vmem>>) semaphore(%arg12 : memref<!tpu.dma_semaphore, #tpu.memory_space<semaphore_mem>>)
      %dma_wait3A_362 = arith.constant 22 : i32
      %dma_wait3A_363 = arith.constant 0 : i32
      %dma_wait3A_364 = tpu.memref_slice %arg7[%dma_wait3A_362, %dma_wait3A_363] : memref<40x128xi32, #tpu.memory_space<vmem>> -> memref<1x128xi32, #tpu.memory_space<vmem>>
      %dma_wait3A_365 = tpu.memref_squeeze %dma_wait3A_364 : memref<1x128xi32, #tpu.memory_space<vmem>> -> memref<128xi32, #tpu.memory_space<vmem>>
      %dma_wait3A_366 = arith.constant 0 : i32
      %dma_wait3A_367 = arith.constant 0 : i32
      %dma_wait3A_368 = tpu.memref_slice %arg4[%dma_wait3A_366, %dma_wait3A_367] : memref<10112x128xf32, #tpu.memory_space<hbm>> -> memref<10112x128xf32, #tpu.memory_space<hbm>>
      tpu.wait_indirect_dma semaphore(%arg11 : memref<!tpu.dma_semaphore, #tpu.memory_space<semaphore_mem>>) src(%dma_wait3A_368 : memref<10112x128xf32, #tpu.memory_space<hbm>>) dst(%arg9 : memref<128x128xf32, #tpu.memory_space<vmem>>)
      %run_scoped3A_369 = arith.constant 22 : i32
      "tpu.region"() ({
        %run_scoped3A_618 = tpu.sem_alloc : memref<!tpu.dma_semaphore, #tpu.memory_space<semaphore_mem>>
        %dma_start3A_619 = arith.constant 0 : i32
        %dma_start3A_620 = tpu.memref_slice %arg8[%run_scoped3A_369, %dma_start3A_619] : memref<40x128xi32, #tpu.memory_space<vmem>> -> memref<1x128xi32, #tpu.memory_space<vmem>>
        %dma_start3A_621 = tpu.memref_squeeze %dma_start3A_620 : memref<1x128xi32, #tpu.memory_space<vmem>> -> memref<128xi32, #tpu.memory_space<vmem>>
        %dma_start3A_622 = arith.constant 0 : i32
        %dma_start3A_623 = arith.constant 0 : i32
        %dma_start3A_624 = tpu.memref_slice %arg13[%dma_start3A_622, %dma_start3A_623] : memref<10112x128xf32, #tpu.memory_space<vmem_shared>> -> memref<10112x128xf32, #tpu.memory_space<vmem_shared>>
        tpu.enqueue_indirect_dma source(%arg9 : memref<128x128xf32, #tpu.memory_space<vmem>>) target(%dma_start3A_624 : memref<10112x128xf32, #tpu.memory_space<vmem_shared>>) offsets(%dma_start3A_621 : memref<128xi32, #tpu.memory_space<vmem>>) semaphore(%run_scoped3A_618 : memref<!tpu.dma_semaphore, #tpu.memory_space<semaphore_mem>>) {add = true}
        %dma_wait3A_625 = arith.constant 0 : i32
        %dma_wait3A_626 = tpu.memref_slice %arg8[%run_scoped3A_369, %dma_wait3A_625] : memref<40x128xi32, #tpu.memory_space<vmem>> -> memref<1x128xi32, #tpu.memory_space<vmem>>
        %dma_wait3A_627 = tpu.memref_squeeze %dma_wait3A_626 : memref<1x128xi32, #tpu.memory_space<vmem>> -> memref<128xi32, #tpu.memory_space<vmem>>
        %dma_wait3A_628 = arith.constant 0 : i32
        %dma_wait3A_629 = arith.constant 0 : i32
        %dma_wait3A_630 = tpu.memref_slice %arg13[%dma_wait3A_628, %dma_wait3A_629] : memref<10112x128xf32, #tpu.memory_space<vmem_shared>> -> memref<10112x128xf32, #tpu.memory_space<vmem_shared>>
        tpu.wait_indirect_dma semaphore(%run_scoped3A_618 : memref<!tpu.dma_semaphore, #tpu.memory_space<semaphore_mem>>) src(%arg9 : memref<128x128xf32, #tpu.memory_space<vmem>>) dst(%dma_wait3A_630 : memref<10112x128xf32, #tpu.memory_space<vmem_shared>>)
        tpu.yield
      }) : () -> ()
      %dma_start3A_370 = arith.constant 24 : i32
      %dma_start3A_371 = arith.constant 0 : i32
      %dma_start3A_372 = tpu.memref_slice %arg7[%dma_start3A_370, %dma_start3A_371] : memref<40x128xi32, #tpu.memory_space<vmem>> -> memref<1x128xi32, #tpu.memory_space<vmem>>
      %dma_start3A_373 = tpu.memref_squeeze %dma_start3A_372 : memref<1x128xi32, #tpu.memory_space<vmem>> -> memref<128xi32, #tpu.memory_space<vmem>>
      %dma_start3A_374 = arith.constant 0 : i32
      %dma_start3A_375 = arith.constant 0 : i32
      %dma_start3A_376 = tpu.memref_slice %arg4[%dma_start3A_374, %dma_start3A_375] : memref<10112x128xf32, #tpu.memory_space<hbm>> -> memref<10112x128xf32, #tpu.memory_space<hbm>>
      tpu.enqueue_indirect_dma source(%dma_start3A_376 : memref<10112x128xf32, #tpu.memory_space<hbm>>) target(%arg9 : memref<128x128xf32, #tpu.memory_space<vmem>>) offsets(%dma_start3A_373 : memref<128xi32, #tpu.memory_space<vmem>>) semaphore(%arg11 : memref<!tpu.dma_semaphore, #tpu.memory_space<semaphore_mem>>)
      %dma_wait3A_377 = arith.constant 23 : i32
      %dma_wait3A_378 = arith.constant 0 : i32
      %dma_wait3A_379 = tpu.memref_slice %arg7[%dma_wait3A_377, %dma_wait3A_378] : memref<40x128xi32, #tpu.memory_space<vmem>> -> memref<1x128xi32, #tpu.memory_space<vmem>>
      %dma_wait3A_380 = tpu.memref_squeeze %dma_wait3A_379 : memref<1x128xi32, #tpu.memory_space<vmem>> -> memref<128xi32, #tpu.memory_space<vmem>>
      %dma_wait3A_381 = arith.constant 0 : i32
      %dma_wait3A_382 = arith.constant 0 : i32
      %dma_wait3A_383 = tpu.memref_slice %arg4[%dma_wait3A_381, %dma_wait3A_382] : memref<10112x128xf32, #tpu.memory_space<hbm>> -> memref<10112x128xf32, #tpu.memory_space<hbm>>
      tpu.wait_indirect_dma semaphore(%arg12 : memref<!tpu.dma_semaphore, #tpu.memory_space<semaphore_mem>>) src(%dma_wait3A_383 : memref<10112x128xf32, #tpu.memory_space<hbm>>) dst(%arg10 : memref<128x128xf32, #tpu.memory_space<vmem>>)
      %run_scoped3A_384 = arith.constant 23 : i32
      "tpu.region"() ({
        %run_scoped3A_618 = tpu.sem_alloc : memref<!tpu.dma_semaphore, #tpu.memory_space<semaphore_mem>>
        %dma_start3A_619 = arith.constant 0 : i32
        %dma_start3A_620 = tpu.memref_slice %arg8[%run_scoped3A_384, %dma_start3A_619] : memref<40x128xi32, #tpu.memory_space<vmem>> -> memref<1x128xi32, #tpu.memory_space<vmem>>
        %dma_start3A_621 = tpu.memref_squeeze %dma_start3A_620 : memref<1x128xi32, #tpu.memory_space<vmem>> -> memref<128xi32, #tpu.memory_space<vmem>>
        %dma_start3A_622 = arith.constant 0 : i32
        %dma_start3A_623 = arith.constant 0 : i32
        %dma_start3A_624 = tpu.memref_slice %arg13[%dma_start3A_622, %dma_start3A_623] : memref<10112x128xf32, #tpu.memory_space<vmem_shared>> -> memref<10112x128xf32, #tpu.memory_space<vmem_shared>>
        tpu.enqueue_indirect_dma source(%arg10 : memref<128x128xf32, #tpu.memory_space<vmem>>) target(%dma_start3A_624 : memref<10112x128xf32, #tpu.memory_space<vmem_shared>>) offsets(%dma_start3A_621 : memref<128xi32, #tpu.memory_space<vmem>>) semaphore(%run_scoped3A_618 : memref<!tpu.dma_semaphore, #tpu.memory_space<semaphore_mem>>) {add = true}
        %dma_wait3A_625 = arith.constant 0 : i32
        %dma_wait3A_626 = tpu.memref_slice %arg8[%run_scoped3A_384, %dma_wait3A_625] : memref<40x128xi32, #tpu.memory_space<vmem>> -> memref<1x128xi32, #tpu.memory_space<vmem>>
        %dma_wait3A_627 = tpu.memref_squeeze %dma_wait3A_626 : memref<1x128xi32, #tpu.memory_space<vmem>> -> memref<128xi32, #tpu.memory_space<vmem>>
        %dma_wait3A_628 = arith.constant 0 : i32
        %dma_wait3A_629 = arith.constant 0 : i32
        %dma_wait3A_630 = tpu.memref_slice %arg13[%dma_wait3A_628, %dma_wait3A_629] : memref<10112x128xf32, #tpu.memory_space<vmem_shared>> -> memref<10112x128xf32, #tpu.memory_space<vmem_shared>>
        tpu.wait_indirect_dma semaphore(%run_scoped3A_618 : memref<!tpu.dma_semaphore, #tpu.memory_space<semaphore_mem>>) src(%arg10 : memref<128x128xf32, #tpu.memory_space<vmem>>) dst(%dma_wait3A_630 : memref<10112x128xf32, #tpu.memory_space<vmem_shared>>)
        tpu.yield
      }) : () -> ()
      %dma_start3A_385 = arith.constant 25 : i32
      %dma_start3A_386 = arith.constant 0 : i32
      %dma_start3A_387 = tpu.memref_slice %arg7[%dma_start3A_385, %dma_start3A_386] : memref<40x128xi32, #tpu.memory_space<vmem>> -> memref<1x128xi32, #tpu.memory_space<vmem>>
      %dma_start3A_388 = tpu.memref_squeeze %dma_start3A_387 : memref<1x128xi32, #tpu.memory_space<vmem>> -> memref<128xi32, #tpu.memory_space<vmem>>
      %dma_start3A_389 = arith.constant 0 : i32
      %dma_start3A_390 = arith.constant 0 : i32
      %dma_start3A_391 = tpu.memref_slice %arg4[%dma_start3A_389, %dma_start3A_390] : memref<10112x128xf32, #tpu.memory_space<hbm>> -> memref<10112x128xf32, #tpu.memory_space<hbm>>
      tpu.enqueue_indirect_dma source(%dma_start3A_391 : memref<10112x128xf32, #tpu.memory_space<hbm>>) target(%arg10 : memref<128x128xf32, #tpu.memory_space<vmem>>) offsets(%dma_start3A_388 : memref<128xi32, #tpu.memory_space<vmem>>) semaphore(%arg12 : memref<!tpu.dma_semaphore, #tpu.memory_space<semaphore_mem>>)
      %dma_wait3A_392 = arith.constant 24 : i32
      %dma_wait3A_393 = arith.constant 0 : i32
      %dma_wait3A_394 = tpu.memref_slice %arg7[%dma_wait3A_392, %dma_wait3A_393] : memref<40x128xi32, #tpu.memory_space<vmem>> -> memref<1x128xi32, #tpu.memory_space<vmem>>
      %dma_wait3A_395 = tpu.memref_squeeze %dma_wait3A_394 : memref<1x128xi32, #tpu.memory_space<vmem>> -> memref<128xi32, #tpu.memory_space<vmem>>
      %dma_wait3A_396 = arith.constant 0 : i32
      %dma_wait3A_397 = arith.constant 0 : i32
      %dma_wait3A_398 = tpu.memref_slice %arg4[%dma_wait3A_396, %dma_wait3A_397] : memref<10112x128xf32, #tpu.memory_space<hbm>> -> memref<10112x128xf32, #tpu.memory_space<hbm>>
      tpu.wait_indirect_dma semaphore(%arg11 : memref<!tpu.dma_semaphore, #tpu.memory_space<semaphore_mem>>) src(%dma_wait3A_398 : memref<10112x128xf32, #tpu.memory_space<hbm>>) dst(%arg9 : memref<128x128xf32, #tpu.memory_space<vmem>>)
      %run_scoped3A_399 = arith.constant 24 : i32
      "tpu.region"() ({
        %run_scoped3A_618 = tpu.sem_alloc : memref<!tpu.dma_semaphore, #tpu.memory_space<semaphore_mem>>
        %dma_start3A_619 = arith.constant 0 : i32
        %dma_start3A_620 = tpu.memref_slice %arg8[%run_scoped3A_399, %dma_start3A_619] : memref<40x128xi32, #tpu.memory_space<vmem>> -> memref<1x128xi32, #tpu.memory_space<vmem>>
        %dma_start3A_621 = tpu.memref_squeeze %dma_start3A_620 : memref<1x128xi32, #tpu.memory_space<vmem>> -> memref<128xi32, #tpu.memory_space<vmem>>
        %dma_start3A_622 = arith.constant 0 : i32
        %dma_start3A_623 = arith.constant 0 : i32
        %dma_start3A_624 = tpu.memref_slice %arg13[%dma_start3A_622, %dma_start3A_623] : memref<10112x128xf32, #tpu.memory_space<vmem_shared>> -> memref<10112x128xf32, #tpu.memory_space<vmem_shared>>
        tpu.enqueue_indirect_dma source(%arg9 : memref<128x128xf32, #tpu.memory_space<vmem>>) target(%dma_start3A_624 : memref<10112x128xf32, #tpu.memory_space<vmem_shared>>) offsets(%dma_start3A_621 : memref<128xi32, #tpu.memory_space<vmem>>) semaphore(%run_scoped3A_618 : memref<!tpu.dma_semaphore, #tpu.memory_space<semaphore_mem>>) {add = true}
        %dma_wait3A_625 = arith.constant 0 : i32
        %dma_wait3A_626 = tpu.memref_slice %arg8[%run_scoped3A_399, %dma_wait3A_625] : memref<40x128xi32, #tpu.memory_space<vmem>> -> memref<1x128xi32, #tpu.memory_space<vmem>>
        %dma_wait3A_627 = tpu.memref_squeeze %dma_wait3A_626 : memref<1x128xi32, #tpu.memory_space<vmem>> -> memref<128xi32, #tpu.memory_space<vmem>>
        %dma_wait3A_628 = arith.constant 0 : i32
        %dma_wait3A_629 = arith.constant 0 : i32
        %dma_wait3A_630 = tpu.memref_slice %arg13[%dma_wait3A_628, %dma_wait3A_629] : memref<10112x128xf32, #tpu.memory_space<vmem_shared>> -> memref<10112x128xf32, #tpu.memory_space<vmem_shared>>
        tpu.wait_indirect_dma semaphore(%run_scoped3A_618 : memref<!tpu.dma_semaphore, #tpu.memory_space<semaphore_mem>>) src(%arg9 : memref<128x128xf32, #tpu.memory_space<vmem>>) dst(%dma_wait3A_630 : memref<10112x128xf32, #tpu.memory_space<vmem_shared>>)
        tpu.yield
      }) : () -> ()
      %dma_start3A_400 = arith.constant 26 : i32
      %dma_start3A_401 = arith.constant 0 : i32
      %dma_start3A_402 = tpu.memref_slice %arg7[%dma_start3A_400, %dma_start3A_401] : memref<40x128xi32, #tpu.memory_space<vmem>> -> memref<1x128xi32, #tpu.memory_space<vmem>>
      %dma_start3A_403 = tpu.memref_squeeze %dma_start3A_402 : memref<1x128xi32, #tpu.memory_space<vmem>> -> memref<128xi32, #tpu.memory_space<vmem>>
      %dma_start3A_404 = arith.constant 0 : i32
      %dma_start3A_405 = arith.constant 0 : i32
      %dma_start3A_406 = tpu.memref_slice %arg4[%dma_start3A_404, %dma_start3A_405] : memref<10112x128xf32, #tpu.memory_space<hbm>> -> memref<10112x128xf32, #tpu.memory_space<hbm>>
      tpu.enqueue_indirect_dma source(%dma_start3A_406 : memref<10112x128xf32, #tpu.memory_space<hbm>>) target(%arg9 : memref<128x128xf32, #tpu.memory_space<vmem>>) offsets(%dma_start3A_403 : memref<128xi32, #tpu.memory_space<vmem>>) semaphore(%arg11 : memref<!tpu.dma_semaphore, #tpu.memory_space<semaphore_mem>>)
      %dma_wait3A_407 = arith.constant 25 : i32
      %dma_wait3A_408 = arith.constant 0 : i32
      %dma_wait3A_409 = tpu.memref_slice %arg7[%dma_wait3A_407, %dma_wait3A_408] : memref<40x128xi32, #tpu.memory_space<vmem>> -> memref<1x128xi32, #tpu.memory_space<vmem>>
      %dma_wait3A_410 = tpu.memref_squeeze %dma_wait3A_409 : memref<1x128xi32, #tpu.memory_space<vmem>> -> memref<128xi32, #tpu.memory_space<vmem>>
      %dma_wait3A_411 = arith.constant 0 : i32
      %dma_wait3A_412 = arith.constant 0 : i32
      %dma_wait3A_413 = tpu.memref_slice %arg4[%dma_wait3A_411, %dma_wait3A_412] : memref<10112x128xf32, #tpu.memory_space<hbm>> -> memref<10112x128xf32, #tpu.memory_space<hbm>>
      tpu.wait_indirect_dma semaphore(%arg12 : memref<!tpu.dma_semaphore, #tpu.memory_space<semaphore_mem>>) src(%dma_wait3A_413 : memref<10112x128xf32, #tpu.memory_space<hbm>>) dst(%arg10 : memref<128x128xf32, #tpu.memory_space<vmem>>)
      %run_scoped3A_414 = arith.constant 25 : i32
      "tpu.region"() ({
        %run_scoped3A_618 = tpu.sem_alloc : memref<!tpu.dma_semaphore, #tpu.memory_space<semaphore_mem>>
        %dma_start3A_619 = arith.constant 0 : i32
        %dma_start3A_620 = tpu.memref_slice %arg8[%run_scoped3A_414, %dma_start3A_619] : memref<40x128xi32, #tpu.memory_space<vmem>> -> memref<1x128xi32, #tpu.memory_space<vmem>>
        %dma_start3A_621 = tpu.memref_squeeze %dma_start3A_620 : memref<1x128xi32, #tpu.memory_space<vmem>> -> memref<128xi32, #tpu.memory_space<vmem>>
        %dma_start3A_622 = arith.constant 0 : i32
        %dma_start3A_623 = arith.constant 0 : i32
        %dma_start3A_624 = tpu.memref_slice %arg13[%dma_start3A_622, %dma_start3A_623] : memref<10112x128xf32, #tpu.memory_space<vmem_shared>> -> memref<10112x128xf32, #tpu.memory_space<vmem_shared>>
        tpu.enqueue_indirect_dma source(%arg10 : memref<128x128xf32, #tpu.memory_space<vmem>>) target(%dma_start3A_624 : memref<10112x128xf32, #tpu.memory_space<vmem_shared>>) offsets(%dma_start3A_621 : memref<128xi32, #tpu.memory_space<vmem>>) semaphore(%run_scoped3A_618 : memref<!tpu.dma_semaphore, #tpu.memory_space<semaphore_mem>>) {add = true}
        %dma_wait3A_625 = arith.constant 0 : i32
        %dma_wait3A_626 = tpu.memref_slice %arg8[%run_scoped3A_414, %dma_wait3A_625] : memref<40x128xi32, #tpu.memory_space<vmem>> -> memref<1x128xi32, #tpu.memory_space<vmem>>
        %dma_wait3A_627 = tpu.memref_squeeze %dma_wait3A_626 : memref<1x128xi32, #tpu.memory_space<vmem>> -> memref<128xi32, #tpu.memory_space<vmem>>
        %dma_wait3A_628 = arith.constant 0 : i32
        %dma_wait3A_629 = arith.constant 0 : i32
        %dma_wait3A_630 = tpu.memref_slice %arg13[%dma_wait3A_628, %dma_wait3A_629] : memref<10112x128xf32, #tpu.memory_space<vmem_shared>> -> memref<10112x128xf32, #tpu.memory_space<vmem_shared>>
        tpu.wait_indirect_dma semaphore(%run_scoped3A_618 : memref<!tpu.dma_semaphore, #tpu.memory_space<semaphore_mem>>) src(%arg10 : memref<128x128xf32, #tpu.memory_space<vmem>>) dst(%dma_wait3A_630 : memref<10112x128xf32, #tpu.memory_space<vmem_shared>>)
        tpu.yield
      }) : () -> ()
      %dma_start3A_415 = arith.constant 27 : i32
      %dma_start3A_416 = arith.constant 0 : i32
      %dma_start3A_417 = tpu.memref_slice %arg7[%dma_start3A_415, %dma_start3A_416] : memref<40x128xi32, #tpu.memory_space<vmem>> -> memref<1x128xi32, #tpu.memory_space<vmem>>
      %dma_start3A_418 = tpu.memref_squeeze %dma_start3A_417 : memref<1x128xi32, #tpu.memory_space<vmem>> -> memref<128xi32, #tpu.memory_space<vmem>>
      %dma_start3A_419 = arith.constant 0 : i32
      %dma_start3A_420 = arith.constant 0 : i32
      %dma_start3A_421 = tpu.memref_slice %arg4[%dma_start3A_419, %dma_start3A_420] : memref<10112x128xf32, #tpu.memory_space<hbm>> -> memref<10112x128xf32, #tpu.memory_space<hbm>>
      tpu.enqueue_indirect_dma source(%dma_start3A_421 : memref<10112x128xf32, #tpu.memory_space<hbm>>) target(%arg10 : memref<128x128xf32, #tpu.memory_space<vmem>>) offsets(%dma_start3A_418 : memref<128xi32, #tpu.memory_space<vmem>>) semaphore(%arg12 : memref<!tpu.dma_semaphore, #tpu.memory_space<semaphore_mem>>)
      %dma_wait3A_422 = arith.constant 26 : i32
      %dma_wait3A_423 = arith.constant 0 : i32
      %dma_wait3A_424 = tpu.memref_slice %arg7[%dma_wait3A_422, %dma_wait3A_423] : memref<40x128xi32, #tpu.memory_space<vmem>> -> memref<1x128xi32, #tpu.memory_space<vmem>>
      %dma_wait3A_425 = tpu.memref_squeeze %dma_wait3A_424 : memref<1x128xi32, #tpu.memory_space<vmem>> -> memref<128xi32, #tpu.memory_space<vmem>>
      %dma_wait3A_426 = arith.constant 0 : i32
      %dma_wait3A_427 = arith.constant 0 : i32
      %dma_wait3A_428 = tpu.memref_slice %arg4[%dma_wait3A_426, %dma_wait3A_427] : memref<10112x128xf32, #tpu.memory_space<hbm>> -> memref<10112x128xf32, #tpu.memory_space<hbm>>
      tpu.wait_indirect_dma semaphore(%arg11 : memref<!tpu.dma_semaphore, #tpu.memory_space<semaphore_mem>>) src(%dma_wait3A_428 : memref<10112x128xf32, #tpu.memory_space<hbm>>) dst(%arg9 : memref<128x128xf32, #tpu.memory_space<vmem>>)
      %run_scoped3A_429 = arith.constant 26 : i32
      "tpu.region"() ({
        %run_scoped3A_618 = tpu.sem_alloc : memref<!tpu.dma_semaphore, #tpu.memory_space<semaphore_mem>>
        %dma_start3A_619 = arith.constant 0 : i32
        %dma_start3A_620 = tpu.memref_slice %arg8[%run_scoped3A_429, %dma_start3A_619] : memref<40x128xi32, #tpu.memory_space<vmem>> -> memref<1x128xi32, #tpu.memory_space<vmem>>
        %dma_start3A_621 = tpu.memref_squeeze %dma_start3A_620 : memref<1x128xi32, #tpu.memory_space<vmem>> -> memref<128xi32, #tpu.memory_space<vmem>>
        %dma_start3A_622 = arith.constant 0 : i32
        %dma_start3A_623 = arith.constant 0 : i32
        %dma_start3A_624 = tpu.memref_slice %arg13[%dma_start3A_622, %dma_start3A_623] : memref<10112x128xf32, #tpu.memory_space<vmem_shared>> -> memref<10112x128xf32, #tpu.memory_space<vmem_shared>>
        tpu.enqueue_indirect_dma source(%arg9 : memref<128x128xf32, #tpu.memory_space<vmem>>) target(%dma_start3A_624 : memref<10112x128xf32, #tpu.memory_space<vmem_shared>>) offsets(%dma_start3A_621 : memref<128xi32, #tpu.memory_space<vmem>>) semaphore(%run_scoped3A_618 : memref<!tpu.dma_semaphore, #tpu.memory_space<semaphore_mem>>) {add = true}
        %dma_wait3A_625 = arith.constant 0 : i32
        %dma_wait3A_626 = tpu.memref_slice %arg8[%run_scoped3A_429, %dma_wait3A_625] : memref<40x128xi32, #tpu.memory_space<vmem>> -> memref<1x128xi32, #tpu.memory_space<vmem>>
        %dma_wait3A_627 = tpu.memref_squeeze %dma_wait3A_626 : memref<1x128xi32, #tpu.memory_space<vmem>> -> memref<128xi32, #tpu.memory_space<vmem>>
        %dma_wait3A_628 = arith.constant 0 : i32
        %dma_wait3A_629 = arith.constant 0 : i32
        %dma_wait3A_630 = tpu.memref_slice %arg13[%dma_wait3A_628, %dma_wait3A_629] : memref<10112x128xf32, #tpu.memory_space<vmem_shared>> -> memref<10112x128xf32, #tpu.memory_space<vmem_shared>>
        tpu.wait_indirect_dma semaphore(%run_scoped3A_618 : memref<!tpu.dma_semaphore, #tpu.memory_space<semaphore_mem>>) src(%arg9 : memref<128x128xf32, #tpu.memory_space<vmem>>) dst(%dma_wait3A_630 : memref<10112x128xf32, #tpu.memory_space<vmem_shared>>)
        tpu.yield
      }) : () -> ()
      %dma_start3A_430 = arith.constant 28 : i32
      %dma_start3A_431 = arith.constant 0 : i32
      %dma_start3A_432 = tpu.memref_slice %arg7[%dma_start3A_430, %dma_start3A_431] : memref<40x128xi32, #tpu.memory_space<vmem>> -> memref<1x128xi32, #tpu.memory_space<vmem>>
      %dma_start3A_433 = tpu.memref_squeeze %dma_start3A_432 : memref<1x128xi32, #tpu.memory_space<vmem>> -> memref<128xi32, #tpu.memory_space<vmem>>
      %dma_start3A_434 = arith.constant 0 : i32
      %dma_start3A_435 = arith.constant 0 : i32
      %dma_start3A_436 = tpu.memref_slice %arg4[%dma_start3A_434, %dma_start3A_435] : memref<10112x128xf32, #tpu.memory_space<hbm>> -> memref<10112x128xf32, #tpu.memory_space<hbm>>
      tpu.enqueue_indirect_dma source(%dma_start3A_436 : memref<10112x128xf32, #tpu.memory_space<hbm>>) target(%arg9 : memref<128x128xf32, #tpu.memory_space<vmem>>) offsets(%dma_start3A_433 : memref<128xi32, #tpu.memory_space<vmem>>) semaphore(%arg11 : memref<!tpu.dma_semaphore, #tpu.memory_space<semaphore_mem>>)
      %dma_wait3A_437 = arith.constant 27 : i32
      %dma_wait3A_438 = arith.constant 0 : i32
      %dma_wait3A_439 = tpu.memref_slice %arg7[%dma_wait3A_437, %dma_wait3A_438] : memref<40x128xi32, #tpu.memory_space<vmem>> -> memref<1x128xi32, #tpu.memory_space<vmem>>
      %dma_wait3A_440 = tpu.memref_squeeze %dma_wait3A_439 : memref<1x128xi32, #tpu.memory_space<vmem>> -> memref<128xi32, #tpu.memory_space<vmem>>
      %dma_wait3A_441 = arith.constant 0 : i32
      %dma_wait3A_442 = arith.constant 0 : i32
      %dma_wait3A_443 = tpu.memref_slice %arg4[%dma_wait3A_441, %dma_wait3A_442] : memref<10112x128xf32, #tpu.memory_space<hbm>> -> memref<10112x128xf32, #tpu.memory_space<hbm>>
      tpu.wait_indirect_dma semaphore(%arg12 : memref<!tpu.dma_semaphore, #tpu.memory_space<semaphore_mem>>) src(%dma_wait3A_443 : memref<10112x128xf32, #tpu.memory_space<hbm>>) dst(%arg10 : memref<128x128xf32, #tpu.memory_space<vmem>>)
      %run_scoped3A_444 = arith.constant 27 : i32
      "tpu.region"() ({
        %run_scoped3A_618 = tpu.sem_alloc : memref<!tpu.dma_semaphore, #tpu.memory_space<semaphore_mem>>
        %dma_start3A_619 = arith.constant 0 : i32
        %dma_start3A_620 = tpu.memref_slice %arg8[%run_scoped3A_444, %dma_start3A_619] : memref<40x128xi32, #tpu.memory_space<vmem>> -> memref<1x128xi32, #tpu.memory_space<vmem>>
        %dma_start3A_621 = tpu.memref_squeeze %dma_start3A_620 : memref<1x128xi32, #tpu.memory_space<vmem>> -> memref<128xi32, #tpu.memory_space<vmem>>
        %dma_start3A_622 = arith.constant 0 : i32
        %dma_start3A_623 = arith.constant 0 : i32
        %dma_start3A_624 = tpu.memref_slice %arg13[%dma_start3A_622, %dma_start3A_623] : memref<10112x128xf32, #tpu.memory_space<vmem_shared>> -> memref<10112x128xf32, #tpu.memory_space<vmem_shared>>
        tpu.enqueue_indirect_dma source(%arg10 : memref<128x128xf32, #tpu.memory_space<vmem>>) target(%dma_start3A_624 : memref<10112x128xf32, #tpu.memory_space<vmem_shared>>) offsets(%dma_start3A_621 : memref<128xi32, #tpu.memory_space<vmem>>) semaphore(%run_scoped3A_618 : memref<!tpu.dma_semaphore, #tpu.memory_space<semaphore_mem>>) {add = true}
        %dma_wait3A_625 = arith.constant 0 : i32
        %dma_wait3A_626 = tpu.memref_slice %arg8[%run_scoped3A_444, %dma_wait3A_625] : memref<40x128xi32, #tpu.memory_space<vmem>> -> memref<1x128xi32, #tpu.memory_space<vmem>>
        %dma_wait3A_627 = tpu.memref_squeeze %dma_wait3A_626 : memref<1x128xi32, #tpu.memory_space<vmem>> -> memref<128xi32, #tpu.memory_space<vmem>>
        %dma_wait3A_628 = arith.constant 0 : i32
        %dma_wait3A_629 = arith.constant 0 : i32
        %dma_wait3A_630 = tpu.memref_slice %arg13[%dma_wait3A_628, %dma_wait3A_629] : memref<10112x128xf32, #tpu.memory_space<vmem_shared>> -> memref<10112x128xf32, #tpu.memory_space<vmem_shared>>
        tpu.wait_indirect_dma semaphore(%run_scoped3A_618 : memref<!tpu.dma_semaphore, #tpu.memory_space<semaphore_mem>>) src(%arg10 : memref<128x128xf32, #tpu.memory_space<vmem>>) dst(%dma_wait3A_630 : memref<10112x128xf32, #tpu.memory_space<vmem_shared>>)
        tpu.yield
      }) : () -> ()
      %dma_start3A_445 = arith.constant 29 : i32
      %dma_start3A_446 = arith.constant 0 : i32
      %dma_start3A_447 = tpu.memref_slice %arg7[%dma_start3A_445, %dma_start3A_446] : memref<40x128xi32, #tpu.memory_space<vmem>> -> memref<1x128xi32, #tpu.memory_space<vmem>>
      %dma_start3A_448 = tpu.memref_squeeze %dma_start3A_447 : memref<1x128xi32, #tpu.memory_space<vmem>> -> memref<128xi32, #tpu.memory_space<vmem>>
      %dma_start3A_449 = arith.constant 0 : i32
      %dma_start3A_450 = arith.constant 0 : i32
      %dma_start3A_451 = tpu.memref_slice %arg4[%dma_start3A_449, %dma_start3A_450] : memref<10112x128xf32, #tpu.memory_space<hbm>> -> memref<10112x128xf32, #tpu.memory_space<hbm>>
      tpu.enqueue_indirect_dma source(%dma_start3A_451 : memref<10112x128xf32, #tpu.memory_space<hbm>>) target(%arg10 : memref<128x128xf32, #tpu.memory_space<vmem>>) offsets(%dma_start3A_448 : memref<128xi32, #tpu.memory_space<vmem>>) semaphore(%arg12 : memref<!tpu.dma_semaphore, #tpu.memory_space<semaphore_mem>>)
      %dma_wait3A_452 = arith.constant 28 : i32
      %dma_wait3A_453 = arith.constant 0 : i32
      %dma_wait3A_454 = tpu.memref_slice %arg7[%dma_wait3A_452, %dma_wait3A_453] : memref<40x128xi32, #tpu.memory_space<vmem>> -> memref<1x128xi32, #tpu.memory_space<vmem>>
      %dma_wait3A_455 = tpu.memref_squeeze %dma_wait3A_454 : memref<1x128xi32, #tpu.memory_space<vmem>> -> memref<128xi32, #tpu.memory_space<vmem>>
      %dma_wait3A_456 = arith.constant 0 : i32
      %dma_wait3A_457 = arith.constant 0 : i32
      %dma_wait3A_458 = tpu.memref_slice %arg4[%dma_wait3A_456, %dma_wait3A_457] : memref<10112x128xf32, #tpu.memory_space<hbm>> -> memref<10112x128xf32, #tpu.memory_space<hbm>>
      tpu.wait_indirect_dma semaphore(%arg11 : memref<!tpu.dma_semaphore, #tpu.memory_space<semaphore_mem>>) src(%dma_wait3A_458 : memref<10112x128xf32, #tpu.memory_space<hbm>>) dst(%arg9 : memref<128x128xf32, #tpu.memory_space<vmem>>)
      %run_scoped3A_459 = arith.constant 28 : i32
      "tpu.region"() ({
        %run_scoped3A_618 = tpu.sem_alloc : memref<!tpu.dma_semaphore, #tpu.memory_space<semaphore_mem>>
        %dma_start3A_619 = arith.constant 0 : i32
        %dma_start3A_620 = tpu.memref_slice %arg8[%run_scoped3A_459, %dma_start3A_619] : memref<40x128xi32, #tpu.memory_space<vmem>> -> memref<1x128xi32, #tpu.memory_space<vmem>>
        %dma_start3A_621 = tpu.memref_squeeze %dma_start3A_620 : memref<1x128xi32, #tpu.memory_space<vmem>> -> memref<128xi32, #tpu.memory_space<vmem>>
        %dma_start3A_622 = arith.constant 0 : i32
        %dma_start3A_623 = arith.constant 0 : i32
        %dma_start3A_624 = tpu.memref_slice %arg13[%dma_start3A_622, %dma_start3A_623] : memref<10112x128xf32, #tpu.memory_space<vmem_shared>> -> memref<10112x128xf32, #tpu.memory_space<vmem_shared>>
        tpu.enqueue_indirect_dma source(%arg9 : memref<128x128xf32, #tpu.memory_space<vmem>>) target(%dma_start3A_624 : memref<10112x128xf32, #tpu.memory_space<vmem_shared>>) offsets(%dma_start3A_621 : memref<128xi32, #tpu.memory_space<vmem>>) semaphore(%run_scoped3A_618 : memref<!tpu.dma_semaphore, #tpu.memory_space<semaphore_mem>>) {add = true}
        %dma_wait3A_625 = arith.constant 0 : i32
        %dma_wait3A_626 = tpu.memref_slice %arg8[%run_scoped3A_459, %dma_wait3A_625] : memref<40x128xi32, #tpu.memory_space<vmem>> -> memref<1x128xi32, #tpu.memory_space<vmem>>
        %dma_wait3A_627 = tpu.memref_squeeze %dma_wait3A_626 : memref<1x128xi32, #tpu.memory_space<vmem>> -> memref<128xi32, #tpu.memory_space<vmem>>
        %dma_wait3A_628 = arith.constant 0 : i32
        %dma_wait3A_629 = arith.constant 0 : i32
        %dma_wait3A_630 = tpu.memref_slice %arg13[%dma_wait3A_628, %dma_wait3A_629] : memref<10112x128xf32, #tpu.memory_space<vmem_shared>> -> memref<10112x128xf32, #tpu.memory_space<vmem_shared>>
        tpu.wait_indirect_dma semaphore(%run_scoped3A_618 : memref<!tpu.dma_semaphore, #tpu.memory_space<semaphore_mem>>) src(%arg9 : memref<128x128xf32, #tpu.memory_space<vmem>>) dst(%dma_wait3A_630 : memref<10112x128xf32, #tpu.memory_space<vmem_shared>>)
        tpu.yield
      }) : () -> ()
      %dma_start3A_460 = arith.constant 30 : i32
      %dma_start3A_461 = arith.constant 0 : i32
      %dma_start3A_462 = tpu.memref_slice %arg7[%dma_start3A_460, %dma_start3A_461] : memref<40x128xi32, #tpu.memory_space<vmem>> -> memref<1x128xi32, #tpu.memory_space<vmem>>
      %dma_start3A_463 = tpu.memref_squeeze %dma_start3A_462 : memref<1x128xi32, #tpu.memory_space<vmem>> -> memref<128xi32, #tpu.memory_space<vmem>>
      %dma_start3A_464 = arith.constant 0 : i32
      %dma_start3A_465 = arith.constant 0 : i32
      %dma_start3A_466 = tpu.memref_slice %arg4[%dma_start3A_464, %dma_start3A_465] : memref<10112x128xf32, #tpu.memory_space<hbm>> -> memref<10112x128xf32, #tpu.memory_space<hbm>>
      tpu.enqueue_indirect_dma source(%dma_start3A_466 : memref<10112x128xf32, #tpu.memory_space<hbm>>) target(%arg9 : memref<128x128xf32, #tpu.memory_space<vmem>>) offsets(%dma_start3A_463 : memref<128xi32, #tpu.memory_space<vmem>>) semaphore(%arg11 : memref<!tpu.dma_semaphore, #tpu.memory_space<semaphore_mem>>)
      %dma_wait3A_467 = arith.constant 29 : i32
      %dma_wait3A_468 = arith.constant 0 : i32
      %dma_wait3A_469 = tpu.memref_slice %arg7[%dma_wait3A_467, %dma_wait3A_468] : memref<40x128xi32, #tpu.memory_space<vmem>> -> memref<1x128xi32, #tpu.memory_space<vmem>>
      %dma_wait3A_470 = tpu.memref_squeeze %dma_wait3A_469 : memref<1x128xi32, #tpu.memory_space<vmem>> -> memref<128xi32, #tpu.memory_space<vmem>>
      %dma_wait3A_471 = arith.constant 0 : i32
      %dma_wait3A_472 = arith.constant 0 : i32
      %dma_wait3A_473 = tpu.memref_slice %arg4[%dma_wait3A_471, %dma_wait3A_472] : memref<10112x128xf32, #tpu.memory_space<hbm>> -> memref<10112x128xf32, #tpu.memory_space<hbm>>
      tpu.wait_indirect_dma semaphore(%arg12 : memref<!tpu.dma_semaphore, #tpu.memory_space<semaphore_mem>>) src(%dma_wait3A_473 : memref<10112x128xf32, #tpu.memory_space<hbm>>) dst(%arg10 : memref<128x128xf32, #tpu.memory_space<vmem>>)
      %run_scoped3A_474 = arith.constant 29 : i32
      "tpu.region"() ({
        %run_scoped3A_618 = tpu.sem_alloc : memref<!tpu.dma_semaphore, #tpu.memory_space<semaphore_mem>>
        %dma_start3A_619 = arith.constant 0 : i32
        %dma_start3A_620 = tpu.memref_slice %arg8[%run_scoped3A_474, %dma_start3A_619] : memref<40x128xi32, #tpu.memory_space<vmem>> -> memref<1x128xi32, #tpu.memory_space<vmem>>
        %dma_start3A_621 = tpu.memref_squeeze %dma_start3A_620 : memref<1x128xi32, #tpu.memory_space<vmem>> -> memref<128xi32, #tpu.memory_space<vmem>>
        %dma_start3A_622 = arith.constant 0 : i32
        %dma_start3A_623 = arith.constant 0 : i32
        %dma_start3A_624 = tpu.memref_slice %arg13[%dma_start3A_622, %dma_start3A_623] : memref<10112x128xf32, #tpu.memory_space<vmem_shared>> -> memref<10112x128xf32, #tpu.memory_space<vmem_shared>>
        tpu.enqueue_indirect_dma source(%arg10 : memref<128x128xf32, #tpu.memory_space<vmem>>) target(%dma_start3A_624 : memref<10112x128xf32, #tpu.memory_space<vmem_shared>>) offsets(%dma_start3A_621 : memref<128xi32, #tpu.memory_space<vmem>>) semaphore(%run_scoped3A_618 : memref<!tpu.dma_semaphore, #tpu.memory_space<semaphore_mem>>) {add = true}
        %dma_wait3A_625 = arith.constant 0 : i32
        %dma_wait3A_626 = tpu.memref_slice %arg8[%run_scoped3A_474, %dma_wait3A_625] : memref<40x128xi32, #tpu.memory_space<vmem>> -> memref<1x128xi32, #tpu.memory_space<vmem>>
        %dma_wait3A_627 = tpu.memref_squeeze %dma_wait3A_626 : memref<1x128xi32, #tpu.memory_space<vmem>> -> memref<128xi32, #tpu.memory_space<vmem>>
        %dma_wait3A_628 = arith.constant 0 : i32
        %dma_wait3A_629 = arith.constant 0 : i32
        %dma_wait3A_630 = tpu.memref_slice %arg13[%dma_wait3A_628, %dma_wait3A_629] : memref<10112x128xf32, #tpu.memory_space<vmem_shared>> -> memref<10112x128xf32, #tpu.memory_space<vmem_shared>>
        tpu.wait_indirect_dma semaphore(%run_scoped3A_618 : memref<!tpu.dma_semaphore, #tpu.memory_space<semaphore_mem>>) src(%arg10 : memref<128x128xf32, #tpu.memory_space<vmem>>) dst(%dma_wait3A_630 : memref<10112x128xf32, #tpu.memory_space<vmem_shared>>)
        tpu.yield
      }) : () -> ()
      %dma_start3A_475 = arith.constant 31 : i32
      %dma_start3A_476 = arith.constant 0 : i32
      %dma_start3A_477 = tpu.memref_slice %arg7[%dma_start3A_475, %dma_start3A_476] : memref<40x128xi32, #tpu.memory_space<vmem>> -> memref<1x128xi32, #tpu.memory_space<vmem>>
      %dma_start3A_478 = tpu.memref_squeeze %dma_start3A_477 : memref<1x128xi32, #tpu.memory_space<vmem>> -> memref<128xi32, #tpu.memory_space<vmem>>
      %dma_start3A_479 = arith.constant 0 : i32
      %dma_start3A_480 = arith.constant 0 : i32
      %dma_start3A_481 = tpu.memref_slice %arg4[%dma_start3A_479, %dma_start3A_480] : memref<10112x128xf32, #tpu.memory_space<hbm>> -> memref<10112x128xf32, #tpu.memory_space<hbm>>
      tpu.enqueue_indirect_dma source(%dma_start3A_481 : memref<10112x128xf32, #tpu.memory_space<hbm>>) target(%arg10 : memref<128x128xf32, #tpu.memory_space<vmem>>) offsets(%dma_start3A_478 : memref<128xi32, #tpu.memory_space<vmem>>) semaphore(%arg12 : memref<!tpu.dma_semaphore, #tpu.memory_space<semaphore_mem>>)
      %dma_wait3A_482 = arith.constant 30 : i32
      %dma_wait3A_483 = arith.constant 0 : i32
      %dma_wait3A_484 = tpu.memref_slice %arg7[%dma_wait3A_482, %dma_wait3A_483] : memref<40x128xi32, #tpu.memory_space<vmem>> -> memref<1x128xi32, #tpu.memory_space<vmem>>
      %dma_wait3A_485 = tpu.memref_squeeze %dma_wait3A_484 : memref<1x128xi32, #tpu.memory_space<vmem>> -> memref<128xi32, #tpu.memory_space<vmem>>
      %dma_wait3A_486 = arith.constant 0 : i32
      %dma_wait3A_487 = arith.constant 0 : i32
      %dma_wait3A_488 = tpu.memref_slice %arg4[%dma_wait3A_486, %dma_wait3A_487] : memref<10112x128xf32, #tpu.memory_space<hbm>> -> memref<10112x128xf32, #tpu.memory_space<hbm>>
      tpu.wait_indirect_dma semaphore(%arg11 : memref<!tpu.dma_semaphore, #tpu.memory_space<semaphore_mem>>) src(%dma_wait3A_488 : memref<10112x128xf32, #tpu.memory_space<hbm>>) dst(%arg9 : memref<128x128xf32, #tpu.memory_space<vmem>>)
      %run_scoped3A_489 = arith.constant 30 : i32
      "tpu.region"() ({
        %run_scoped3A_618 = tpu.sem_alloc : memref<!tpu.dma_semaphore, #tpu.memory_space<semaphore_mem>>
        %dma_start3A_619 = arith.constant 0 : i32
        %dma_start3A_620 = tpu.memref_slice %arg8[%run_scoped3A_489, %dma_start3A_619] : memref<40x128xi32, #tpu.memory_space<vmem>> -> memref<1x128xi32, #tpu.memory_space<vmem>>
        %dma_start3A_621 = tpu.memref_squeeze %dma_start3A_620 : memref<1x128xi32, #tpu.memory_space<vmem>> -> memref<128xi32, #tpu.memory_space<vmem>>
        %dma_start3A_622 = arith.constant 0 : i32
        %dma_start3A_623 = arith.constant 0 : i32
        %dma_start3A_624 = tpu.memref_slice %arg13[%dma_start3A_622, %dma_start3A_623] : memref<10112x128xf32, #tpu.memory_space<vmem_shared>> -> memref<10112x128xf32, #tpu.memory_space<vmem_shared>>
        tpu.enqueue_indirect_dma source(%arg9 : memref<128x128xf32, #tpu.memory_space<vmem>>) target(%dma_start3A_624 : memref<10112x128xf32, #tpu.memory_space<vmem_shared>>) offsets(%dma_start3A_621 : memref<128xi32, #tpu.memory_space<vmem>>) semaphore(%run_scoped3A_618 : memref<!tpu.dma_semaphore, #tpu.memory_space<semaphore_mem>>) {add = true}
        %dma_wait3A_625 = arith.constant 0 : i32
        %dma_wait3A_626 = tpu.memref_slice %arg8[%run_scoped3A_489, %dma_wait3A_625] : memref<40x128xi32, #tpu.memory_space<vmem>> -> memref<1x128xi32, #tpu.memory_space<vmem>>
        %dma_wait3A_627 = tpu.memref_squeeze %dma_wait3A_626 : memref<1x128xi32, #tpu.memory_space<vmem>> -> memref<128xi32, #tpu.memory_space<vmem>>
        %dma_wait3A_628 = arith.constant 0 : i32
        %dma_wait3A_629 = arith.constant 0 : i32
        %dma_wait3A_630 = tpu.memref_slice %arg13[%dma_wait3A_628, %dma_wait3A_629] : memref<10112x128xf32, #tpu.memory_space<vmem_shared>> -> memref<10112x128xf32, #tpu.memory_space<vmem_shared>>
        tpu.wait_indirect_dma semaphore(%run_scoped3A_618 : memref<!tpu.dma_semaphore, #tpu.memory_space<semaphore_mem>>) src(%arg9 : memref<128x128xf32, #tpu.memory_space<vmem>>) dst(%dma_wait3A_630 : memref<10112x128xf32, #tpu.memory_space<vmem_shared>>)
        tpu.yield
      }) : () -> ()
      %dma_start3A_490 = arith.constant 32 : i32
      %dma_start3A_491 = arith.constant 0 : i32
      %dma_start3A_492 = tpu.memref_slice %arg7[%dma_start3A_490, %dma_start3A_491] : memref<40x128xi32, #tpu.memory_space<vmem>> -> memref<1x128xi32, #tpu.memory_space<vmem>>
      %dma_start3A_493 = tpu.memref_squeeze %dma_start3A_492 : memref<1x128xi32, #tpu.memory_space<vmem>> -> memref<128xi32, #tpu.memory_space<vmem>>
      %dma_start3A_494 = arith.constant 0 : i32
      %dma_start3A_495 = arith.constant 0 : i32
      %dma_start3A_496 = tpu.memref_slice %arg4[%dma_start3A_494, %dma_start3A_495] : memref<10112x128xf32, #tpu.memory_space<hbm>> -> memref<10112x128xf32, #tpu.memory_space<hbm>>
      tpu.enqueue_indirect_dma source(%dma_start3A_496 : memref<10112x128xf32, #tpu.memory_space<hbm>>) target(%arg9 : memref<128x128xf32, #tpu.memory_space<vmem>>) offsets(%dma_start3A_493 : memref<128xi32, #tpu.memory_space<vmem>>) semaphore(%arg11 : memref<!tpu.dma_semaphore, #tpu.memory_space<semaphore_mem>>)
      %dma_wait3A_497 = arith.constant 31 : i32
      %dma_wait3A_498 = arith.constant 0 : i32
      %dma_wait3A_499 = tpu.memref_slice %arg7[%dma_wait3A_497, %dma_wait3A_498] : memref<40x128xi32, #tpu.memory_space<vmem>> -> memref<1x128xi32, #tpu.memory_space<vmem>>
      %dma_wait3A_500 = tpu.memref_squeeze %dma_wait3A_499 : memref<1x128xi32, #tpu.memory_space<vmem>> -> memref<128xi32, #tpu.memory_space<vmem>>
      %dma_wait3A_501 = arith.constant 0 : i32
      %dma_wait3A_502 = arith.constant 0 : i32
      %dma_wait3A_503 = tpu.memref_slice %arg4[%dma_wait3A_501, %dma_wait3A_502] : memref<10112x128xf32, #tpu.memory_space<hbm>> -> memref<10112x128xf32, #tpu.memory_space<hbm>>
      tpu.wait_indirect_dma semaphore(%arg12 : memref<!tpu.dma_semaphore, #tpu.memory_space<semaphore_mem>>) src(%dma_wait3A_503 : memref<10112x128xf32, #tpu.memory_space<hbm>>) dst(%arg10 : memref<128x128xf32, #tpu.memory_space<vmem>>)
      %run_scoped3A_504 = arith.constant 31 : i32
      "tpu.region"() ({
        %run_scoped3A_618 = tpu.sem_alloc : memref<!tpu.dma_semaphore, #tpu.memory_space<semaphore_mem>>
        %dma_start3A_619 = arith.constant 0 : i32
        %dma_start3A_620 = tpu.memref_slice %arg8[%run_scoped3A_504, %dma_start3A_619] : memref<40x128xi32, #tpu.memory_space<vmem>> -> memref<1x128xi32, #tpu.memory_space<vmem>>
        %dma_start3A_621 = tpu.memref_squeeze %dma_start3A_620 : memref<1x128xi32, #tpu.memory_space<vmem>> -> memref<128xi32, #tpu.memory_space<vmem>>
        %dma_start3A_622 = arith.constant 0 : i32
        %dma_start3A_623 = arith.constant 0 : i32
        %dma_start3A_624 = tpu.memref_slice %arg13[%dma_start3A_622, %dma_start3A_623] : memref<10112x128xf32, #tpu.memory_space<vmem_shared>> -> memref<10112x128xf32, #tpu.memory_space<vmem_shared>>
        tpu.enqueue_indirect_dma source(%arg10 : memref<128x128xf32, #tpu.memory_space<vmem>>) target(%dma_start3A_624 : memref<10112x128xf32, #tpu.memory_space<vmem_shared>>) offsets(%dma_start3A_621 : memref<128xi32, #tpu.memory_space<vmem>>) semaphore(%run_scoped3A_618 : memref<!tpu.dma_semaphore, #tpu.memory_space<semaphore_mem>>) {add = true}
        %dma_wait3A_625 = arith.constant 0 : i32
        %dma_wait3A_626 = tpu.memref_slice %arg8[%run_scoped3A_504, %dma_wait3A_625] : memref<40x128xi32, #tpu.memory_space<vmem>> -> memref<1x128xi32, #tpu.memory_space<vmem>>
        %dma_wait3A_627 = tpu.memref_squeeze %dma_wait3A_626 : memref<1x128xi32, #tpu.memory_space<vmem>> -> memref<128xi32, #tpu.memory_space<vmem>>
        %dma_wait3A_628 = arith.constant 0 : i32
        %dma_wait3A_629 = arith.constant 0 : i32
        %dma_wait3A_630 = tpu.memref_slice %arg13[%dma_wait3A_628, %dma_wait3A_629] : memref<10112x128xf32, #tpu.memory_space<vmem_shared>> -> memref<10112x128xf32, #tpu.memory_space<vmem_shared>>
        tpu.wait_indirect_dma semaphore(%run_scoped3A_618 : memref<!tpu.dma_semaphore, #tpu.memory_space<semaphore_mem>>) src(%arg10 : memref<128x128xf32, #tpu.memory_space<vmem>>) dst(%dma_wait3A_630 : memref<10112x128xf32, #tpu.memory_space<vmem_shared>>)
        tpu.yield
      }) : () -> ()
      %dma_start3A_505 = arith.constant 33 : i32
      %dma_start3A_506 = arith.constant 0 : i32
      %dma_start3A_507 = tpu.memref_slice %arg7[%dma_start3A_505, %dma_start3A_506] : memref<40x128xi32, #tpu.memory_space<vmem>> -> memref<1x128xi32, #tpu.memory_space<vmem>>
      %dma_start3A_508 = tpu.memref_squeeze %dma_start3A_507 : memref<1x128xi32, #tpu.memory_space<vmem>> -> memref<128xi32, #tpu.memory_space<vmem>>
      %dma_start3A_509 = arith.constant 0 : i32
      %dma_start3A_510 = arith.constant 0 : i32
      %dma_start3A_511 = tpu.memref_slice %arg4[%dma_start3A_509, %dma_start3A_510] : memref<10112x128xf32, #tpu.memory_space<hbm>> -> memref<10112x128xf32, #tpu.memory_space<hbm>>
      tpu.enqueue_indirect_dma source(%dma_start3A_511 : memref<10112x128xf32, #tpu.memory_space<hbm>>) target(%arg10 : memref<128x128xf32, #tpu.memory_space<vmem>>) offsets(%dma_start3A_508 : memref<128xi32, #tpu.memory_space<vmem>>) semaphore(%arg12 : memref<!tpu.dma_semaphore, #tpu.memory_space<semaphore_mem>>)
      %dma_wait3A_512 = arith.constant 32 : i32
      %dma_wait3A_513 = arith.constant 0 : i32
      %dma_wait3A_514 = tpu.memref_slice %arg7[%dma_wait3A_512, %dma_wait3A_513] : memref<40x128xi32, #tpu.memory_space<vmem>> -> memref<1x128xi32, #tpu.memory_space<vmem>>
      %dma_wait3A_515 = tpu.memref_squeeze %dma_wait3A_514 : memref<1x128xi32, #tpu.memory_space<vmem>> -> memref<128xi32, #tpu.memory_space<vmem>>
      %dma_wait3A_516 = arith.constant 0 : i32
      %dma_wait3A_517 = arith.constant 0 : i32
      %dma_wait3A_518 = tpu.memref_slice %arg4[%dma_wait3A_516, %dma_wait3A_517] : memref<10112x128xf32, #tpu.memory_space<hbm>> -> memref<10112x128xf32, #tpu.memory_space<hbm>>
      tpu.wait_indirect_dma semaphore(%arg11 : memref<!tpu.dma_semaphore, #tpu.memory_space<semaphore_mem>>) src(%dma_wait3A_518 : memref<10112x128xf32, #tpu.memory_space<hbm>>) dst(%arg9 : memref<128x128xf32, #tpu.memory_space<vmem>>)
      %run_scoped3A_519 = arith.constant 32 : i32
      "tpu.region"() ({
        %run_scoped3A_618 = tpu.sem_alloc : memref<!tpu.dma_semaphore, #tpu.memory_space<semaphore_mem>>
        %dma_start3A_619 = arith.constant 0 : i32
        %dma_start3A_620 = tpu.memref_slice %arg8[%run_scoped3A_519, %dma_start3A_619] : memref<40x128xi32, #tpu.memory_space<vmem>> -> memref<1x128xi32, #tpu.memory_space<vmem>>
        %dma_start3A_621 = tpu.memref_squeeze %dma_start3A_620 : memref<1x128xi32, #tpu.memory_space<vmem>> -> memref<128xi32, #tpu.memory_space<vmem>>
        %dma_start3A_622 = arith.constant 0 : i32
        %dma_start3A_623 = arith.constant 0 : i32
        %dma_start3A_624 = tpu.memref_slice %arg13[%dma_start3A_622, %dma_start3A_623] : memref<10112x128xf32, #tpu.memory_space<vmem_shared>> -> memref<10112x128xf32, #tpu.memory_space<vmem_shared>>
        tpu.enqueue_indirect_dma source(%arg9 : memref<128x128xf32, #tpu.memory_space<vmem>>) target(%dma_start3A_624 : memref<10112x128xf32, #tpu.memory_space<vmem_shared>>) offsets(%dma_start3A_621 : memref<128xi32, #tpu.memory_space<vmem>>) semaphore(%run_scoped3A_618 : memref<!tpu.dma_semaphore, #tpu.memory_space<semaphore_mem>>) {add = true}
        %dma_wait3A_625 = arith.constant 0 : i32
        %dma_wait3A_626 = tpu.memref_slice %arg8[%run_scoped3A_519, %dma_wait3A_625] : memref<40x128xi32, #tpu.memory_space<vmem>> -> memref<1x128xi32, #tpu.memory_space<vmem>>
        %dma_wait3A_627 = tpu.memref_squeeze %dma_wait3A_626 : memref<1x128xi32, #tpu.memory_space<vmem>> -> memref<128xi32, #tpu.memory_space<vmem>>
        %dma_wait3A_628 = arith.constant 0 : i32
        %dma_wait3A_629 = arith.constant 0 : i32
        %dma_wait3A_630 = tpu.memref_slice %arg13[%dma_wait3A_628, %dma_wait3A_629] : memref<10112x128xf32, #tpu.memory_space<vmem_shared>> -> memref<10112x128xf32, #tpu.memory_space<vmem_shared>>
        tpu.wait_indirect_dma semaphore(%run_scoped3A_618 : memref<!tpu.dma_semaphore, #tpu.memory_space<semaphore_mem>>) src(%arg9 : memref<128x128xf32, #tpu.memory_space<vmem>>) dst(%dma_wait3A_630 : memref<10112x128xf32, #tpu.memory_space<vmem_shared>>)
        tpu.yield
      }) : () -> ()
      %dma_start3A_520 = arith.constant 34 : i32
      %dma_start3A_521 = arith.constant 0 : i32
      %dma_start3A_522 = tpu.memref_slice %arg7[%dma_start3A_520, %dma_start3A_521] : memref<40x128xi32, #tpu.memory_space<vmem>> -> memref<1x128xi32, #tpu.memory_space<vmem>>
      %dma_start3A_523 = tpu.memref_squeeze %dma_start3A_522 : memref<1x128xi32, #tpu.memory_space<vmem>> -> memref<128xi32, #tpu.memory_space<vmem>>
      %dma_start3A_524 = arith.constant 0 : i32
      %dma_start3A_525 = arith.constant 0 : i32
      %dma_start3A_526 = tpu.memref_slice %arg4[%dma_start3A_524, %dma_start3A_525] : memref<10112x128xf32, #tpu.memory_space<hbm>> -> memref<10112x128xf32, #tpu.memory_space<hbm>>
      tpu.enqueue_indirect_dma source(%dma_start3A_526 : memref<10112x128xf32, #tpu.memory_space<hbm>>) target(%arg9 : memref<128x128xf32, #tpu.memory_space<vmem>>) offsets(%dma_start3A_523 : memref<128xi32, #tpu.memory_space<vmem>>) semaphore(%arg11 : memref<!tpu.dma_semaphore, #tpu.memory_space<semaphore_mem>>)
      %dma_wait3A_527 = arith.constant 33 : i32
      %dma_wait3A_528 = arith.constant 0 : i32
      %dma_wait3A_529 = tpu.memref_slice %arg7[%dma_wait3A_527, %dma_wait3A_528] : memref<40x128xi32, #tpu.memory_space<vmem>> -> memref<1x128xi32, #tpu.memory_space<vmem>>
      %dma_wait3A_530 = tpu.memref_squeeze %dma_wait3A_529 : memref<1x128xi32, #tpu.memory_space<vmem>> -> memref<128xi32, #tpu.memory_space<vmem>>
      %dma_wait3A_531 = arith.constant 0 : i32
      %dma_wait3A_532 = arith.constant 0 : i32
      %dma_wait3A_533 = tpu.memref_slice %arg4[%dma_wait3A_531, %dma_wait3A_532] : memref<10112x128xf32, #tpu.memory_space<hbm>> -> memref<10112x128xf32, #tpu.memory_space<hbm>>
      tpu.wait_indirect_dma semaphore(%arg12 : memref<!tpu.dma_semaphore, #tpu.memory_space<semaphore_mem>>) src(%dma_wait3A_533 : memref<10112x128xf32, #tpu.memory_space<hbm>>) dst(%arg10 : memref<128x128xf32, #tpu.memory_space<vmem>>)
      %run_scoped3A_534 = arith.constant 33 : i32
      "tpu.region"() ({
        %run_scoped3A_618 = tpu.sem_alloc : memref<!tpu.dma_semaphore, #tpu.memory_space<semaphore_mem>>
        %dma_start3A_619 = arith.constant 0 : i32
        %dma_start3A_620 = tpu.memref_slice %arg8[%run_scoped3A_534, %dma_start3A_619] : memref<40x128xi32, #tpu.memory_space<vmem>> -> memref<1x128xi32, #tpu.memory_space<vmem>>
        %dma_start3A_621 = tpu.memref_squeeze %dma_start3A_620 : memref<1x128xi32, #tpu.memory_space<vmem>> -> memref<128xi32, #tpu.memory_space<vmem>>
        %dma_start3A_622 = arith.constant 0 : i32
        %dma_start3A_623 = arith.constant 0 : i32
        %dma_start3A_624 = tpu.memref_slice %arg13[%dma_start3A_622, %dma_start3A_623] : memref<10112x128xf32, #tpu.memory_space<vmem_shared>> -> memref<10112x128xf32, #tpu.memory_space<vmem_shared>>
        tpu.enqueue_indirect_dma source(%arg10 : memref<128x128xf32, #tpu.memory_space<vmem>>) target(%dma_start3A_624 : memref<10112x128xf32, #tpu.memory_space<vmem_shared>>) offsets(%dma_start3A_621 : memref<128xi32, #tpu.memory_space<vmem>>) semaphore(%run_scoped3A_618 : memref<!tpu.dma_semaphore, #tpu.memory_space<semaphore_mem>>) {add = true}
        %dma_wait3A_625 = arith.constant 0 : i32
        %dma_wait3A_626 = tpu.memref_slice %arg8[%run_scoped3A_534, %dma_wait3A_625] : memref<40x128xi32, #tpu.memory_space<vmem>> -> memref<1x128xi32, #tpu.memory_space<vmem>>
        %dma_wait3A_627 = tpu.memref_squeeze %dma_wait3A_626 : memref<1x128xi32, #tpu.memory_space<vmem>> -> memref<128xi32, #tpu.memory_space<vmem>>
        %dma_wait3A_628 = arith.constant 0 : i32
        %dma_wait3A_629 = arith.constant 0 : i32
        %dma_wait3A_630 = tpu.memref_slice %arg13[%dma_wait3A_628, %dma_wait3A_629] : memref<10112x128xf32, #tpu.memory_space<vmem_shared>> -> memref<10112x128xf32, #tpu.memory_space<vmem_shared>>
        tpu.wait_indirect_dma semaphore(%run_scoped3A_618 : memref<!tpu.dma_semaphore, #tpu.memory_space<semaphore_mem>>) src(%arg10 : memref<128x128xf32, #tpu.memory_space<vmem>>) dst(%dma_wait3A_630 : memref<10112x128xf32, #tpu.memory_space<vmem_shared>>)
        tpu.yield
      }) : () -> ()
      %dma_start3A_535 = arith.constant 35 : i32
      %dma_start3A_536 = arith.constant 0 : i32
      %dma_start3A_537 = tpu.memref_slice %arg7[%dma_start3A_535, %dma_start3A_536] : memref<40x128xi32, #tpu.memory_space<vmem>> -> memref<1x128xi32, #tpu.memory_space<vmem>>
      %dma_start3A_538 = tpu.memref_squeeze %dma_start3A_537 : memref<1x128xi32, #tpu.memory_space<vmem>> -> memref<128xi32, #tpu.memory_space<vmem>>
      %dma_start3A_539 = arith.constant 0 : i32
      %dma_start3A_540 = arith.constant 0 : i32
      %dma_start3A_541 = tpu.memref_slice %arg4[%dma_start3A_539, %dma_start3A_540] : memref<10112x128xf32, #tpu.memory_space<hbm>> -> memref<10112x128xf32, #tpu.memory_space<hbm>>
      tpu.enqueue_indirect_dma source(%dma_start3A_541 : memref<10112x128xf32, #tpu.memory_space<hbm>>) target(%arg10 : memref<128x128xf32, #tpu.memory_space<vmem>>) offsets(%dma_start3A_538 : memref<128xi32, #tpu.memory_space<vmem>>) semaphore(%arg12 : memref<!tpu.dma_semaphore, #tpu.memory_space<semaphore_mem>>)
      %dma_wait3A_542 = arith.constant 34 : i32
      %dma_wait3A_543 = arith.constant 0 : i32
      %dma_wait3A_544 = tpu.memref_slice %arg7[%dma_wait3A_542, %dma_wait3A_543] : memref<40x128xi32, #tpu.memory_space<vmem>> -> memref<1x128xi32, #tpu.memory_space<vmem>>
      %dma_wait3A_545 = tpu.memref_squeeze %dma_wait3A_544 : memref<1x128xi32, #tpu.memory_space<vmem>> -> memref<128xi32, #tpu.memory_space<vmem>>
      %dma_wait3A_546 = arith.constant 0 : i32
      %dma_wait3A_547 = arith.constant 0 : i32
      %dma_wait3A_548 = tpu.memref_slice %arg4[%dma_wait3A_546, %dma_wait3A_547] : memref<10112x128xf32, #tpu.memory_space<hbm>> -> memref<10112x128xf32, #tpu.memory_space<hbm>>
      tpu.wait_indirect_dma semaphore(%arg11 : memref<!tpu.dma_semaphore, #tpu.memory_space<semaphore_mem>>) src(%dma_wait3A_548 : memref<10112x128xf32, #tpu.memory_space<hbm>>) dst(%arg9 : memref<128x128xf32, #tpu.memory_space<vmem>>)
      %run_scoped3A_549 = arith.constant 34 : i32
      "tpu.region"() ({
        %run_scoped3A_618 = tpu.sem_alloc : memref<!tpu.dma_semaphore, #tpu.memory_space<semaphore_mem>>
        %dma_start3A_619 = arith.constant 0 : i32
        %dma_start3A_620 = tpu.memref_slice %arg8[%run_scoped3A_549, %dma_start3A_619] : memref<40x128xi32, #tpu.memory_space<vmem>> -> memref<1x128xi32, #tpu.memory_space<vmem>>
        %dma_start3A_621 = tpu.memref_squeeze %dma_start3A_620 : memref<1x128xi32, #tpu.memory_space<vmem>> -> memref<128xi32, #tpu.memory_space<vmem>>
        %dma_start3A_622 = arith.constant 0 : i32
        %dma_start3A_623 = arith.constant 0 : i32
        %dma_start3A_624 = tpu.memref_slice %arg13[%dma_start3A_622, %dma_start3A_623] : memref<10112x128xf32, #tpu.memory_space<vmem_shared>> -> memref<10112x128xf32, #tpu.memory_space<vmem_shared>>
        tpu.enqueue_indirect_dma source(%arg9 : memref<128x128xf32, #tpu.memory_space<vmem>>) target(%dma_start3A_624 : memref<10112x128xf32, #tpu.memory_space<vmem_shared>>) offsets(%dma_start3A_621 : memref<128xi32, #tpu.memory_space<vmem>>) semaphore(%run_scoped3A_618 : memref<!tpu.dma_semaphore, #tpu.memory_space<semaphore_mem>>) {add = true}
        %dma_wait3A_625 = arith.constant 0 : i32
        %dma_wait3A_626 = tpu.memref_slice %arg8[%run_scoped3A_549, %dma_wait3A_625] : memref<40x128xi32, #tpu.memory_space<vmem>> -> memref<1x128xi32, #tpu.memory_space<vmem>>
        %dma_wait3A_627 = tpu.memref_squeeze %dma_wait3A_626 : memref<1x128xi32, #tpu.memory_space<vmem>> -> memref<128xi32, #tpu.memory_space<vmem>>
        %dma_wait3A_628 = arith.constant 0 : i32
        %dma_wait3A_629 = arith.constant 0 : i32
        %dma_wait3A_630 = tpu.memref_slice %arg13[%dma_wait3A_628, %dma_wait3A_629] : memref<10112x128xf32, #tpu.memory_space<vmem_shared>> -> memref<10112x128xf32, #tpu.memory_space<vmem_shared>>
        tpu.wait_indirect_dma semaphore(%run_scoped3A_618 : memref<!tpu.dma_semaphore, #tpu.memory_space<semaphore_mem>>) src(%arg9 : memref<128x128xf32, #tpu.memory_space<vmem>>) dst(%dma_wait3A_630 : memref<10112x128xf32, #tpu.memory_space<vmem_shared>>)
        tpu.yield
      }) : () -> ()
      %dma_start3A_550 = arith.constant 36 : i32
      %dma_start3A_551 = arith.constant 0 : i32
      %dma_start3A_552 = tpu.memref_slice %arg7[%dma_start3A_550, %dma_start3A_551] : memref<40x128xi32, #tpu.memory_space<vmem>> -> memref<1x128xi32, #tpu.memory_space<vmem>>
      %dma_start3A_553 = tpu.memref_squeeze %dma_start3A_552 : memref<1x128xi32, #tpu.memory_space<vmem>> -> memref<128xi32, #tpu.memory_space<vmem>>
      %dma_start3A_554 = arith.constant 0 : i32
      %dma_start3A_555 = arith.constant 0 : i32
      %dma_start3A_556 = tpu.memref_slice %arg4[%dma_start3A_554, %dma_start3A_555] : memref<10112x128xf32, #tpu.memory_space<hbm>> -> memref<10112x128xf32, #tpu.memory_space<hbm>>
      tpu.enqueue_indirect_dma source(%dma_start3A_556 : memref<10112x128xf32, #tpu.memory_space<hbm>>) target(%arg9 : memref<128x128xf32, #tpu.memory_space<vmem>>) offsets(%dma_start3A_553 : memref<128xi32, #tpu.memory_space<vmem>>) semaphore(%arg11 : memref<!tpu.dma_semaphore, #tpu.memory_space<semaphore_mem>>)
      %dma_wait3A_557 = arith.constant 35 : i32
      %dma_wait3A_558 = arith.constant 0 : i32
      %dma_wait3A_559 = tpu.memref_slice %arg7[%dma_wait3A_557, %dma_wait3A_558] : memref<40x128xi32, #tpu.memory_space<vmem>> -> memref<1x128xi32, #tpu.memory_space<vmem>>
      %dma_wait3A_560 = tpu.memref_squeeze %dma_wait3A_559 : memref<1x128xi32, #tpu.memory_space<vmem>> -> memref<128xi32, #tpu.memory_space<vmem>>
      %dma_wait3A_561 = arith.constant 0 : i32
      %dma_wait3A_562 = arith.constant 0 : i32
      %dma_wait3A_563 = tpu.memref_slice %arg4[%dma_wait3A_561, %dma_wait3A_562] : memref<10112x128xf32, #tpu.memory_space<hbm>> -> memref<10112x128xf32, #tpu.memory_space<hbm>>
      tpu.wait_indirect_dma semaphore(%arg12 : memref<!tpu.dma_semaphore, #tpu.memory_space<semaphore_mem>>) src(%dma_wait3A_563 : memref<10112x128xf32, #tpu.memory_space<hbm>>) dst(%arg10 : memref<128x128xf32, #tpu.memory_space<vmem>>)
      %run_scoped3A_564 = arith.constant 35 : i32
      "tpu.region"() ({
        %run_scoped3A_618 = tpu.sem_alloc : memref<!tpu.dma_semaphore, #tpu.memory_space<semaphore_mem>>
        %dma_start3A_619 = arith.constant 0 : i32
        %dma_start3A_620 = tpu.memref_slice %arg8[%run_scoped3A_564, %dma_start3A_619] : memref<40x128xi32, #tpu.memory_space<vmem>> -> memref<1x128xi32, #tpu.memory_space<vmem>>
        %dma_start3A_621 = tpu.memref_squeeze %dma_start3A_620 : memref<1x128xi32, #tpu.memory_space<vmem>> -> memref<128xi32, #tpu.memory_space<vmem>>
        %dma_start3A_622 = arith.constant 0 : i32
        %dma_start3A_623 = arith.constant 0 : i32
        %dma_start3A_624 = tpu.memref_slice %arg13[%dma_start3A_622, %dma_start3A_623] : memref<10112x128xf32, #tpu.memory_space<vmem_shared>> -> memref<10112x128xf32, #tpu.memory_space<vmem_shared>>
        tpu.enqueue_indirect_dma source(%arg10 : memref<128x128xf32, #tpu.memory_space<vmem>>) target(%dma_start3A_624 : memref<10112x128xf32, #tpu.memory_space<vmem_shared>>) offsets(%dma_start3A_621 : memref<128xi32, #tpu.memory_space<vmem>>) semaphore(%run_scoped3A_618 : memref<!tpu.dma_semaphore, #tpu.memory_space<semaphore_mem>>) {add = true}
        %dma_wait3A_625 = arith.constant 0 : i32
        %dma_wait3A_626 = tpu.memref_slice %arg8[%run_scoped3A_564, %dma_wait3A_625] : memref<40x128xi32, #tpu.memory_space<vmem>> -> memref<1x128xi32, #tpu.memory_space<vmem>>
        %dma_wait3A_627 = tpu.memref_squeeze %dma_wait3A_626 : memref<1x128xi32, #tpu.memory_space<vmem>> -> memref<128xi32, #tpu.memory_space<vmem>>
        %dma_wait3A_628 = arith.constant 0 : i32
        %dma_wait3A_629 = arith.constant 0 : i32
        %dma_wait3A_630 = tpu.memref_slice %arg13[%dma_wait3A_628, %dma_wait3A_629] : memref<10112x128xf32, #tpu.memory_space<vmem_shared>> -> memref<10112x128xf32, #tpu.memory_space<vmem_shared>>
        tpu.wait_indirect_dma semaphore(%run_scoped3A_618 : memref<!tpu.dma_semaphore, #tpu.memory_space<semaphore_mem>>) src(%arg10 : memref<128x128xf32, #tpu.memory_space<vmem>>) dst(%dma_wait3A_630 : memref<10112x128xf32, #tpu.memory_space<vmem_shared>>)
        tpu.yield
      }) : () -> ()
      %dma_start3A_565 = arith.constant 37 : i32
      %dma_start3A_566 = arith.constant 0 : i32
      %dma_start3A_567 = tpu.memref_slice %arg7[%dma_start3A_565, %dma_start3A_566] : memref<40x128xi32, #tpu.memory_space<vmem>> -> memref<1x128xi32, #tpu.memory_space<vmem>>
      %dma_start3A_568 = tpu.memref_squeeze %dma_start3A_567 : memref<1x128xi32, #tpu.memory_space<vmem>> -> memref<128xi32, #tpu.memory_space<vmem>>
      %dma_start3A_569 = arith.constant 0 : i32
      %dma_start3A_570 = arith.constant 0 : i32
      %dma_start3A_571 = tpu.memref_slice %arg4[%dma_start3A_569, %dma_start3A_570] : memref<10112x128xf32, #tpu.memory_space<hbm>> -> memref<10112x128xf32, #tpu.memory_space<hbm>>
      tpu.enqueue_indirect_dma source(%dma_start3A_571 : memref<10112x128xf32, #tpu.memory_space<hbm>>) target(%arg10 : memref<128x128xf32, #tpu.memory_space<vmem>>) offsets(%dma_start3A_568 : memref<128xi32, #tpu.memory_space<vmem>>) semaphore(%arg12 : memref<!tpu.dma_semaphore, #tpu.memory_space<semaphore_mem>>)
      %dma_wait3A_572 = arith.constant 36 : i32
      %dma_wait3A_573 = arith.constant 0 : i32
      %dma_wait3A_574 = tpu.memref_slice %arg7[%dma_wait3A_572, %dma_wait3A_573] : memref<40x128xi32, #tpu.memory_space<vmem>> -> memref<1x128xi32, #tpu.memory_space<vmem>>
      %dma_wait3A_575 = tpu.memref_squeeze %dma_wait3A_574 : memref<1x128xi32, #tpu.memory_space<vmem>> -> memref<128xi32, #tpu.memory_space<vmem>>
      %dma_wait3A_576 = arith.constant 0 : i32
      %dma_wait3A_577 = arith.constant 0 : i32
      %dma_wait3A_578 = tpu.memref_slice %arg4[%dma_wait3A_576, %dma_wait3A_577] : memref<10112x128xf32, #tpu.memory_space<hbm>> -> memref<10112x128xf32, #tpu.memory_space<hbm>>
      tpu.wait_indirect_dma semaphore(%arg11 : memref<!tpu.dma_semaphore, #tpu.memory_space<semaphore_mem>>) src(%dma_wait3A_578 : memref<10112x128xf32, #tpu.memory_space<hbm>>) dst(%arg9 : memref<128x128xf32, #tpu.memory_space<vmem>>)
      %run_scoped3A_579 = arith.constant 36 : i32
      "tpu.region"() ({
        %run_scoped3A_618 = tpu.sem_alloc : memref<!tpu.dma_semaphore, #tpu.memory_space<semaphore_mem>>
        %dma_start3A_619 = arith.constant 0 : i32
        %dma_start3A_620 = tpu.memref_slice %arg8[%run_scoped3A_579, %dma_start3A_619] : memref<40x128xi32, #tpu.memory_space<vmem>> -> memref<1x128xi32, #tpu.memory_space<vmem>>
        %dma_start3A_621 = tpu.memref_squeeze %dma_start3A_620 : memref<1x128xi32, #tpu.memory_space<vmem>> -> memref<128xi32, #tpu.memory_space<vmem>>
        %dma_start3A_622 = arith.constant 0 : i32
        %dma_start3A_623 = arith.constant 0 : i32
        %dma_start3A_624 = tpu.memref_slice %arg13[%dma_start3A_622, %dma_start3A_623] : memref<10112x128xf32, #tpu.memory_space<vmem_shared>> -> memref<10112x128xf32, #tpu.memory_space<vmem_shared>>
        tpu.enqueue_indirect_dma source(%arg9 : memref<128x128xf32, #tpu.memory_space<vmem>>) target(%dma_start3A_624 : memref<10112x128xf32, #tpu.memory_space<vmem_shared>>) offsets(%dma_start3A_621 : memref<128xi32, #tpu.memory_space<vmem>>) semaphore(%run_scoped3A_618 : memref<!tpu.dma_semaphore, #tpu.memory_space<semaphore_mem>>) {add = true}
        %dma_wait3A_625 = arith.constant 0 : i32
        %dma_wait3A_626 = tpu.memref_slice %arg8[%run_scoped3A_579, %dma_wait3A_625] : memref<40x128xi32, #tpu.memory_space<vmem>> -> memref<1x128xi32, #tpu.memory_space<vmem>>
        %dma_wait3A_627 = tpu.memref_squeeze %dma_wait3A_626 : memref<1x128xi32, #tpu.memory_space<vmem>> -> memref<128xi32, #tpu.memory_space<vmem>>
        %dma_wait3A_628 = arith.constant 0 : i32
        %dma_wait3A_629 = arith.constant 0 : i32
        %dma_wait3A_630 = tpu.memref_slice %arg13[%dma_wait3A_628, %dma_wait3A_629] : memref<10112x128xf32, #tpu.memory_space<vmem_shared>> -> memref<10112x128xf32, #tpu.memory_space<vmem_shared>>
        tpu.wait_indirect_dma semaphore(%run_scoped3A_618 : memref<!tpu.dma_semaphore, #tpu.memory_space<semaphore_mem>>) src(%arg9 : memref<128x128xf32, #tpu.memory_space<vmem>>) dst(%dma_wait3A_630 : memref<10112x128xf32, #tpu.memory_space<vmem_shared>>)
        tpu.yield
      }) : () -> ()
      %dma_start3A_580 = arith.constant 38 : i32
      %dma_start3A_581 = arith.constant 0 : i32
      %dma_start3A_582 = tpu.memref_slice %arg7[%dma_start3A_580, %dma_start3A_581] : memref<40x128xi32, #tpu.memory_space<vmem>> -> memref<1x128xi32, #tpu.memory_space<vmem>>
      %dma_start3A_583 = tpu.memref_squeeze %dma_start3A_582 : memref<1x128xi32, #tpu.memory_space<vmem>> -> memref<128xi32, #tpu.memory_space<vmem>>
      %dma_start3A_584 = arith.constant 0 : i32
      %dma_start3A_585 = arith.constant 0 : i32
      %dma_start3A_586 = tpu.memref_slice %arg4[%dma_start3A_584, %dma_start3A_585] : memref<10112x128xf32, #tpu.memory_space<hbm>> -> memref<10112x128xf32, #tpu.memory_space<hbm>>
      tpu.enqueue_indirect_dma source(%dma_start3A_586 : memref<10112x128xf32, #tpu.memory_space<hbm>>) target(%arg9 : memref<128x128xf32, #tpu.memory_space<vmem>>) offsets(%dma_start3A_583 : memref<128xi32, #tpu.memory_space<vmem>>) semaphore(%arg11 : memref<!tpu.dma_semaphore, #tpu.memory_space<semaphore_mem>>)
      %dma_wait3A_587 = arith.constant 37 : i32
      %dma_wait3A_588 = arith.constant 0 : i32
      %dma_wait3A_589 = tpu.memref_slice %arg7[%dma_wait3A_587, %dma_wait3A_588] : memref<40x128xi32, #tpu.memory_space<vmem>> -> memref<1x128xi32, #tpu.memory_space<vmem>>
      %dma_wait3A_590 = tpu.memref_squeeze %dma_wait3A_589 : memref<1x128xi32, #tpu.memory_space<vmem>> -> memref<128xi32, #tpu.memory_space<vmem>>
      %dma_wait3A_591 = arith.constant 0 : i32
      %dma_wait3A_592 = arith.constant 0 : i32
      %dma_wait3A_593 = tpu.memref_slice %arg4[%dma_wait3A_591, %dma_wait3A_592] : memref<10112x128xf32, #tpu.memory_space<hbm>> -> memref<10112x128xf32, #tpu.memory_space<hbm>>
      tpu.wait_indirect_dma semaphore(%arg12 : memref<!tpu.dma_semaphore, #tpu.memory_space<semaphore_mem>>) src(%dma_wait3A_593 : memref<10112x128xf32, #tpu.memory_space<hbm>>) dst(%arg10 : memref<128x128xf32, #tpu.memory_space<vmem>>)
      %run_scoped3A_594 = arith.constant 37 : i32
      "tpu.region"() ({
        %run_scoped3A_618 = tpu.sem_alloc : memref<!tpu.dma_semaphore, #tpu.memory_space<semaphore_mem>>
        %dma_start3A_619 = arith.constant 0 : i32
        %dma_start3A_620 = tpu.memref_slice %arg8[%run_scoped3A_594, %dma_start3A_619] : memref<40x128xi32, #tpu.memory_space<vmem>> -> memref<1x128xi32, #tpu.memory_space<vmem>>
        %dma_start3A_621 = tpu.memref_squeeze %dma_start3A_620 : memref<1x128xi32, #tpu.memory_space<vmem>> -> memref<128xi32, #tpu.memory_space<vmem>>
        %dma_start3A_622 = arith.constant 0 : i32
        %dma_start3A_623 = arith.constant 0 : i32
        %dma_start3A_624 = tpu.memref_slice %arg13[%dma_start3A_622, %dma_start3A_623] : memref<10112x128xf32, #tpu.memory_space<vmem_shared>> -> memref<10112x128xf32, #tpu.memory_space<vmem_shared>>
        tpu.enqueue_indirect_dma source(%arg10 : memref<128x128xf32, #tpu.memory_space<vmem>>) target(%dma_start3A_624 : memref<10112x128xf32, #tpu.memory_space<vmem_shared>>) offsets(%dma_start3A_621 : memref<128xi32, #tpu.memory_space<vmem>>) semaphore(%run_scoped3A_618 : memref<!tpu.dma_semaphore, #tpu.memory_space<semaphore_mem>>) {add = true}
        %dma_wait3A_625 = arith.constant 0 : i32
        %dma_wait3A_626 = tpu.memref_slice %arg8[%run_scoped3A_594, %dma_wait3A_625] : memref<40x128xi32, #tpu.memory_space<vmem>> -> memref<1x128xi32, #tpu.memory_space<vmem>>
        %dma_wait3A_627 = tpu.memref_squeeze %dma_wait3A_626 : memref<1x128xi32, #tpu.memory_space<vmem>> -> memref<128xi32, #tpu.memory_space<vmem>>
        %dma_wait3A_628 = arith.constant 0 : i32
        %dma_wait3A_629 = arith.constant 0 : i32
        %dma_wait3A_630 = tpu.memref_slice %arg13[%dma_wait3A_628, %dma_wait3A_629] : memref<10112x128xf32, #tpu.memory_space<vmem_shared>> -> memref<10112x128xf32, #tpu.memory_space<vmem_shared>>
        tpu.wait_indirect_dma semaphore(%run_scoped3A_618 : memref<!tpu.dma_semaphore, #tpu.memory_space<semaphore_mem>>) src(%arg10 : memref<128x128xf32, #tpu.memory_space<vmem>>) dst(%dma_wait3A_630 : memref<10112x128xf32, #tpu.memory_space<vmem_shared>>)
        tpu.yield
      }) : () -> ()
      %dma_start3A_595 = arith.constant 39 : i32
      %dma_start3A_596 = arith.constant 0 : i32
      %dma_start3A_597 = tpu.memref_slice %arg7[%dma_start3A_595, %dma_start3A_596] : memref<40x128xi32, #tpu.memory_space<vmem>> -> memref<1x128xi32, #tpu.memory_space<vmem>>
      %dma_start3A_598 = tpu.memref_squeeze %dma_start3A_597 : memref<1x128xi32, #tpu.memory_space<vmem>> -> memref<128xi32, #tpu.memory_space<vmem>>
      %dma_start3A_599 = arith.constant 0 : i32
      %dma_start3A_600 = arith.constant 0 : i32
      %dma_start3A_601 = tpu.memref_slice %arg4[%dma_start3A_599, %dma_start3A_600] : memref<10112x128xf32, #tpu.memory_space<hbm>> -> memref<10112x128xf32, #tpu.memory_space<hbm>>
      tpu.enqueue_indirect_dma source(%dma_start3A_601 : memref<10112x128xf32, #tpu.memory_space<hbm>>) target(%arg10 : memref<128x128xf32, #tpu.memory_space<vmem>>) offsets(%dma_start3A_598 : memref<128xi32, #tpu.memory_space<vmem>>) semaphore(%arg12 : memref<!tpu.dma_semaphore, #tpu.memory_space<semaphore_mem>>)
      %dma_wait3A_602 = arith.constant 38 : i32
      %dma_wait3A_603 = arith.constant 0 : i32
      %dma_wait3A_604 = tpu.memref_slice %arg7[%dma_wait3A_602, %dma_wait3A_603] : memref<40x128xi32, #tpu.memory_space<vmem>> -> memref<1x128xi32, #tpu.memory_space<vmem>>
      %dma_wait3A_605 = tpu.memref_squeeze %dma_wait3A_604 : memref<1x128xi32, #tpu.memory_space<vmem>> -> memref<128xi32, #tpu.memory_space<vmem>>
      %dma_wait3A_606 = arith.constant 0 : i32
      %dma_wait3A_607 = arith.constant 0 : i32
      %dma_wait3A_608 = tpu.memref_slice %arg4[%dma_wait3A_606, %dma_wait3A_607] : memref<10112x128xf32, #tpu.memory_space<hbm>> -> memref<10112x128xf32, #tpu.memory_space<hbm>>
      tpu.wait_indirect_dma semaphore(%arg11 : memref<!tpu.dma_semaphore, #tpu.memory_space<semaphore_mem>>) src(%dma_wait3A_608 : memref<10112x128xf32, #tpu.memory_space<hbm>>) dst(%arg9 : memref<128x128xf32, #tpu.memory_space<vmem>>)
      %run_scoped3A_609 = arith.constant 38 : i32
      "tpu.region"() ({
        %run_scoped3A_618 = tpu.sem_alloc : memref<!tpu.dma_semaphore, #tpu.memory_space<semaphore_mem>>
        %dma_start3A_619 = arith.constant 0 : i32
        %dma_start3A_620 = tpu.memref_slice %arg8[%run_scoped3A_609, %dma_start3A_619] : memref<40x128xi32, #tpu.memory_space<vmem>> -> memref<1x128xi32, #tpu.memory_space<vmem>>
        %dma_start3A_621 = tpu.memref_squeeze %dma_start3A_620 : memref<1x128xi32, #tpu.memory_space<vmem>> -> memref<128xi32, #tpu.memory_space<vmem>>
        %dma_start3A_622 = arith.constant 0 : i32
        %dma_start3A_623 = arith.constant 0 : i32
        %dma_start3A_624 = tpu.memref_slice %arg13[%dma_start3A_622, %dma_start3A_623] : memref<10112x128xf32, #tpu.memory_space<vmem_shared>> -> memref<10112x128xf32, #tpu.memory_space<vmem_shared>>
        tpu.enqueue_indirect_dma source(%arg9 : memref<128x128xf32, #tpu.memory_space<vmem>>) target(%dma_start3A_624 : memref<10112x128xf32, #tpu.memory_space<vmem_shared>>) offsets(%dma_start3A_621 : memref<128xi32, #tpu.memory_space<vmem>>) semaphore(%run_scoped3A_618 : memref<!tpu.dma_semaphore, #tpu.memory_space<semaphore_mem>>) {add = true}
        %dma_wait3A_625 = arith.constant 0 : i32
        %dma_wait3A_626 = tpu.memref_slice %arg8[%run_scoped3A_609, %dma_wait3A_625] : memref<40x128xi32, #tpu.memory_space<vmem>> -> memref<1x128xi32, #tpu.memory_space<vmem>>
        %dma_wait3A_627 = tpu.memref_squeeze %dma_wait3A_626 : memref<1x128xi32, #tpu.memory_space<vmem>> -> memref<128xi32, #tpu.memory_space<vmem>>
        %dma_wait3A_628 = arith.constant 0 : i32
        %dma_wait3A_629 = arith.constant 0 : i32
        %dma_wait3A_630 = tpu.memref_slice %arg13[%dma_wait3A_628, %dma_wait3A_629] : memref<10112x128xf32, #tpu.memory_space<vmem_shared>> -> memref<10112x128xf32, #tpu.memory_space<vmem_shared>>
        tpu.wait_indirect_dma semaphore(%run_scoped3A_618 : memref<!tpu.dma_semaphore, #tpu.memory_space<semaphore_mem>>) src(%arg9 : memref<128x128xf32, #tpu.memory_space<vmem>>) dst(%dma_wait3A_630 : memref<10112x128xf32, #tpu.memory_space<vmem_shared>>)
        tpu.yield
      }) : () -> ()
      %dma_wait3A_610 = arith.constant 39 : i32
      %dma_wait3A_611 = arith.constant 0 : i32
      %dma_wait3A_612 = tpu.memref_slice %arg7[%dma_wait3A_610, %dma_wait3A_611] : memref<40x128xi32, #tpu.memory_space<vmem>> -> memref<1x128xi32, #tpu.memory_space<vmem>>
      %dma_wait3A_613 = tpu.memref_squeeze %dma_wait3A_612 : memref<1x128xi32, #tpu.memory_space<vmem>> -> memref<128xi32, #tpu.memory_space<vmem>>
      %dma_wait3A_614 = arith.constant 0 : i32
      %dma_wait3A_615 = arith.constant 0 : i32
      %dma_wait3A_616 = tpu.memref_slice %arg4[%dma_wait3A_614, %dma_wait3A_615] : memref<10112x128xf32, #tpu.memory_space<hbm>> -> memref<10112x128xf32, #tpu.memory_space<hbm>>
      tpu.wait_indirect_dma semaphore(%arg12 : memref<!tpu.dma_semaphore, #tpu.memory_space<semaphore_mem>>) src(%dma_wait3A_616 : memref<10112x128xf32, #tpu.memory_space<hbm>>) dst(%arg10 : memref<128x128xf32, #tpu.memory_space<vmem>>)
      %run_scoped3A_617 = arith.constant 39 : i32
      "tpu.region"() ({
        %run_scoped3A_618 = tpu.sem_alloc : memref<!tpu.dma_semaphore, #tpu.memory_space<semaphore_mem>>
        %dma_start3A_619 = arith.constant 0 : i32
        %dma_start3A_620 = tpu.memref_slice %arg8[%run_scoped3A_617, %dma_start3A_619] : memref<40x128xi32, #tpu.memory_space<vmem>> -> memref<1x128xi32, #tpu.memory_space<vmem>>
        %dma_start3A_621 = tpu.memref_squeeze %dma_start3A_620 : memref<1x128xi32, #tpu.memory_space<vmem>> -> memref<128xi32, #tpu.memory_space<vmem>>
        %dma_start3A_622 = arith.constant 0 : i32
        %dma_start3A_623 = arith.constant 0 : i32
        %dma_start3A_624 = tpu.memref_slice %arg13[%dma_start3A_622, %dma_start3A_623] : memref<10112x128xf32, #tpu.memory_space<vmem_shared>> -> memref<10112x128xf32, #tpu.memory_space<vmem_shared>>
        tpu.enqueue_indirect_dma source(%arg10 : memref<128x128xf32, #tpu.memory_space<vmem>>) target(%dma_start3A_624 : memref<10112x128xf32, #tpu.memory_space<vmem_shared>>) offsets(%dma_start3A_621 : memref<128xi32, #tpu.memory_space<vmem>>) semaphore(%run_scoped3A_618 : memref<!tpu.dma_semaphore, #tpu.memory_space<semaphore_mem>>) {add = true}
        %dma_wait3A_625 = arith.constant 0 : i32
        %dma_wait3A_626 = tpu.memref_slice %arg8[%run_scoped3A_617, %dma_wait3A_625] : memref<40x128xi32, #tpu.memory_space<vmem>> -> memref<1x128xi32, #tpu.memory_space<vmem>>
        %dma_wait3A_627 = tpu.memref_squeeze %dma_wait3A_626 : memref<1x128xi32, #tpu.memory_space<vmem>> -> memref<128xi32, #tpu.memory_space<vmem>>
        %dma_wait3A_628 = arith.constant 0 : i32
        %dma_wait3A_629 = arith.constant 0 : i32
        %dma_wait3A_630 = tpu.memref_slice %arg13[%dma_wait3A_628, %dma_wait3A_629] : memref<10112x128xf32, #tpu.memory_space<vmem_shared>> -> memref<10112x128xf32, #tpu.memory_space<vmem_shared>>
        tpu.wait_indirect_dma semaphore(%run_scoped3A_618 : memref<!tpu.dma_semaphore, #tpu.memory_space<semaphore_mem>>) src(%arg10 : memref<128x128xf32, #tpu.memory_space<vmem>>) dst(%dma_wait3A_630 : memref<10112x128xf32, #tpu.memory_space<vmem_shared>>)
        tpu.yield
      }) : () -> ()
    }
    %scan3A_9 = arith.constant 2 : i32
    %barrier3A_10 = arith.constant 0 : index
    tpu.barrier barrier_id(%barrier3A_10)
    %mul3A_11 = arith.constant 632 : i32
    %mul3A_12 = arith.muli %arg1, %mul3A_11 : i32
    %mul3A_13 = arith.constant 632 : i32
    %mul3A_14 = arith.muli %arg1, %mul3A_13 : i32
    "tpu.region"() ({
      %run_scoped3A = tpu.sem_alloc : memref<!tpu.dma_semaphore, #tpu.memory_space<semaphore_mem>>
      %dma_start3A = arith.constant 0 : i32
      %dma_start3A_15 = tpu.memref_slice %arg6[%arg0, %mul3A_14, %dma_start3A] : memref<2x10112x128xf32, #tpu.memory_space<hbm>> -> memref<1x632x128xf32, #tpu.memory_space<hbm>>
      %dma_start3A_16 = tpu.memref_squeeze %dma_start3A_15 : memref<1x632x128xf32, #tpu.memory_space<hbm>> -> memref<632x128xf32, #tpu.memory_space<hbm>>
      %dma_start3A_17 = arith.constant 0 : i32
      %dma_start3A_18 = tpu.memref_slice %arg13[%mul3A_12, %dma_start3A_17] : memref<10112x128xf32, #tpu.memory_space<vmem_shared>> -> memref<632x128xf32, #tpu.memory_space<vmem_shared>>
      tpu.enqueue_dma source(%dma_start3A_18 : memref<632x128xf32, #tpu.memory_space<vmem_shared>>) target(%dma_start3A_16 : memref<632x128xf32, #tpu.memory_space<hbm>>) target_semaphore(%run_scoped3A : memref<!tpu.dma_semaphore, #tpu.memory_space<semaphore_mem>>)
      %dma_wait3A = arith.constant 0 : i32
      %dma_wait3A_19 = tpu.memref_slice %arg6[%arg0, %mul3A_14, %dma_wait3A] : memref<2x10112x128xf32, #tpu.memory_space<hbm>> -> memref<1x632x128xf32, #tpu.memory_space<hbm>>
      %dma_wait3A_20 = tpu.memref_squeeze %dma_wait3A_19 : memref<1x632x128xf32, #tpu.memory_space<hbm>> -> memref<632x128xf32, #tpu.memory_space<hbm>>
      %dma_wait3A_21 = arith.constant 0 : i32
      %dma_wait3A_22 = tpu.memref_slice %arg13[%mul3A_12, %dma_wait3A_21] : memref<10112x128xf32, #tpu.memory_space<vmem_shared>> -> memref<632x128xf32, #tpu.memory_space<vmem_shared>>
      tpu.wait_dma2 semaphore(%run_scoped3A : memref<!tpu.dma_semaphore, #tpu.memory_space<semaphore_mem>>) src(%dma_wait3A_22 : memref<632x128xf32, #tpu.memory_space<vmem_shared>>) dst(%dma_wait3A_20 : memref<632x128xf32, #tpu.memory_space<hbm>>)
      tpu.yield
    }) : () -> ()
    return
  }
}

module attributes {stable_mosaic.version = 14 : i64} {
  func.func @_dense1_body(%arg0: memref<2x10112x128xf32, #tpu.memory_space<vmem>>, %arg1: memref<1x128xf32, #tpu.memory_space<vmem>>, %arg2: memref<128x128xf32, #tpu.memory_space<vmem>>, %arg3: memref<1x128xf32, #tpu.memory_space<vmem>>, %arg4: memref<128x128xf32, #tpu.memory_space<vmem>>, %arg5: memref<1x128xf32, #tpu.memory_space<vmem>>, %arg6: memref<10112x128xf32, #tpu.memory_space<vmem>>) attributes {dimension_semantics = [], scalar_prefetch = 0 : i64, scratch_operands = 0 : i64, tpu.core_type = #tpu.core_type<tc>} {
    %get3A = arith.constant 0 : index
    %get3A_0 = arith.constant 0 : index
    %get3A_1 = arith.constant 0 : index
    %get3A_2 = vector.load %arg0[%get3A, %get3A_0, %get3A_1] : memref<2x10112x128xf32, #tpu.memory_space<vmem>>, vector<1x10112x1xf32>
    %get3A_3 = vector.shape_cast %get3A_2 : vector<1x10112x1xf32> to vector<10112x1xf32>
    %get3A_4 = arith.constant 1 : index
    %get3A_5 = arith.constant 0 : index
    %get3A_6 = arith.constant 0 : index
    %get3A_7 = vector.load %arg0[%get3A_4, %get3A_5, %get3A_6] : memref<2x10112x128xf32, #tpu.memory_space<vmem>>, vector<1x10112x1xf32>
    %get3A_8 = vector.shape_cast %get3A_7 : vector<1x10112x1xf32> to vector<10112x1xf32>
    %add3A = arith.addf %get3A_3, %get3A_8 : vector<10112x1xf32>
    %get3A_9 = arith.constant 0 : index
    %get3A_10 = arith.constant 0 : index
    %get3A_11 = vector.load %arg1[%get3A_9, %get3A_10] : memref<1x128xf32, #tpu.memory_space<vmem>>, vector<1x128xf32>
    %get3A_12 = arith.constant 0 : index
    %get3A_13 = arith.constant 0 : index
    %get3A_14 = vector.load %arg2[%get3A_12, %get3A_13] : memref<128x128xf32, #tpu.memory_space<vmem>>, vector<128x128xf32>
    %dot_general3A = arith.constant dense<0.000000e+00> : vector<1x128xf32>
    %dot_general3A_15 = tpu.matmul %get3A_11, %get3A_14, %dot_general3A {dimension_numbers = #tpu.dot_dimension_numbers<[1], [0], [0], [1], [0, 0, 1, 1], [], []>, transpose_lhs_hint = false} : vector<1x128xf32>, vector<128x128xf32>, vector<1x128xf32> -> vector<1x128xf32>
    %add3A_16 = arith.constant 1.000000e+00 : f32
    %add3A_17 = vector.broadcast %add3A_16 : f32 to vector<10112x1xf32>
    %add3A_18 = arith.addf %add3A_17, %add3A : vector<10112x1xf32>
    %mul3A = vector.broadcast %add3A_18 : vector<10112x1xf32> to vector<10112x128xf32>
    %mul3A_19 = vector.broadcast %dot_general3A_15 : vector<1x128xf32> to vector<10112x128xf32>
    %mul3A_20 = arith.mulf %mul3A, %mul3A_19 : vector<10112x128xf32>
    %get3A_21 = arith.constant 0 : index
    %get3A_22 = arith.constant 0 : index
    %get3A_23 = vector.load %arg3[%get3A_21, %get3A_22] : memref<1x128xf32, #tpu.memory_space<vmem>>, vector<1x128xf32>
    %add3A_24 = vector.broadcast %get3A_23 : vector<1x128xf32> to vector<10112x128xf32>
    %add3A_25 = arith.addf %mul3A_20, %add3A_24 : vector<10112x128xf32>
    %max3A = arith.constant 0.000000e+00 : f32
    %max3A_26 = vector.broadcast %max3A : f32 to vector<10112x128xf32>
    %max3A_27 = arith.maximumf %add3A_25, %max3A_26 : vector<10112x128xf32>
    %get3A_28 = arith.constant 0 : index
    %get3A_29 = arith.constant 0 : index
    %get3A_30 = vector.load %arg4[%get3A_28, %get3A_29] : memref<128x128xf32, #tpu.memory_space<vmem>>, vector<128x128xf32>
    %dot_general3A_31 = arith.constant dense<0.000000e+00> : vector<10112x128xf32>
    %dot_general3A_32 = tpu.matmul %max3A_27, %get3A_30, %dot_general3A_31 {dimension_numbers = #tpu.dot_dimension_numbers<[1], [0], [0], [1], [0, 0, 1, 1], [], []>, transpose_lhs_hint = false} : vector<10112x128xf32>, vector<128x128xf32>, vector<10112x128xf32> -> vector<10112x128xf32>
    %get3A_33 = arith.constant 0 : index
    %get3A_34 = arith.constant 0 : index
    %get3A_35 = vector.load %arg5[%get3A_33, %get3A_34] : memref<1x128xf32, #tpu.memory_space<vmem>>, vector<1x128xf32>
    %add3A_36 = vector.broadcast %get3A_35 : vector<1x128xf32> to vector<10112x128xf32>
    %add3A_37 = arith.addf %dot_general3A_32, %add3A_36 : vector<10112x128xf32>
    %max3A_38 = arith.constant 0.000000e+00 : f32
    %max3A_39 = vector.broadcast %max3A_38 : f32 to vector<10112x128xf32>
    %max3A_40 = arith.maximumf %add3A_37, %max3A_39 : vector<10112x128xf32>
    %swap3A = arith.constant 0 : index
    %swap3A_41 = arith.constant 0 : index
    %swap3A_42 = vector.load %arg6[%swap3A, %swap3A_41] : memref<10112x128xf32, #tpu.memory_space<vmem>>, vector<10112x128xf32>
    tpu.vector_store %arg6[%swap3A, %swap3A_41], %max3A_40 {strides = array<i32>} : memref<10112x128xf32, #tpu.memory_space<vmem>>, vector<10112x128xf32>,
    return
  }
}

module attributes {stable_mosaic.version = 14 : i64} {
  func.func @_dense2_body(%arg0: memref<10112x128xf32, #tpu.memory_space<vmem>>, %arg1: memref<2x10112x128xf32, #tpu.memory_space<vmem>>, %arg2: memref<1x10112xi32, #tpu.memory_space<vmem>>, %arg3: memref<128x128xf32, #tpu.memory_space<vmem>>, %arg4: memref<1x128xf32, #tpu.memory_space<vmem>>, %arg5: memref<128x128xf32, #tpu.memory_space<vmem>>, %arg6: memref<1x128xf32, #tpu.memory_space<vmem>>, %arg7: memref<128x128xf32, #tpu.memory_space<vmem>>, %arg8: memref<1x128xf32, #tpu.memory_space<vmem>>, %arg9: memref<64x128xf32, #tpu.memory_space<vmem>>) attributes {dimension_semantics = [], scalar_prefetch = 0 : i64, scratch_operands = 0 : i64, tpu.core_type = #tpu.core_type<tc>} {
    %get3A = arith.constant 0 : index
    %get3A_0 = arith.constant 0 : index
    %get3A_1 = vector.load %arg0[%get3A, %get3A_0] : memref<10112x128xf32, #tpu.memory_space<vmem>>, vector<10112x128xf32>
    %get3A_2 = arith.constant 0 : index
    %get3A_3 = arith.constant 0 : index
    %get3A_4 = arith.constant 0 : index
    %get3A_5 = vector.load %arg1[%get3A_2, %get3A_3, %get3A_4] : memref<2x10112x128xf32, #tpu.memory_space<vmem>>, vector<1x10112x128xf32>
    %get3A_6 = vector.shape_cast %get3A_5 : vector<1x10112x128xf32> to vector<10112x128xf32>
    %add3A = arith.addf %get3A_1, %get3A_6 : vector<10112x128xf32>
    %get3A_7 = arith.constant 1 : index
    %get3A_8 = arith.constant 0 : index
    %get3A_9 = arith.constant 0 : index
    %get3A_10 = vector.load %arg1[%get3A_7, %get3A_8, %get3A_9] : memref<2x10112x128xf32, #tpu.memory_space<vmem>>, vector<1x10112x128xf32>
    %get3A_11 = vector.shape_cast %get3A_10 : vector<1x10112x128xf32> to vector<10112x128xf32>
    %add3A_12 = arith.addf %add3A, %get3A_11 : vector<10112x128xf32>
    %get3A_13 = arith.constant 0 : index
    %get3A_14 = arith.constant 0 : index
    %get3A_15 = vector.load %arg3[%get3A_13, %get3A_14] : memref<128x128xf32, #tpu.memory_space<vmem>>, vector<128x128xf32>
    %dot_general3A = arith.constant dense<0.000000e+00> : vector<10112x128xf32>
    %dot_general3A_16 = tpu.matmul %add3A_12, %get3A_15, %dot_general3A {dimension_numbers = #tpu.dot_dimension_numbers<[1], [0], [0], [1], [0, 0, 1, 1], [], []>, transpose_lhs_hint = false} : vector<10112x128xf32>, vector<128x128xf32>, vector<10112x128xf32> -> vector<10112x128xf32>
    %get3A_17 = arith.constant 0 : index
    %get3A_18 = arith.constant 0 : index
    %get3A_19 = vector.load %arg4[%get3A_17, %get3A_18] : memref<1x128xf32, #tpu.memory_space<vmem>>, vector<1x128xf32>
    %add3A_20 = vector.broadcast %get3A_19 : vector<1x128xf32> to vector<10112x128xf32>
    %add3A_21 = arith.addf %dot_general3A_16, %add3A_20 : vector<10112x128xf32>
    %max3A = arith.constant 0.000000e+00 : f32
    %max3A_22 = vector.broadcast %max3A : f32 to vector<10112x128xf32>
    %max3A_23 = arith.maximumf %add3A_21, %max3A_22 : vector<10112x128xf32>
    %get3A_24 = arith.constant 0 : index
    %get3A_25 = arith.constant 0 : index
    %get3A_26 = vector.load %arg5[%get3A_24, %get3A_25] : memref<128x128xf32, #tpu.memory_space<vmem>>, vector<128x128xf32>
    %dot_general3A_27 = arith.constant dense<0.000000e+00> : vector<10112x128xf32>
    %dot_general3A_28 = tpu.matmul %max3A_23, %get3A_26, %dot_general3A_27 {dimension_numbers = #tpu.dot_dimension_numbers<[1], [0], [0], [1], [0, 0, 1, 1], [], []>, transpose_lhs_hint = false} : vector<10112x128xf32>, vector<128x128xf32>, vector<10112x128xf32> -> vector<10112x128xf32>
    %get3A_29 = arith.constant 0 : index
    %get3A_30 = arith.constant 0 : index
    %get3A_31 = vector.load %arg6[%get3A_29, %get3A_30] : memref<1x128xf32, #tpu.memory_space<vmem>>, vector<1x128xf32>
    %add3A_32 = vector.broadcast %get3A_31 : vector<1x128xf32> to vector<10112x128xf32>
    %add3A_33 = arith.addf %dot_general3A_28, %add3A_32 : vector<10112x128xf32>
    %iota3A = tpu.iota {dimensions = array<i32: 0>} : vector<64x10112xi32>
    %get3A_34 = arith.constant 0 : index
    %get3A_35 = arith.constant 0 : index
    %get3A_36 = vector.load %arg2[%get3A_34, %get3A_35] : memref<1x10112xi32, #tpu.memory_space<vmem>>, vector<1x10112xi32>
    %eq3A = vector.broadcast %get3A_36 : vector<1x10112xi32> to vector<64x10112xi32>
    %eq3A_37 = arith.cmpi eq, %iota3A, %eq3A : vector<64x10112xi32>
    %convert_element_type3A = arith.extui %eq3A_37 : vector<64x10112xi1> to vector<64x10112xi32>
    %convert_element_type3A_38 = arith.sitofp %convert_element_type3A : vector<64x10112xi32> to vector<64x10112xf32>
    %dot_general3A_39 = arith.constant dense<0.000000e+00> : vector<64x128xf32>
    %dot_general3A_40 = tpu.matmul %convert_element_type3A_38, %add3A_33, %dot_general3A_39 {dimension_numbers = #tpu.dot_dimension_numbers<[1], [0], [0], [1], [0, 0, 1, 1], [], []>, transpose_lhs_hint = false} : vector<64x10112xf32>, vector<10112x128xf32>, vector<64x128xf32> -> vector<64x128xf32>
    %reduce_sum3A = arith.constant dense<0.000000e+00> : vector<64xf32>
    %reduce_sum3A_41 = vector.multi_reduction <add>, %convert_element_type3A_38, %reduce_sum3A [1] : vector<64x10112xf32> to vector<64xf32>
    %broadcast_in_dim3A = vector.shape_cast %reduce_sum3A_41 : vector<64xf32> to vector<64x1xf32>
    %max3A_42 = arith.constant 1.000000e+00 : f32
    %max3A_43 = vector.broadcast %max3A_42 : f32 to vector<64x1xf32>
    %max3A_44 = arith.maximumf %broadcast_in_dim3A, %max3A_43 : vector<64x1xf32>
    %div3A = vector.broadcast %max3A_44 : vector<64x1xf32> to vector<64x128xf32>
    %div3A_45 = arith.divf %dot_general3A_40, %div3A : vector<64x128xf32>
    %get3A_46 = arith.constant 0 : index
    %get3A_47 = arith.constant 0 : index
    %get3A_48 = vector.load %arg7[%get3A_46, %get3A_47] : memref<128x128xf32, #tpu.memory_space<vmem>>, vector<128x128xf32>
    %dot_general3A_49 = arith.constant dense<0.000000e+00> : vector<64x128xf32>
    %dot_general3A_50 = tpu.matmul %div3A_45, %get3A_48, %dot_general3A_49 {dimension_numbers = #tpu.dot_dimension_numbers<[1], [0], [0], [1], [0, 0, 1, 1], [], []>, transpose_lhs_hint = false} : vector<64x128xf32>, vector<128x128xf32>, vector<64x128xf32> -> vector<64x128xf32>
    %get3A_51 = arith.constant 0 : index
    %get3A_52 = arith.constant 0 : index
    %get3A_53 = vector.load %arg8[%get3A_51, %get3A_52] : memref<1x128xf32, #tpu.memory_space<vmem>>, vector<1x128xf32>
    %add3A_54 = vector.broadcast %get3A_53 : vector<1x128xf32> to vector<64x128xf32>
    %add3A_55 = arith.addf %dot_general3A_50, %add3A_54 : vector<64x128xf32>
    %swap3A = arith.constant 0 : index
    %swap3A_56 = arith.constant 0 : index
    %swap3A_57 = vector.load %arg9[%swap3A, %swap3A_56] : memref<64x128xf32, #tpu.memory_space<vmem>>, vector<64x128xf32>
    tpu.vector_store %arg9[%swap3A, %swap3A_56], %add3A_55 {strides = array<i32>} : memref<64x128xf32, #tpu.memory_space<vmem>>, vector<64x128xf32>,
    return
  }
}

</mosaic_0001>

<sc_bundles>
// kernel: kernel.6.cloned.1.call-start
scs
__scs_entry_jumppad:
0x0: {  	(pc) =	sbr.rel $0x88, $3  }
0x1: {  	(tag) =	ssettag $0x0;
	lr =	simm.s32 $0x1  }
0x2: {  	[smem:$0x3F94] =	sst lr;
	_ =	strace $0xD0000000  }
0x3: {  	_ = 	snop  }
0x4: {  	_ = 	snop  }
0x5: {  	_ = 	snop  }
0x6: {  	_ = 	snop  }
0x7: {  	_ = 	snop  }
__scs_overlays_trampoline_lowered:
0x8: {  	[smem:$0x3FA3] =	sst s0  }
0x9: {  	[smem:$0x3FA4] =	sst s1  }
0xa: {  	[smem:$0x3FA5] =	sst s2  }
0xb: {  	[smem:$0x3FA6] =	sst s3  }
0xc: {  	[smem:$0x3FA7] =	sst s4  }
0xd: {  	[smem:$0x3FA8] =	sst s5  }
0xe: {  	[smem:$0x3FA9] =	sst s6  }
0xf: {  	[smem:$0x3FAA] =	sst s7  }
0x10: {  	[smem:$0x3FAB] =	sst s8  }
0x11: {  	[smem:$0x3FAC] =	sst s9;
	s0 =	simm.s32 @!p0 $0x0  }
0x12: {  	s1 =	sld [smem:$0x3F92];
	s0 =	simm.s32 @p0 $0x1  }
0x13: {  	[smem:$0x3FAD] =	sst s0;
	s0 =	simm.s32 @!p1 $0x0  }
0x14: {  	s2 =	sld [smem:$0x3F91];
	s0 =	simm.s32 @p1 $0x1  }
0x15: {  	[smem:$0x3FAE] =	sst s0;
	s0 =	simm.s32 @!p2 $0x0  }
0x16: {  	s3 =	sld [smem:$0x3FDB];
	s0 =	simm.s32 @p2 $0x1  }
0x17: {  	s4 =	simm.s32 $0x1BF5;
	[smem:$0x3FB0] =	sst s0  }
0x18: {  	s0 =	sld [smem:$0x3F93];
	_ =	swait.ge [sflag:s4], $0x0  }
0x19: {  	s7 =	sld [smem:$0x3F94]  }
0x1a: {  	s8 =	sadd.s32 $0xFFFFE003, lr  }
0x1b: {  	s9 =	sadd.s32 $0xFFFFFEF7, lr;
	s5 =	simm.s32 $0xFFFFFFFF;
	p2 =	slt.u32 s8, $0xFFFFF086  }
0x1c: {  	p1 =	slt.u32 s9, $0xF7A;
	s5 =	simm.s32 @!p2 $0x0  }
0x1d: {  	s5 =	simm.s32 @p1 $0x1;
	p0 =	seq.s32 s7, s2  }
0x1e: {  	s7 =	smul.u32 @!p0 $0xF7A, s2;
	p2 =	seq.s32 @!p0 s5, $0x0  }
0x1f: {  	s9 =	smul.u32 $0xF7A, s1;
	s8 =	simm.s32 @!p0 $0x1BF5;
	p2 =	por !p2, p0  }
0x20: {  	[sflag:s8] =	ssyncset.s32 @!p0 $0xFFFFF086;
	s6 =	sadd.s32 @!p0 s3, s7;
	s7 =	simm.s32 @!p0 $0x108  }
0x21: {  	s3 =	sadd.s32 s3, s9;
	s6 =	sadd.s32 @!p0 $0x88, s6;
	s7 =	simm.s32 @p2 $0x1082  }
0x22: {  	[simem:s7], [sflag:s8] =	dma.local @!p0 [hbm:s6], $0xF7A  }
0x23: {  	s9 =	sor.u32 $0xD0000000, s2;
	s6 =	simm.s32 $0x108;
	_ =	swait.ge @!p0 [sflag:s8], $0x0  }
0x24: {  	s3 =	sadd.s32 $0x88, s3;
	s6 =	simm.s32 @!p1 $0x1082;
	[sflag:s4] =	ssyncset.s32 $0xFFFFF086  }
0x25: {  	[simem:s6], [sflag:s4] =	dma.local [hbm:s3], $0xF7A  }
0x26: {  	[smem:$0x3F94] =	sst s1;
	(tag) =	ssettag s2;
	_ =	strace s9  }
0x27: {  	s1 =	sld [smem:$0x3FA4]  }
0x28: {  	s2 =	sld [smem:$0x3FA5]  }
0x29: {  	s4 =	sld [smem:$0x3FA7]  }
0x2a: {  	p0 =	seq.s32 s5, $0x0;
	s5 =	sld [smem:$0x3FA8]  }
0x2b: {  	s6 =	sld [smem:$0x3FA9]  }
0x2c: {  	s7 =	sld [smem:$0x3FAA]  }
0x2d: {  	s3 =	simm.s32 $0x108;
	s8 =	sld [smem:$0x3FAB]  }
0x2e: {  	s3 =	simm.s32 @!p0 $0x1082;
	s9 =	sld [smem:$0x3FAC]  }
0x2f: {  	lr =	sadd.s32 s0, s3;
	s0 =	sld [smem:$0x3FA3]  }
0x30: {  	s3 =	sld [smem:$0x3FA6]  }
0x31: {  	[smem:$0x3FAF] =	sst s10  }
0x32: {  	s10 =	sld [smem:$0x3FAD];
	_ =	sdelay $0x3  }
0x33: {  	p0 =	seq.s32 s10, $0x1;
	s10 =	sld [smem:$0x3FAF];
	_ =	sdelay $0x3  }
0x34: {  	[smem:$0x3FAF] =	sst s10  }
0x35: {  	s10 =	sld [smem:$0x3FAE];
	_ =	sdelay $0x3  }
0x36: {  	p1 =	seq.s32 s10, $0x1;
	s10 =	sld [smem:$0x3FAF];
	_ =	sdelay $0x3  }
0x37: {  	[smem:$0x3FAF] =	sst s10  }
0x38: {  	s10 =	sld [smem:$0x3FB0]  }
0x39: {  	_ = 	snop;
	(pc) =	sbr.ind lr, $3  }
0x3a: {  	_ = 	snop  }
0x3b: {  	_ = 	snop  }
0x3c: {  	p2 =	seq.s32 s10, $0x1;
	s10 =	sld [smem:$0x3FAF]  }
0x3d: {  	_ =	shalt  }
0x3e: {  	_ =	shalt  }
0x3f: {  	_ =	shalt  }
0x40: {  	_ =	shalt  }
0x41: {  	_ =	shalt  }
0x42: {  	_ =	shalt  }
0x43: {  	_ =	shalt  }
0x44: {  	_ =	shalt  }
0x45: {  	_ =	shalt  }
0x46: {  	_ =	shalt  }
0x47: {  	_ =	shalt  }
0x48: {  	_ =	shalt  }
0x49: {  	_ =	shalt  }
0x4a: {  	_ =	shalt  }
0x4b: {  	_ =	shalt  }
0x4c: {  	_ =	shalt  }
0x4d: {  	_ =	shalt  }
0x4e: {  	_ =	shalt  }
0x4f: {  	_ =	shalt  }
0x50: {  	_ =	shalt  }
0x51: {  	_ =	shalt  }
0x52: {  	_ =	shalt  }
0x53: {  	_ =	shalt  }
0x54: {  	_ =	shalt  }
0x55: {  	_ =	shalt  }
0x56: {  	_ =	shalt  }
0x57: {  	_ =	shalt  }
0x58: {  	_ =	shalt  }
0x59: {  	_ =	shalt  }
0x5a: {  	_ =	shalt  }
0x5b: {  	_ =	shalt  }
0x5c: {  	_ =	shalt  }
0x5d: {  	_ =	shalt  }
0x5e: {  	_ =	shalt  }
0x5f: {  	_ =	shalt  }
0x60: {  	_ =	shalt  }
0x61: {  	_ =	shalt  }
0x62: {  	_ =	shalt  }
0x63: {  	_ =	shalt  }
0x64: {  	_ =	shalt  }
0x65: {  	_ =	shalt  }
0x66: {  	_ =	shalt  }
0x67: {  	_ =	shalt  }
0x68: {  	_ =	shalt  }
0x69: {  	_ =	shalt  }
0x6a: {  	_ =	shalt  }
0x6b: {  	_ =	shalt  }
0x6c: {  	_ =	shalt  }
0x6d: {  	_ =	shalt  }
0x6e: {  	_ =	shalt  }
0x6f: {  	_ =	shalt  }
0x70: {  	_ =	shalt  }
0x71: {  	_ =	shalt  }
0x72: {  	_ =	shalt  }
0x73: {  	_ =	shalt  }
0x74: {  	_ =	shalt  }
0x75: {  	_ =	shalt  }
0x76: {  	_ =	shalt  }
0x77: {  	_ =	shalt  }
0x78: {  	_ =	shalt  }
0x79: {  	_ =	shalt  }
0x7a: {  	_ =	shalt  }
0x7b: {  	_ =	shalt  }
0x7c: {  	_ =	shalt  }
0x7d: {  	_ =	shalt  }
0x7e: {  	_ =	shalt  }
0x7f: {  	_ =	shalt  }
0x80: {  	_ =	shalt  }
0x81: {  	_ =	shalt  }
0x82: {  	_ =	shalt  }
0x83: {  	_ =	shalt  }
0x84: {  	_ =	shalt  }
0x85: {  	_ =	shalt  }
0x86: {  	_ =	shalt  }
0x87: {  	_ =	shalt  }
.Lfunc_end0:
.L_simem_size_0:
called_computation_lowered:
.L_overlay_start_0:
0x88: {  	s2 =	sld [smem:$0x3FD9]  }
0x89: {  	s3 =	sld [smem:$0x3FFE];
	_ =	sdelay $0x1  }
0x8a: {  	s1 =	srdreg.scid  }
0x8b: {  	s0 =	sand.u32 $0x1, s1  }
0x8c: {  	s16 =	sshll.u32 s0, $0xA;
	s2 =	sadd.s32 s3, s2  }
0x8d: {  	s2 =	sadd.s32 s2, s16  }
0x8e: {  	[smem:$0x3FBB] =	sst s2  }
0x8f: {  	_ = 	snop  }
0x90: {  	(tm) =	ssettm $0x1  }
0x91: {  	s17 =	sld [smem:$0x3FFB];
	_ =	sdelay $0x3  }
0x92: {  	_ =	strace s17  }
0x93: {  	s2 =	sld [smem:$0x3FFC];
	_ =	sdelay $0x3  }
0x94: {  	_ =	strace s2  }
0x95: {  	s2 =	sld [smem:$0x3FFD];
	_ =	sdelay $0x3  }
0x96: {  	_ =	strace s2  }
0x97: {  	_ =	strace $0x8FFFFFFF  }
0x98: {  	s18 =	sld [smem:$0x3FDB];
	_ =	sdelay $0x1  }
0x99: {  	s19 =	simm.s32 $_scs_section_size  }
0x9a: {  	s4 =	simm.s32 $_size__tile_overlayer_lowered;
	s5 =	simm.s32 $_tile_overlayer_lowered  }
0x9b: {  	s22 =	simm.s32 $0x1BFF;
	s21 =	sshll.u32 s5, $0x1;
	s2 =	sadd.s32 s19, s18  }
0x9c: {  	s6 =	simm.s32 $0x0;
	s20 =	sshll.u32 s4, $0x1;
	s4 =	sadd.s32 s21, s2  }
0x9d: {  	[timem:s6], [sflag:s22] =	dma.local [hbm:s4], s20  }
0x9e: {  	_ =	swait.ge [sflag:s22], s20  }
0x9f: {  	s3 =	ssub.s32 $0x0, s20;
	[sflag:s22] =	ssyncset.done $0x0  }
0xa0: {  	[sflag:s22] =	ssyncadd.s32 s3;
	_ =	sdelay $0x1  }
0xa1: {  	s23 =	simm.s32 $0x1B8B  }
0xa2: {  	_ =	swait.ge [sflag:s23], $0x1  }
0xa3: {  	[sflag:s23] =	ssyncset.done $0x0  }
0xa4: {  	s25 =	simm.s32 $0x1B8E;
	s24 =	sld [smem:$0x3FFE];
	[sflag:s23] =	ssyncadd.s32 $0xFFFFFFFF  }
0xa5: {  	s26 =	simm.s32 $execute0_lowered;
	[smem:$0x3FD2] =	sst s25  }
0xa6: {  	s4 =	sshll.u32 s26, $0x1;
	_ =	strace $0x80000046;
	[dreg:$0x1] =	wrdreg $0xFFFFFFFF  }
0xa7: {  	s28 =	simm.s32 $_size_execute0_lowered;
	s2 =	sadd.s32 s2, s4;
	[dreg:$0x0] =	wrdreg $0x0  }
0xa8: {  	s4 =	sshll.u32 s28, $0x1;
	[dreg:$0x2] =	wrdreg s2  }
0xa9: {  	[dreg:$0x3] =	wrdreg s4  }
0xaa: {  	[dreg:$0x4] =	wrdreg $0xC0  }
0xab: {  	_ =	task [dreg:s6], $0x5FFFF  }
0xac: {  	[dreg:$0x1] =	wrdreg $0xFFFFFFFF  }
0xad: {  	[dreg:$0x0] =	wrdreg $0x60  }
0xae: {  	[dreg:$0x2] =	wrdreg s24  }
0xaf: {  	[dreg:$0x3] =	wrdreg $0x68000  }
0xb0: {  	[dreg:$0x4] =	wrdreg $0x9  }
0xb1: {  	_ =	task.clear_ibuf [dreg:s6], $0x5FFFF;
	_ =	strace $0x90000046  }
0xb2: {  	s29 =	simm.s32 $0x9;
	_ =	strace $0x80000048  }
0xb3: {  	_ =	swait.ge [sflag:s29], $0x1  }
0xb4: {  	[sflag:s29] =	ssyncadd.s32 $0xFFFFFFFF  }
0xb5: {  	_ =	strace $0x90000048  }
0xb6: {  	_ =	sfence  }
0xb7: {  	s30 =	sld [smem:$0x0];
	_ =	sdelay $0x2  }
0xb8: {  	s31 =	sshll.u32 s1, $0xD;
	s1 =	sshrl.u32 s1, $0x2  }
0xb9: {  	s3 =	sand.u32 $0x4000, s31;
	s1 =	sadd.s32 s1, s30  }
0xba: {  	s0 =	sor.u32 s3, s0;
	s1 =	sshll.u32 s1, $0x11  }
0xbb: {  	s0 =	sor.u32 s1, s0  }
0xbc: {  	s0 =	sadd.s32 $0x8F2B, s0  }
0xbd: {  	[sflag:s0] =	ssyncadd.remote.s32 $0x1  }
0xbe: {  	_ =	sfence.sel $0xFFFF  }
0xbf: {  	[dreg:$0x0] =	wrdreg $0xFFFFFFFF;
	(pc) =	sbr.abs _section_cstart, $3  }
0xc0: {  	[dreg:$0x1] =	wrdreg $0xFFFFFFFF  }
0xc1: {  	_ =	task.clear_ibuf [dreg:s6], $0x2FFFF;
	_ =	strace $0x9FFFFFFF  }
0xc2: {  	(tm) =	ssettm $0x7FFFFFFF  }
0xc3: {  	_ =	shalt  }
tec
execute0_lowered:
.L_overlay_start_1:
0x0: {  	(tag) =	ssettag $0x1  }
0x1: {  	s0 =	srdreg.scid;
	s6 =	rddreg [dreg:$0x0]  }
0x2: {  	s2 =	rddreg [dreg:$0x1];
	s5 =	sand.u32 $0x1, s0;
	s0 =	stileid.u32  }
0x3: {  	s3 =	simm.s32 $0x0;
	s14 =	simm.s32 $0x0;
	s7 =	smul.u32 $0x13C00, s0  }
0x4: {  	[smem:$0x7FF] =	sst s3;
	s1 =	sshll.u32 s5, $0x4;
	s8 =	smul.u32 $0x13C000, s5  }
0x5: {  	s5 =	ssub.s32 $0x2, s5;
	s29 =	smul.u32 $0x4F000, s0;
	s31 =	sshll.u32 s0, $0x6  }
0x6: {  	s4 =	sor.u32 s0, s1;
	s1 =	rddreg [dreg:$0x2];
	_ =	strace $0x80000047  }
0x7: {  	s11 =	sshrl.u32 s5, $0x1;
	s4 =	smul.u32 $0x500, s4;
	s10 =	sshrl.u32 s7, $0x3  }
0x8: {  	s7 =	sadd.s32 s7, s8;
	s11 =	ssub.s32 s5, s11;
	s30 =	sshrl.u32 s29, $0x2  }
0x9: {  	s10 =	sadd.s32 s10, s6;
	s7 =	sshrl.u32 s7, $0x3;
	s13 =	sadd.s32 s30, s2  }
0xa: {  	s9 =	sadd.s32 s4, s6;
	s4 =	sadd.s32 $0x3E000, s6;
	s12 =	sadd.s32 s7, s6  }
0xb: {  	s5 =	sadd.s32 $0x16800, s10;
	s6 =	sor.u32 $0x1C01, s31;
	s10 =	sshrl.u32 s13, $0x3  }
0xc: {  	s13 =	simm.s32 $0x80;
	s7 =	sadd.s32 $0xC800, s9;
	s8 =	sadd.s32 $0x3E800, s12  }
0xd: {  	s9 =	smax.u32 s11, $0x1;
	s11 =	simm.s32 $0x1;
	s12 =	simm.s32 $0x2800  }
.LBB2_1:
0xe: {  	[spmem:s10], [sflag:s6] =	dma.local [hbm:s5], $0x2780  }
0xf: {  	_ =	swait.ge [sflag:s11], $0x2780  }
0x10: {  	[sflag:s11] =	ssyncset.done $0x0  }
0x11: {  	[sflag:s11] =	ssyncadd.s32 $0xFFFFD880  }
0x12: {  	[tilespmem:s3], [sflag:$0x1] =	stream.linear.gather [hbm4b:s7+s3], $0x2800, $0x38;
	[tilespmem:$0x1A400] =	vst v63  }
0x13: {  	_ =	swait.ge [sflag:s11], $0x2800  }
0x14: {  	[sflag:s11] =	ssyncset.done $0x0  }
0x15: {  	[sflag:s11] =	ssyncadd.s32 $0xFFFFD800  }
0x16: {  	[tilespmem:s12], [sflag:$0x1] =	stream.linear.gather [hbm4b:s4+s3], $0x4000, $0x38;
	[tilespmem:$0x1A400] =	vst v63  }
0x17: {  	_ =	swait.ge [sflag:s11], $0x4000  }
0x18: {  	[sflag:s11] =	ssyncset.done $0x0  }
0x19: {  	[sflag:s11] =	ssyncadd.s32 $0xFFFFC000  }
0x1a: {  	s15 =	simm.s32 $0x0;
	[bflag:$0x0] =	sbarrier.arrive $0xFFFF  }
0x1b: {  	[spmem:s2] =	stream.indirect.scatter.add.f32 [tilespmem:s12], [sflag:$0x1], $0x80, s15, s13, $0xb8;
	[tilespmem:$0x1A400] =	vst v63  }
0x1c: {  	_ =	swait.ge [sflag:s11], $0x4000  }
0x1d: {  	s15 =	simm.s32 $0x200;
	[sflag:s11] =	ssyncset.done $0x0  }
.LBB2_2:
0x1e: {  	s16 =	sshra.s32 s15, $0x2;
	[sflag:s11] =	ssyncadd.s32 $0xFFFFC000;
	p0 =	sne.s32 s15, $0x9E00  }
0x1f: {  	[spmem:s2] =	stream.indirect.scatter.add.f32 [tilespmem:s12], [sflag:$0x1], $0x80, s16, s13, $0xb8;
	[tilespmem:$0x1A400] =	vst v63  }
.Ltmp0:
0x20: {  	_ = 	snop;
	(pc) =	sbr.rel @p0 .LBB2_2-.Ltmp0, $4  }
0x21: {  	_ = 	snop  }
0x22: {  	s15 =	sadd.s32 $0x200, s15  }
0x23: {  	_ =	swait.ge [sflag:s11], $0x4000  }
0x24: {  	[sflag:s11] =	ssyncset.done $0x0  }
0x25: {  	s14 =	sadd.s32 $0x1, s14  }
0x26: {  	[sflag:s11] =	ssyncadd.s32 $0xFFFFC000;
	p0 =	sne.s32 s14, s9  }
.Ltmp1:
0x27: {  	[bflag:$0x0] =	sbarrier.arrive $0xFFFF;
	(pc) =	sbr.rel @p0 .LBB2_1-.Ltmp1, $4  }
0x28: {  	[hbm:s8], [sflag:s6] =	dma.local [spmem:s10], $0x2780  }
0x29: {  	_ =	swait.ge [sflag:s11], $0x2780  }
0x2a: {  	[sflag:s11] =	ssyncset.done $0x0  }
0x2b: {  	[sflag:s11] =	ssyncadd.s32 $0xFFFFD880  }
0x2c: {  	_ =	sfence.sel $0x180000  }
0x2d: {  	[bflag:$0x0] =	sbarrier.arrive $0xFFFF  }
0x2e: {  	p0 =	sne.s32 s0, $0x0;
	_ =	strace $0x90000047  }
0x2f: {  	s0 =	sadd.s32 @!p0 $0x100000, s1;
	[bflag:$0x2] =	sbarrier.arrive $0xFFFF  }
0x30: {  	[sflag:s0] =	ssyncadd.tile.s32 @!p0 $0x1;
	_ =	shalt  }
.Lfunc_end2:
_tile_overlayer_lowered:
.L_overlay_start_2:
0x31: {  	(tag) =	ssettag $0x2  }
0x32: {  	s0 =	rddreg [dreg:$0x0];
	s2 =	stileid.u32  }
0x33: {  	s1 =	rddreg [dreg:$0x1];
	p0 =	sne.s32 s2, $0x0  }
0x34: {  	s3 =	rddreg [dreg:$0x2];
	[bflag:$0x3] =	sbarrier.arrive $0xFFFF;
	s2 =	simm.s32 @!p0 $0x1C01  }
0x35: {  	[timem:s3], [sflag:s2] =	dma.local @!p0 [hbm:s0], s1  }
0x36: {  	s0 =	simm.s32 @!p0 $0x1  }
0x37: {  	_ =	swait.ge @!p0 [sflag:s0], s1  }
0x38: {  	s1 =	ssub.s32 @!p0 $0x0, s1;
	[sflag:s0] =	ssyncset.done @!p0 $0x0  }
0x39: {  	[sflag:s0] =	ssyncadd.s32 @!p0 s1  }
0x3a: {  	[bflag:$0x3] =	sbarrier.arrive $0xFFFF  }
0x3b: {  	_ =	shalt  }

// kernel: kernel.9.cloned.1.call-start
scs
__scs_entry_jumppad:
0x0: {  	(pc) =	sbr.rel $0x88, $3  }
0x1: {  	(tag) =	ssettag $0x0;
	lr =	simm.s32 $0x1  }
0x2: {  	[smem:$0x3F94] =	sst lr;
	_ =	strace $0xD0000000  }
0x3: {  	_ = 	snop  }
0x4: {  	_ = 	snop  }
0x5: {  	_ = 	snop  }
0x6: {  	_ = 	snop  }
0x7: {  	_ = 	snop  }
__scs_overlays_trampoline_lowered:
0x8: {  	[smem:$0x3FA3] =	sst s0  }
0x9: {  	[smem:$0x3FA4] =	sst s1  }
0xa: {  	[smem:$0x3FA5] =	sst s2  }
0xb: {  	[smem:$0x3FA6] =	sst s3  }
0xc: {  	[smem:$0x3FA7] =	sst s4  }
0xd: {  	[smem:$0x3FA8] =	sst s5  }
0xe: {  	[smem:$0x3FA9] =	sst s6  }
0xf: {  	[smem:$0x3FAA] =	sst s7  }
0x10: {  	[smem:$0x3FAB] =	sst s8  }
0x11: {  	[smem:$0x3FAC] =	sst s9;
	s0 =	simm.s32 @!p0 $0x0  }
0x12: {  	s1 =	sld [smem:$0x3F92];
	s0 =	simm.s32 @p0 $0x1  }
0x13: {  	[smem:$0x3FAD] =	sst s0;
	s0 =	simm.s32 @!p1 $0x0  }
0x14: {  	s2 =	sld [smem:$0x3F91];
	s0 =	simm.s32 @p1 $0x1  }
0x15: {  	[smem:$0x3FAE] =	sst s0;
	s0 =	simm.s32 @!p2 $0x0  }
0x16: {  	s3 =	sld [smem:$0x3FDB];
	s0 =	simm.s32 @p2 $0x1  }
0x17: {  	s4 =	simm.s32 $0x1BF5;
	[smem:$0x3FB0] =	sst s0  }
0x18: {  	s0 =	sld [smem:$0x3F93];
	_ =	swait.ge [sflag:s4], $0x0  }
0x19: {  	s7 =	sld [smem:$0x3F94]  }
0x1a: {  	s8 =	sadd.s32 $0xFFFFE003, lr  }
0x1b: {  	s9 =	sadd.s32 $0xFFFFFEF7, lr;
	s5 =	simm.s32 $0xFFFFFFFF;
	p2 =	slt.u32 s8, $0xFFFFF086  }
0x1c: {  	p1 =	slt.u32 s9, $0xF7A;
	s5 =	simm.s32 @!p2 $0x0  }
0x1d: {  	s5 =	simm.s32 @p1 $0x1;
	p0 =	seq.s32 s7, s2  }
0x1e: {  	s7 =	smul.u32 @!p0 $0xF7A, s2;
	p2 =	seq.s32 @!p0 s5, $0x0  }
0x1f: {  	s9 =	smul.u32 $0xF7A, s1;
	s8 =	simm.s32 @!p0 $0x1BF5;
	p2 =	por !p2, p0  }
0x20: {  	[sflag:s8] =	ssyncset.s32 @!p0 $0xFFFFF086;
	s6 =	sadd.s32 @!p0 s3, s7;
	s7 =	simm.s32 @!p0 $0x108  }
0x21: {  	s3 =	sadd.s32 s3, s9;
	s6 =	sadd.s32 @!p0 $0x88, s6;
	s7 =	simm.s32 @p2 $0x1082  }
0x22: {  	[simem:s7], [sflag:s8] =	dma.local @!p0 [hbm:s6], $0xF7A  }
0x23: {  	s9 =	sor.u32 $0xD0000000, s2;
	s6 =	simm.s32 $0x108;
	_ =	swait.ge @!p0 [sflag:s8], $0x0  }
0x24: {  	s3 =	sadd.s32 $0x88, s3;
	s6 =	simm.s32 @!p1 $0x1082;
	[sflag:s4] =	ssyncset.s32 $0xFFFFF086  }
0x25: {  	[simem:s6], [sflag:s4] =	dma.local [hbm:s3], $0xF7A  }
0x26: {  	[smem:$0x3F94] =	sst s1;
	(tag) =	ssettag s2;
	_ =	strace s9  }
0x27: {  	s1 =	sld [smem:$0x3FA4]  }
0x28: {  	s2 =	sld [smem:$0x3FA5]  }
0x29: {  	s4 =	sld [smem:$0x3FA7]  }
0x2a: {  	p0 =	seq.s32 s5, $0x0;
	s5 =	sld [smem:$0x3FA8]  }
0x2b: {  	s6 =	sld [smem:$0x3FA9]  }
0x2c: {  	s7 =	sld [smem:$0x3FAA]  }
0x2d: {  	s3 =	simm.s32 $0x108;
	s8 =	sld [smem:$0x3FAB]  }
0x2e: {  	s3 =	simm.s32 @!p0 $0x1082;
	s9 =	sld [smem:$0x3FAC]  }
0x2f: {  	lr =	sadd.s32 s0, s3;
	s0 =	sld [smem:$0x3FA3]  }
0x30: {  	s3 =	sld [smem:$0x3FA6]  }
0x31: {  	[smem:$0x3FAF] =	sst s10  }
0x32: {  	s10 =	sld [smem:$0x3FAD];
	_ =	sdelay $0x3  }
0x33: {  	p0 =	seq.s32 s10, $0x1;
	s10 =	sld [smem:$0x3FAF];
	_ =	sdelay $0x3  }
0x34: {  	[smem:$0x3FAF] =	sst s10  }
0x35: {  	s10 =	sld [smem:$0x3FAE];
	_ =	sdelay $0x3  }
0x36: {  	p1 =	seq.s32 s10, $0x1;
	s10 =	sld [smem:$0x3FAF];
	_ =	sdelay $0x3  }
0x37: {  	[smem:$0x3FAF] =	sst s10  }
0x38: {  	s10 =	sld [smem:$0x3FB0]  }
0x39: {  	_ = 	snop;
	(pc) =	sbr.ind lr, $3  }
0x3a: {  	_ = 	snop  }
0x3b: {  	_ = 	snop  }
0x3c: {  	p2 =	seq.s32 s10, $0x1;
	s10 =	sld [smem:$0x3FAF]  }
0x3d: {  	_ =	shalt  }
0x3e: {  	_ =	shalt  }
0x3f: {  	_ =	shalt  }
0x40: {  	_ =	shalt  }
0x41: {  	_ =	shalt  }
0x42: {  	_ =	shalt  }
0x43: {  	_ =	shalt  }
0x44: {  	_ =	shalt  }
0x45: {  	_ =	shalt  }
0x46: {  	_ =	shalt  }
0x47: {  	_ =	shalt  }
0x48: {  	_ =	shalt  }
0x49: {  	_ =	shalt  }
0x4a: {  	_ =	shalt  }
0x4b: {  	_ =	shalt  }
0x4c: {  	_ =	shalt  }
0x4d: {  	_ =	shalt  }
0x4e: {  	_ =	shalt  }
0x4f: {  	_ =	shalt  }
0x50: {  	_ =	shalt  }
0x51: {  	_ =	shalt  }
0x52: {  	_ =	shalt  }
0x53: {  	_ =	shalt  }
0x54: {  	_ =	shalt  }
0x55: {  	_ =	shalt  }
0x56: {  	_ =	shalt  }
0x57: {  	_ =	shalt  }
0x58: {  	_ =	shalt  }
0x59: {  	_ =	shalt  }
0x5a: {  	_ =	shalt  }
0x5b: {  	_ =	shalt  }
0x5c: {  	_ =	shalt  }
0x5d: {  	_ =	shalt  }
0x5e: {  	_ =	shalt  }
0x5f: {  	_ =	shalt  }
0x60: {  	_ =	shalt  }
0x61: {  	_ =	shalt  }
0x62: {  	_ =	shalt  }
0x63: {  	_ =	shalt  }
0x64: {  	_ =	shalt  }
0x65: {  	_ =	shalt  }
0x66: {  	_ =	shalt  }
0x67: {  	_ =	shalt  }
0x68: {  	_ =	shalt  }
0x69: {  	_ =	shalt  }
0x6a: {  	_ =	shalt  }
0x6b: {  	_ =	shalt  }
0x6c: {  	_ =	shalt  }
0x6d: {  	_ =	shalt  }
0x6e: {  	_ =	shalt  }
0x6f: {  	_ =	shalt  }
0x70: {  	_ =	shalt  }
0x71: {  	_ =	shalt  }
0x72: {  	_ =	shalt  }
0x73: {  	_ =	shalt  }
0x74: {  	_ =	shalt  }
0x75: {  	_ =	shalt  }
0x76: {  	_ =	shalt  }
0x77: {  	_ =	shalt  }
0x78: {  	_ =	shalt  }
0x79: {  	_ =	shalt  }
0x7a: {  	_ =	shalt  }
0x7b: {  	_ =	shalt  }
0x7c: {  	_ =	shalt  }
0x7d: {  	_ =	shalt  }
0x7e: {  	_ =	shalt  }
0x7f: {  	_ =	shalt  }
0x80: {  	_ =	shalt  }
0x81: {  	_ =	shalt  }
0x82: {  	_ =	shalt  }
0x83: {  	_ =	shalt  }
0x84: {  	_ =	shalt  }
0x85: {  	_ =	shalt  }
0x86: {  	_ =	shalt  }
0x87: {  	_ =	shalt  }
.Lfunc_end0:
.L_simem_size_0:
called_computation.1_lowered:
.L_overlay_start_0:
0x88: {  	s2 =	sld [smem:$0x3FD9]  }
0x89: {  	s3 =	sld [smem:$0x3FFE];
	_ =	sdelay $0x1  }
0x8a: {  	s1 =	srdreg.scid  }
0x8b: {  	s0 =	sand.u32 $0x1, s1  }
0x8c: {  	s16 =	sshll.u32 s0, $0xA;
	s2 =	sadd.s32 s3, s2  }
0x8d: {  	s2 =	sadd.s32 s2, s16  }
0x8e: {  	[smem:$0x3FBB] =	sst s2  }
0x8f: {  	_ = 	snop  }
0x90: {  	(tm) =	ssettm $0x1  }
0x91: {  	s17 =	sld [smem:$0x3FFB];
	_ =	sdelay $0x3  }
0x92: {  	_ =	strace s17  }
0x93: {  	s2 =	sld [smem:$0x3FFC];
	_ =	sdelay $0x3  }
0x94: {  	_ =	strace s2  }
0x95: {  	s2 =	sld [smem:$0x3FFD];
	_ =	sdelay $0x3  }
0x96: {  	_ =	strace s2  }
0x97: {  	_ =	strace $0x8FFFFFFF  }
0x98: {  	s18 =	sld [smem:$0x3FDB];
	_ =	sdelay $0x1  }
0x99: {  	s19 =	simm.s32 $_scs_section_size  }
0x9a: {  	s4 =	simm.s32 $_size__tile_overlayer_lowered;
	s5 =	simm.s32 $_tile_overlayer_lowered  }
0x9b: {  	s22 =	simm.s32 $0x1BFF;
	s21 =	sshll.u32 s5, $0x1;
	s2 =	sadd.s32 s19, s18  }
0x9c: {  	s6 =	simm.s32 $0x0;
	s20 =	sshll.u32 s4, $0x1;
	s4 =	sadd.s32 s21, s2  }
0x9d: {  	[timem:s6], [sflag:s22] =	dma.local [hbm:s4], s20  }
0x9e: {  	_ =	swait.ge [sflag:s22], s20  }
0x9f: {  	s3 =	ssub.s32 $0x0, s20;
	[sflag:s22] =	ssyncset.done $0x0  }
0xa0: {  	[sflag:s22] =	ssyncadd.s32 s3;
	_ =	sdelay $0x1  }
0xa1: {  	s23 =	simm.s32 $0x1B8B  }
0xa2: {  	_ =	swait.ge [sflag:s23], $0x1  }
0xa3: {  	[sflag:s23] =	ssyncset.done $0x0  }
0xa4: {  	s25 =	simm.s32 $0x1B8E;
	s24 =	sld [smem:$0x3FFE];
	[sflag:s23] =	ssyncadd.s32 $0xFFFFFFFF  }
0xa5: {  	s26 =	simm.s32 $execute0_lowered;
	[smem:$0x3FD2] =	sst s25  }
0xa6: {  	s4 =	sshll.u32 s26, $0x1;
	_ =	strace $0x80000049;
	[dreg:$0x1] =	wrdreg $0xFFFFFFFF  }
0xa7: {  	s28 =	simm.s32 $_size_execute0_lowered;
	s2 =	sadd.s32 s2, s4;
	[dreg:$0x0] =	wrdreg $0x0  }
0xa8: {  	s4 =	sshll.u32 s28, $0x1;
	[dreg:$0x2] =	wrdreg s2  }
0xa9: {  	[dreg:$0x3] =	wrdreg s4  }
0xaa: {  	[dreg:$0x4] =	wrdreg $0xC0  }
0xab: {  	_ =	task [dreg:s6], $0x5FFFF  }
0xac: {  	[dreg:$0x1] =	wrdreg $0xFFFFFFFF  }
0xad: {  	[dreg:$0x0] =	wrdreg $0x60  }
0xae: {  	[dreg:$0x2] =	wrdreg s24  }
0xaf: {  	[dreg:$0x3] =	wrdreg $0xA8000  }
0xb0: {  	[dreg:$0x4] =	wrdreg $0x9  }
0xb1: {  	_ =	task.clear_ibuf [dreg:s6], $0x5FFFF;
	_ =	strace $0x90000049  }
0xb2: {  	s29 =	simm.s32 $0x9;
	_ =	strace $0x8000004B  }
0xb3: {  	_ =	swait.ge [sflag:s29], $0x1  }
0xb4: {  	[sflag:s29] =	ssyncadd.s32 $0xFFFFFFFF  }
0xb5: {  	_ =	strace $0x9000004B  }
0xb6: {  	_ =	sfence  }
0xb7: {  	s30 =	sld [smem:$0x0];
	_ =	sdelay $0x2  }
0xb8: {  	s31 =	sshll.u32 s1, $0xD;
	s1 =	sshrl.u32 s1, $0x2  }
0xb9: {  	s3 =	sand.u32 $0x4000, s31;
	s1 =	sadd.s32 s1, s30  }
0xba: {  	s0 =	sor.u32 s3, s0;
	s1 =	sshll.u32 s1, $0x11  }
0xbb: {  	s0 =	sor.u32 s1, s0  }
0xbc: {  	s0 =	sadd.s32 $0x8F2B, s0  }
0xbd: {  	[sflag:s0] =	ssyncadd.remote.s32 $0x1  }
0xbe: {  	_ =	sfence.sel $0xFFFF  }
0xbf: {  	[dreg:$0x0] =	wrdreg $0xFFFFFFFF;
	(pc) =	sbr.abs _section_cstart, $3  }
0xc0: {  	[dreg:$0x1] =	wrdreg $0xFFFFFFFF  }
0xc1: {  	_ =	task.clear_ibuf [dreg:s6], $0x2FFFF;
	_ =	strace $0x9FFFFFFF  }
0xc2: {  	(tm) =	ssettm $0x7FFFFFFF  }
0xc3: {  	_ =	shalt  }
tec
execute0_lowered:
.L_overlay_start_1:
0x0: {  	(tag) =	ssettag $0x1  }
0x1: {  	s0 =	rddreg [dreg:$0x0]  }
0x2: {  	s2 =	rddreg [dreg:$0x1];
	s3 =	simm.s32 $0x0  }
0x3: {  	s11 =	stileid.u32;
	s1 =	srdreg.scid;
	s13 =	simm.s32 $0x3  }
0x4: {  	s14 =	simm.s32 $0x1400;
	s15 =	simm.s32 $0x80;
	s16 =	simm.s32 $0x2800  }
0x5: {  	s17 =	simm.s32 $0x6800;
	s18 =	simm.s32 $0x1;
	s20 =	simm.s32 $0x2  }
0x6: {  	s29 =	simm.s32 $0x2480;
	s30 =	simm.s32 $0x1180;
	s31 =	simm.s32 $0x2500  }
0x7: {  	s12 =	simm.s32 $0x1380;
	s19 =	simm.s32 $0x2700;
	[smem:$0x7FF] =	sst s3  }
0x8: {  	s7 =	smul.u32 $0x13C00, s11;
	s1 =	sand.u32 $0x1, s1;
	s4 =	sadd.s32 $0x2800, s0  }
0x9: {  	s5 =	sadd.s32 $0xC800, s0;
	s6 =	sadd.s32 $0x3E000, s0;
	s10 =	smul.u32 $0x4F000, s11  }
0xa: {  	s24 =	sshll.u32 s11, $0x6;
	_ =	strace $0x8000004A;
	s8 =	smul.u32 $0x13C000, s1  }
0xb: {  	s21 =	ssub.s32 $0x2, s1;
	s1 =	sshll.u32 s1, $0x4;
	s26 =	sor.u32 $0x1C03, s24  }
0xc: {  	s24 =	simm.s32 $0x2400;
	s9 =	sshrl.u32 s7, $0x3;
	s22 =	sshrl.u32 s21, $0x1  }
0xd: {  	s1 =	sor.u32 s11, s1;
	s23 =	sshrl.u32 s10, $0x2;
	[dreg:$0x4] =	wrdreg s26  }
0xe: {  	s10 =	simm.s32 $0x2600;
	s11 =	simm.s32 $0x1300;
	s9 =	sadd.s32 s9, s0  }
0xf: {  	s7 =	sadd.s32 s7, s8;
	s8 =	sadd.s32 s23, s2;
	s23 =	simm.s32 $0x1080  }
0x10: {  	s7 =	sshrl.u32 s7, $0x3;
	s9 =	sadd.s32 $0x16800, s9;
	s28 =	sshrl.u32 s8, $0x3  }
0x11: {  	s8 =	simm.s32 $0x2680;
	s0 =	sadd.s32 s7, s0;
	[dreg:$0x3] =	wrdreg s9  }
0x12: {  	s7 =	ssub.s32 s21, s22;
	s9 =	smul.u32 $0x50, s1;
	[dreg:$0x7] =	wrdreg s28  }
0x13: {  	s22 =	simm.s32 $0x2380;
	s1 =	simm.s32 $0x2580;
	s0 =	sadd.s32 $0x65800, s0  }
0x14: {  	s21 =	simm.s32 $0x2780;
	s25 =	smax.u32 s7, $0x1;
	[dreg:$0x5] =	wrdreg s0  }
0x15: {  	s7 =	simm.s32 $0x1280;
	[dreg:$0x6] =	wrdreg s25;
	s0 =	simm.s32 $0x0  }
.LBB2_1:
0x16: {  	[dreg:$0x8] =	wrdreg s0  }
0x17: {  	s25 =	rddreg [dreg:$0x3]  }
0x18: {  	[spmem:s28], [sflag:s26] =	dma.local [hbm:s25], $0x2780  }
0x19: {  	_ =	swait.ge [sflag:s13], $0x2780  }
0x1a: {  	[sflag:s13] =	ssyncset.done $0x0  }
0x1b: {  	p0 =	por $0x1, $0x1;
	s0 =	simm.s32 $0x1200;
	[sflag:s13] =	ssyncadd.s32 $0xFFFFD880  }
0x1c: {  	s25 =	simm.s32 $0x0;
	s28 =	simm.s32 $0x1100;
	[bflag:$0x0] =	sbarrier.arrive $0xFFFF  }
.LBB2_2:
0x1d: {  	s25 =	sadd.s32 s9, s25  }
0x1e: {  	s25 =	sshll.u32 s25, $0x4  }
0x1f: {  	s26 =	sadd.s32 s4, s25  }
0x20: {  	[tilespmem:s3], [sflag:$0x3] =	stream.linear.gather [hbm4b:s26+s3], $0x1400, $0x38;
	[tilespmem:$0x1E400] =	vst v63  }
0x21: {  	_ =	swait.ge [sflag:s13], $0x1400  }
0x22: {  	[sflag:s13] =	ssyncset.done $0x0  }
0x23: {  	s25 =	sadd.s32 s5, s25;
	[sflag:s13] =	ssyncadd.s32 $0xFFFFEC00  }
0x24: {  	[tilespmem:s14], [sflag:$0x3] =	stream.linear.gather [hbm4b:s25+s3], $0x1400, $0x38;
	[tilespmem:$0x1E400] =	vst v63  }
0x25: {  	_ =	swait.ge [sflag:s13], $0x1400  }
0x26: {  	[sflag:s13] =	ssyncset.done $0x0  }
0x27: {  	[sflag:s13] =	ssyncadd.s32 $0xFFFFEC00  }
0x28: {  	[tilespmem:s16], [sflag:$0x1] =	stream.indirect.gather [hbm4b:s6+s15], $0x80, s3, s15, $0xb8;
	[tilespmem:$0x1E400] =	vst v63  }
0x29: {  	_ = 	snop  }
0x2a: {  	[tilespmem:s17], [sflag:$0x2] =	stream.indirect.gather [hbm4b:s6+s15], $0x80, s15, s15, $0xb8;
	[tilespmem:$0x1E400] =	vst v63  }
0x2b: {  	_ =	swait.ge [sflag:s18], $0x4000  }
0x2c: {  	[sflag:s18] =	ssyncset.done $0x0  }
0x2d: {  	[sflag:s18] =	ssyncadd.s32 $0xFFFFC000  }
0x2e: {  	[spmem:s2] =	stream.indirect.scatter.add.f32 [tilespmem:s16], [sflag:$0x3], $0x80, s14, s15, $0xb8;
	[tilespmem:$0x1E400] =	vst v63  }
0x2f: {  	_ =	swait.ge [sflag:s13], $0x4000  }
0x30: {  	[sflag:s13] =	ssyncset.done $0x0  }
0x31: {  	s26 =	simm.s32 $0x100;
	[sflag:s13] =	ssyncadd.s32 $0xFFFFC000  }
0x32: {  	[tilespmem:s16], [sflag:$0x1] =	stream.indirect.gather [hbm4b:s6+s15], $0x80, s26, s15, $0xb8;
	[tilespmem:$0x1E400] =	vst v63  }
0x33: {  	_ =	swait.ge [sflag:s20], $0x4000  }
0x34: {  	[sflag:s20] =	ssyncset.done $0x0  }
0x35: {  	s26 =	simm.s32 $0x1480;
	[sflag:s20] =	ssyncadd.s32 $0xFFFFC000  }
0x36: {  	[spmem:s2] =	stream.indirect.scatter.add.f32 [tilespmem:s17], [sflag:$0x3], $0x80, s26, s15, $0xb8;
	[tilespmem:$0x1E400] =	vst v63  }
0x37: {  	_ =	swait.ge [sflag:s13], $0x4000  }
0x38: {  	[sflag:s13] =	ssyncset.done $0x0  }
0x39: {  	s26 =	simm.s32 $0x180;
	[sflag:s13] =	ssyncadd.s32 $0xFFFFC000  }
0x3a: {  	[tilespmem:s17], [sflag:$0x2] =	stream.indirect.gather [hbm4b:s6+s15], $0x80, s26, s15, $0xb8;
	[tilespmem:$0x1E400] =	vst v63  }
0x3b: {  	_ =	swait.ge [sflag:s18], $0x4000  }
0x3c: {  	[sflag:s18] =	ssyncset.done $0x0  }
0x3d: {  	s26 =	simm.s32 $0x1500;
	[sflag:s18] =	ssyncadd.s32 $0xFFFFC000  }
0x3e: {  	[spmem:s2] =	stream.indirect.scatter.add.f32 [tilespmem:s16], [sflag:$0x3], $0x80, s26, s15, $0xb8;
	[tilespmem:$0x1E400] =	vst v63  }
0x3f: {  	_ =	swait.ge [sflag:s13], $0x4000  }
0x40: {  	[sflag:s13] =	ssyncset.done $0x0  }
0x41: {  	s26 =	simm.s32 $0x200;
	[sflag:s13] =	ssyncadd.s32 $0xFFFFC000  }
0x42: {  	[tilespmem:s16], [sflag:$0x1] =	stream.indirect.gather [hbm4b:s6+s15], $0x80, s26, s15, $0xb8;
	[tilespmem:$0x1E400] =	vst v63  }
0x43: {  	_ =	swait.ge [sflag:s20], $0x4000  }
0x44: {  	[sflag:s20] =	ssyncset.done $0x0  }
0x45: {  	s26 =	simm.s32 $0x1580;
	[sflag:s20] =	ssyncadd.s32 $0xFFFFC000  }
0x46: {  	[spmem:s2] =	stream.indirect.scatter.add.f32 [tilespmem:s17], [sflag:$0x3], $0x80, s26, s15, $0xb8;
	[tilespmem:$0x1E400] =	vst v63  }
0x47: {  	_ =	swait.ge [sflag:s13], $0x4000  }
0x48: {  	[sflag:s13] =	ssyncset.done $0x0  }
0x49: {  	s26 =	simm.s32 $0x280;
	[sflag:s13] =	ssyncadd.s32 $0xFFFFC000  }
0x4a: {  	[tilespmem:s17], [sflag:$0x2] =	stream.indirect.gather [hbm4b:s6+s15], $0x80, s26, s15, $0xb8;
	[tilespmem:$0x1E400] =	vst v63  }
0x4b: {  	_ =	swait.ge [sflag:s18], $0x4000  }
0x4c: {  	[sflag:s18] =	ssyncset.done $0x0  }
0x4d: {  	s26 =	simm.s32 $0x1600;
	[sflag:s18] =	ssyncadd.s32 $0xFFFFC000  }
0x4e: {  	[spmem:s2] =	stream.indirect.scatter.add.f32 [tilespmem:s16], [sflag:$0x3], $0x80, s26, s15, $0xb8;
	[tilespmem:$0x1E400] =	vst v63  }
0x4f: {  	_ =	swait.ge [sflag:s13], $0x4000  }
0x50: {  	[sflag:s13] =	ssyncset.done $0x0  }
0x51: {  	s26 =	simm.s32 $0x300;
	[sflag:s13] =	ssyncadd.s32 $0xFFFFC000  }
0x52: {  	[tilespmem:s16], [sflag:$0x1] =	stream.indirect.gather [hbm4b:s6+s15], $0x80, s26, s15, $0xb8;
	[tilespmem:$0x1E400] =	vst v63  }
0x53: {  	_ =	swait.ge [sflag:s20], $0x4000  }
0x54: {  	[sflag:s20] =	ssyncset.done $0x0  }
0x55: {  	s26 =	simm.s32 $0x1680;
	[sflag:s20] =	ssyncadd.s32 $0xFFFFC000  }
0x56: {  	[spmem:s2] =	stream.indirect.scatter.add.f32 [tilespmem:s17], [sflag:$0x3], $0x80, s26, s15, $0xb8;
	[tilespmem:$0x1E400] =	vst v63  }
0x57: {  	_ =	swait.ge [sflag:s13], $0x4000  }
0x58: {  	[sflag:s13] =	ssyncset.done $0x0  }
0x59: {  	s26 =	simm.s32 $0x380;
	[sflag:s13] =	ssyncadd.s32 $0xFFFFC000  }
0x5a: {  	[tilespmem:s17], [sflag:$0x2] =	stream.indirect.gather [hbm4b:s6+s15], $0x80, s26, s15, $0xb8;
	[tilespmem:$0x1E400] =	vst v63  }
0x5b: {  	_ =	swait.ge [sflag:s18], $0x4000  }
0x5c: {  	[sflag:s18] =	ssyncset.done $0x0  }
0x5d: {  	s26 =	simm.s32 $0x1700;
	[sflag:s18] =	ssyncadd.s32 $0xFFFFC000  }
0x5e: {  	[spmem:s2] =	stream.indirect.scatter.add.f32 [tilespmem:s16], [sflag:$0x3], $0x80, s26, s15, $0xb8;
	[tilespmem:$0x1E400] =	vst v63  }
0x5f: {  	_ =	swait.ge [sflag:s13], $0x4000  }
0x60: {  	[sflag:s13] =	ssyncset.done $0x0  }
0x61: {  	s26 =	simm.s32 $0x400;
	[sflag:s13] =	ssyncadd.s32 $0xFFFFC000  }
0x62: {  	[tilespmem:s16], [sflag:$0x1] =	stream.indirect.gather [hbm4b:s6+s15], $0x80, s26, s15, $0xb8;
	[tilespmem:$0x1E400] =	vst v63  }
0x63: {  	_ =	swait.ge [sflag:s20], $0x4000  }
0x64: {  	[sflag:s20] =	ssyncset.done $0x0  }
0x65: {  	s26 =	simm.s32 $0x1780;
	[sflag:s20] =	ssyncadd.s32 $0xFFFFC000  }
0x66: {  	[spmem:s2] =	stream.indirect.scatter.add.f32 [tilespmem:s17], [sflag:$0x3], $0x80, s26, s15, $0xb8;
	[tilespmem:$0x1E400] =	vst v63  }
0x67: {  	_ =	swait.ge [sflag:s13], $0x4000  }
0x68: {  	[sflag:s13] =	ssyncset.done $0x0  }
0x69: {  	s26 =	simm.s32 $0x480;
	[sflag:s13] =	ssyncadd.s32 $0xFFFFC000  }
0x6a: {  	[tilespmem:s17], [sflag:$0x2] =	stream.indirect.gather [hbm4b:s6+s15], $0x80, s26, s15, $0xb8;
	[tilespmem:$0x1E400] =	vst v63  }
0x6b: {  	_ =	swait.ge [sflag:s18], $0x4000  }
0x6c: {  	[sflag:s18] =	ssyncset.done $0x0  }
0x6d: {  	s26 =	simm.s32 $0x1800;
	[sflag:s18] =	ssyncadd.s32 $0xFFFFC000  }
0x6e: {  	[spmem:s2] =	stream.indirect.scatter.add.f32 [tilespmem:s16], [sflag:$0x3], $0x80, s26, s15, $0xb8;
	[tilespmem:$0x1E400] =	vst v63  }
0x6f: {  	_ =	swait.ge [sflag:s13], $0x4000  }
0x70: {  	[sflag:s13] =	ssyncset.done $0x0  }
0x71: {  	s26 =	simm.s32 $0x500;
	[sflag:s13] =	ssyncadd.s32 $0xFFFFC000  }
0x72: {  	[tilespmem:s16], [sflag:$0x1] =	stream.indirect.gather [hbm4b:s6+s15], $0x80, s26, s15, $0xb8;
	[tilespmem:$0x1E400] =	vst v63  }
0x73: {  	_ =	swait.ge [sflag:s20], $0x4000  }
0x74: {  	[sflag:s20] =	ssyncset.done $0x0  }
0x75: {  	s26 =	simm.s32 $0x1880;
	[sflag:s20] =	ssyncadd.s32 $0xFFFFC000  }
0x76: {  	[spmem:s2] =	stream.indirect.scatter.add.f32 [tilespmem:s17], [sflag:$0x3], $0x80, s26, s15, $0xb8;
	[tilespmem:$0x1E400] =	vst v63  }
0x77: {  	_ =	swait.ge [sflag:s13], $0x4000  }
0x78: {  	[sflag:s13] =	ssyncset.done $0x0  }
0x79: {  	s26 =	simm.s32 $0x580;
	[sflag:s13] =	ssyncadd.s32 $0xFFFFC000  }
0x7a: {  	[tilespmem:s17], [sflag:$0x2] =	stream.indirect.gather [hbm4b:s6+s15], $0x80, s26, s15, $0xb8;
	[tilespmem:$0x1E400] =	vst v63  }
0x7b: {  	_ =	swait.ge [sflag:s18], $0x4000  }
0x7c: {  	[sflag:s18] =	ssyncset.done $0x0  }
0x7d: {  	s26 =	simm.s32 $0x1900;
	[sflag:s18] =	ssyncadd.s32 $0xFFFFC000  }
0x7e: {  	[spmem:s2] =	stream.indirect.scatter.add.f32 [tilespmem:s16], [sflag:$0x3], $0x80, s26, s15, $0xb8;
	[tilespmem:$0x1E400] =	vst v63  }
0x7f: {  	_ =	swait.ge [sflag:s13], $0x4000  }
0x80: {  	[sflag:s13] =	ssyncset.done $0x0  }
0x81: {  	s26 =	simm.s32 $0x600;
	[sflag:s13] =	ssyncadd.s32 $0xFFFFC000  }
0x82: {  	[tilespmem:s16], [sflag:$0x1] =	stream.indirect.gather [hbm4b:s6+s15], $0x80, s26, s15, $0xb8;
	[tilespmem:$0x1E400] =	vst v63  }
0x83: {  	_ =	swait.ge [sflag:s20], $0x4000  }
0x84: {  	[sflag:s20] =	ssyncset.done $0x0  }
0x85: {  	s26 =	simm.s32 $0x1980;
	[sflag:s20] =	ssyncadd.s32 $0xFFFFC000  }
0x86: {  	[spmem:s2] =	stream.indirect.scatter.add.f32 [tilespmem:s17], [sflag:$0x3], $0x80, s26, s15, $0xb8;
	[tilespmem:$0x1E400] =	vst v63  }
0x87: {  	_ =	swait.ge [sflag:s13], $0x4000  }
0x88: {  	[sflag:s13] =	ssyncset.done $0x0  }
0x89: {  	s26 =	simm.s32 $0x680;
	[sflag:s13] =	ssyncadd.s32 $0xFFFFC000  }
0x8a: {  	[tilespmem:s17], [sflag:$0x2] =	stream.indirect.gather [hbm4b:s6+s15], $0x80, s26, s15, $0xb8;
	[tilespmem:$0x1E400] =	vst v63  }
0x8b: {  	_ =	swait.ge [sflag:s18], $0x4000  }
0x8c: {  	[sflag:s18] =	ssyncset.done $0x0  }
0x8d: {  	s26 =	simm.s32 $0x1A00;
	[sflag:s18] =	ssyncadd.s32 $0xFFFFC000  }
0x8e: {  	[spmem:s2] =	stream.indirect.scatter.add.f32 [tilespmem:s16], [sflag:$0x3], $0x80, s26, s15, $0xb8;
	[tilespmem:$0x1E400] =	vst v63  }
0x8f: {  	_ =	swait.ge [sflag:s13], $0x4000  }
0x90: {  	[sflag:s13] =	ssyncset.done $0x0  }
0x91: {  	s26 =	simm.s32 $0x700;
	[sflag:s13] =	ssyncadd.s32 $0xFFFFC000  }
0x92: {  	[tilespmem:s16], [sflag:$0x1] =	stream.indirect.gather [hbm4b:s6+s15], $0x80, s26, s15, $0xb8;
	[tilespmem:$0x1E400] =	vst v63  }
0x93: {  	_ =	swait.ge [sflag:s20], $0x4000  }
0x94: {  	[sflag:s20] =	ssyncset.done $0x0  }
0x95: {  	s26 =	simm.s32 $0x1A80;
	[sflag:s20] =	ssyncadd.s32 $0xFFFFC000  }
0x96: {  	[spmem:s2] =	stream.indirect.scatter.add.f32 [tilespmem:s17], [sflag:$0x3], $0x80, s26, s15, $0xb8;
	[tilespmem:$0x1E400] =	vst v63  }
0x97: {  	_ =	swait.ge [sflag:s13], $0x4000  }
0x98: {  	[sflag:s13] =	ssyncset.done $0x0  }
0x99: {  	s26 =	simm.s32 $0x780;
	[sflag:s13] =	ssyncadd.s32 $0xFFFFC000  }
0x9a: {  	[tilespmem:s17], [sflag:$0x2] =	stream.indirect.gather [hbm4b:s6+s15], $0x80, s26, s15, $0xb8;
	[tilespmem:$0x1E400] =	vst v63  }
0x9b: {  	_ =	swait.ge [sflag:s18], $0x4000  }
0x9c: {  	[sflag:s18] =	ssyncset.done $0x0  }
0x9d: {  	s26 =	simm.s32 $0x1B00;
	[sflag:s18] =	ssyncadd.s32 $0xFFFFC000  }
0x9e: {  	[spmem:s2] =	stream.indirect.scatter.add.f32 [tilespmem:s16], [sflag:$0x3], $0x80, s26, s15, $0xb8;
	[tilespmem:$0x1E400] =	vst v63  }
0x9f: {  	_ =	swait.ge [sflag:s13], $0x4000  }
0xa0: {  	[sflag:s13] =	ssyncset.done $0x0  }
0xa1: {  	s26 =	simm.s32 $0x800;
	[sflag:s13] =	ssyncadd.s32 $0xFFFFC000  }
0xa2: {  	[tilespmem:s16], [sflag:$0x1] =	stream.indirect.gather [hbm4b:s6+s15], $0x80, s26, s15, $0xb8;
	[tilespmem:$0x1E400] =	vst v63  }
0xa3: {  	_ =	swait.ge [sflag:s20], $0x4000  }
0xa4: {  	[sflag:s20] =	ssyncset.done $0x0  }
0xa5: {  	s26 =	simm.s32 $0x1B80;
	[sflag:s20] =	ssyncadd.s32 $0xFFFFC000  }
0xa6: {  	[spmem:s2] =	stream.indirect.scatter.add.f32 [tilespmem:s17], [sflag:$0x3], $0x80, s26, s15, $0xb8;
	[tilespmem:$0x1E400] =	vst v63  }
0xa7: {  	_ =	swait.ge [sflag:s13], $0x4000  }
0xa8: {  	[sflag:s13] =	ssyncset.done $0x0  }
0xa9: {  	s26 =	simm.s32 $0x880;
	[sflag:s13] =	ssyncadd.s32 $0xFFFFC000  }
0xaa: {  	[tilespmem:s17], [sflag:$0x2] =	stream.indirect.gather [hbm4b:s6+s15], $0x80, s26, s15, $0xb8;
	[tilespmem:$0x1E400] =	vst v63  }
0xab: {  	_ =	swait.ge [sflag:s18], $0x4000  }
0xac: {  	[sflag:s18] =	ssyncset.done $0x0  }
0xad: {  	s26 =	simm.s32 $0x1C00;
	[sflag:s18] =	ssyncadd.s32 $0xFFFFC000  }
0xae: {  	[spmem:s2] =	stream.indirect.scatter.add.f32 [tilespmem:s16], [sflag:$0x3], $0x80, s26, s15, $0xb8;
	[tilespmem:$0x1E400] =	vst v63  }
0xaf: {  	_ =	swait.ge [sflag:s13], $0x4000  }
0xb0: {  	[sflag:s13] =	ssyncset.done $0x0  }
0xb1: {  	s26 =	simm.s32 $0x900;
	[sflag:s13] =	ssyncadd.s32 $0xFFFFC000  }
0xb2: {  	[tilespmem:s16], [sflag:$0x1] =	stream.indirect.gather [hbm4b:s6+s15], $0x80, s26, s15, $0xb8;
	[tilespmem:$0x1E400] =	vst v63  }
0xb3: {  	_ =	swait.ge [sflag:s20], $0x4000  }
0xb4: {  	[sflag:s20] =	ssyncset.done $0x0  }
0xb5: {  	s26 =	simm.s32 $0x1C80;
	[sflag:s20] =	ssyncadd.s32 $0xFFFFC000  }
0xb6: {  	[spmem:s2] =	stream.indirect.scatter.add.f32 [tilespmem:s17], [sflag:$0x3], $0x80, s26, s15, $0xb8;
	[tilespmem:$0x1E400] =	vst v63  }
0xb7: {  	_ =	swait.ge [sflag:s13], $0x4000  }
0xb8: {  	[sflag:s13] =	ssyncset.done $0x0  }
0xb9: {  	s26 =	simm.s32 $0x980;
	[sflag:s13] =	ssyncadd.s32 $0xFFFFC000  }
0xba: {  	[tilespmem:s17], [sflag:$0x2] =	stream.indirect.gather [hbm4b:s6+s15], $0x80, s26, s15, $0xb8;
	[tilespmem:$0x1E400] =	vst v63  }
0xbb: {  	_ =	swait.ge [sflag:s18], $0x4000  }
0xbc: {  	[sflag:s18] =	ssyncset.done $0x0  }
0xbd: {  	s26 =	simm.s32 $0x1D00;
	[sflag:s18] =	ssyncadd.s32 $0xFFFFC000  }
0xbe: {  	[spmem:s2] =	stream.indirect.scatter.add.f32 [tilespmem:s16], [sflag:$0x3], $0x80, s26, s15, $0xb8;
	[tilespmem:$0x1E400] =	vst v63  }
0xbf: {  	_ =	swait.ge [sflag:s13], $0x4000  }
0xc0: {  	[sflag:s13] =	ssyncset.done $0x0  }
0xc1: {  	s26 =	simm.s32 $0xA00;
	[sflag:s13] =	ssyncadd.s32 $0xFFFFC000  }
0xc2: {  	[tilespmem:s16], [sflag:$0x1] =	stream.indirect.gather [hbm4b:s6+s15], $0x80, s26, s15, $0xb8;
	[tilespmem:$0x1E400] =	vst v63  }
0xc3: {  	_ =	swait.ge [sflag:s20], $0x4000  }
0xc4: {  	[sflag:s20] =	ssyncset.done $0x0  }
0xc5: {  	s26 =	simm.s32 $0x1D80;
	[sflag:s20] =	ssyncadd.s32 $0xFFFFC000  }
0xc6: {  	[spmem:s2] =	stream.indirect.scatter.add.f32 [tilespmem:s17], [sflag:$0x3], $0x80, s26, s15, $0xb8;
	[tilespmem:$0x1E400] =	vst v63  }
0xc7: {  	_ =	swait.ge [sflag:s13], $0x4000  }
0xc8: {  	[sflag:s13] =	ssyncset.done $0x0  }
0xc9: {  	s26 =	simm.s32 $0xA80;
	[sflag:s13] =	ssyncadd.s32 $0xFFFFC000  }
0xca: {  	[tilespmem:s17], [sflag:$0x2] =	stream.indirect.gather [hbm4b:s6+s15], $0x80, s26, s15, $0xb8;
	[tilespmem:$0x1E400] =	vst v63  }
0xcb: {  	_ =	swait.ge [sflag:s18], $0x4000  }
0xcc: {  	[sflag:s18] =	ssyncset.done $0x0  }
0xcd: {  	s26 =	simm.s32 $0x1E00;
	[sflag:s18] =	ssyncadd.s32 $0xFFFFC000  }
0xce: {  	[spmem:s2] =	stream.indirect.scatter.add.f32 [tilespmem:s16], [sflag:$0x3], $0x80, s26, s15, $0xb8;
	[tilespmem:$0x1E400] =	vst v63  }
0xcf: {  	_ =	swait.ge [sflag:s13], $0x4000  }
0xd0: {  	[sflag:s13] =	ssyncset.done $0x0  }
0xd1: {  	s26 =	simm.s32 $0xB00;
	[sflag:s13] =	ssyncadd.s32 $0xFFFFC000  }
0xd2: {  	[tilespmem:s16], [sflag:$0x1] =	stream.indirect.gather [hbm4b:s6+s15], $0x80, s26, s15, $0xb8;
	[tilespmem:$0x1E400] =	vst v63  }
0xd3: {  	_ =	swait.ge [sflag:s20], $0x4000  }
0xd4: {  	[sflag:s20] =	ssyncset.done $0x0  }
0xd5: {  	s26 =	simm.s32 $0x1E80;
	[sflag:s20] =	ssyncadd.s32 $0xFFFFC000  }
0xd6: {  	[spmem:s2] =	stream.indirect.scatter.add.f32 [tilespmem:s17], [sflag:$0x3], $0x80, s26, s15, $0xb8;
	[tilespmem:$0x1E400] =	vst v63  }
0xd7: {  	_ =	swait.ge [sflag:s13], $0x4000  }
0xd8: {  	[sflag:s13] =	ssyncset.done $0x0  }
0xd9: {  	s26 =	simm.s32 $0xB80;
	[sflag:s13] =	ssyncadd.s32 $0xFFFFC000  }
0xda: {  	[tilespmem:s17], [sflag:$0x2] =	stream.indirect.gather [hbm4b:s6+s15], $0x80, s26, s15, $0xb8;
	[tilespmem:$0x1E400] =	vst v63  }
0xdb: {  	_ =	swait.ge [sflag:s18], $0x4000  }
0xdc: {  	[sflag:s18] =	ssyncset.done $0x0  }
0xdd: {  	s26 =	simm.s32 $0x1F00;
	[sflag:s18] =	ssyncadd.s32 $0xFFFFC000  }
0xde: {  	[spmem:s2] =	stream.indirect.scatter.add.f32 [tilespmem:s16], [sflag:$0x3], $0x80, s26, s15, $0xb8;
	[tilespmem:$0x1E400] =	vst v63  }
0xdf: {  	_ =	swait.ge [sflag:s13], $0x4000  }
0xe0: {  	[sflag:s13] =	ssyncset.done $0x0  }
0xe1: {  	s26 =	simm.s32 $0xC00;
	[sflag:s13] =	ssyncadd.s32 $0xFFFFC000  }
0xe2: {  	[tilespmem:s16], [sflag:$0x1] =	stream.indirect.gather [hbm4b:s6+s15], $0x80, s26, s15, $0xb8;
	[tilespmem:$0x1E400] =	vst v63  }
0xe3: {  	_ =	swait.ge [sflag:s20], $0x4000  }
0xe4: {  	[sflag:s20] =	ssyncset.done $0x0  }
0xe5: {  	s26 =	simm.s32 $0x1F80;
	[sflag:s20] =	ssyncadd.s32 $0xFFFFC000  }
0xe6: {  	[spmem:s2] =	stream.indirect.scatter.add.f32 [tilespmem:s17], [sflag:$0x3], $0x80, s26, s15, $0xb8;
	[tilespmem:$0x1E400] =	vst v63  }
0xe7: {  	_ =	swait.ge [sflag:s13], $0x4000  }
0xe8: {  	[sflag:s13] =	ssyncset.done $0x0  }
0xe9: {  	s26 =	simm.s32 $0xC80;
	[sflag:s13] =	ssyncadd.s32 $0xFFFFC000  }
0xea: {  	[tilespmem:s17], [sflag:$0x2] =	stream.indirect.gather [hbm4b:s6+s15], $0x80, s26, s15, $0xb8;
	[tilespmem:$0x1E400] =	vst v63  }
0xeb: {  	_ =	swait.ge [sflag:s18], $0x4000  }
0xec: {  	[sflag:s18] =	ssyncset.done $0x0  }
0xed: {  	s26 =	simm.s32 $0x2000;
	[sflag:s18] =	ssyncadd.s32 $0xFFFFC000  }
0xee: {  	[spmem:s2] =	stream.indirect.scatter.add.f32 [tilespmem:s16], [sflag:$0x3], $0x80, s26, s15, $0xb8;
	[tilespmem:$0x1E400] =	vst v63  }
0xef: {  	_ =	swait.ge [sflag:s13], $0x4000  }
0xf0: {  	[sflag:s13] =	ssyncset.done $0x0  }
0xf1: {  	s26 =	simm.s32 $0xD00;
	[sflag:s13] =	ssyncadd.s32 $0xFFFFC000  }
0xf2: {  	[tilespmem:s16], [sflag:$0x1] =	stream.indirect.gather [hbm4b:s6+s15], $0x80, s26, s15, $0xb8;
	[tilespmem:$0x1E400] =	vst v63  }
0xf3: {  	_ =	swait.ge [sflag:s20], $0x4000  }
0xf4: {  	[sflag:s20] =	ssyncset.done $0x0  }
0xf5: {  	s26 =	simm.s32 $0x2080;
	[sflag:s20] =	ssyncadd.s32 $0xFFFFC000  }
0xf6: {  	[spmem:s2] =	stream.indirect.scatter.add.f32 [tilespmem:s17], [sflag:$0x3], $0x80, s26, s15, $0xb8;
	[tilespmem:$0x1E400] =	vst v63  }
0xf7: {  	_ =	swait.ge [sflag:s13], $0x4000  }
0xf8: {  	[sflag:s13] =	ssyncset.done $0x0  }
0xf9: {  	s26 =	simm.s32 $0xD80;
	[sflag:s13] =	ssyncadd.s32 $0xFFFFC000  }
0xfa: {  	[tilespmem:s17], [sflag:$0x2] =	stream.indirect.gather [hbm4b:s6+s15], $0x80, s26, s15, $0xb8;
	[tilespmem:$0x1E400] =	vst v63  }
0xfb: {  	_ =	swait.ge [sflag:s18], $0x4000  }
0xfc: {  	[sflag:s18] =	ssyncset.done $0x0  }
0xfd: {  	s26 =	simm.s32 $0x2100;
	[sflag:s18] =	ssyncadd.s32 $0xFFFFC000  }
0xfe: {  	[spmem:s2] =	stream.indirect.scatter.add.f32 [tilespmem:s16], [sflag:$0x3], $0x80, s26, s15, $0xb8;
	[tilespmem:$0x1E400] =	vst v63  }
0xff: {  	_ =	swait.ge [sflag:s13], $0x4000  }
0x100: {  	[sflag:s13] =	ssyncset.done $0x0  }
0x101: {  	s26 =	simm.s32 $0xE00;
	[sflag:s13] =	ssyncadd.s32 $0xFFFFC000  }
0x102: {  	[tilespmem:s16], [sflag:$0x1] =	stream.indirect.gather [hbm4b:s6+s15], $0x80, s26, s15, $0xb8;
	[tilespmem:$0x1E400] =	vst v63  }
0x103: {  	_ =	swait.ge [sflag:s20], $0x4000  }
0x104: {  	[sflag:s20] =	ssyncset.done $0x0  }
0x105: {  	s26 =	simm.s32 $0x2180;
	[sflag:s20] =	ssyncadd.s32 $0xFFFFC000  }
0x106: {  	[spmem:s2] =	stream.indirect.scatter.add.f32 [tilespmem:s17], [sflag:$0x3], $0x80, s26, s15, $0xb8;
	[tilespmem:$0x1E400] =	vst v63  }
0x107: {  	_ =	swait.ge [sflag:s13], $0x4000  }
0x108: {  	[sflag:s13] =	ssyncset.done $0x0  }
0x109: {  	s26 =	simm.s32 $0xE80;
	[sflag:s13] =	ssyncadd.s32 $0xFFFFC000  }
0x10a: {  	[tilespmem:s17], [sflag:$0x2] =	stream.indirect.gather [hbm4b:s6+s15], $0x80, s26, s15, $0xb8;
	[tilespmem:$0x1E400] =	vst v63  }
0x10b: {  	_ =	swait.ge [sflag:s18], $0x4000  }
0x10c: {  	[sflag:s18] =	ssyncset.done $0x0  }
0x10d: {  	s26 =	simm.s32 $0x2200;
	[sflag:s18] =	ssyncadd.s32 $0xFFFFC000  }
0x10e: {  	[spmem:s2] =	stream.indirect.scatter.add.f32 [tilespmem:s16], [sflag:$0x3], $0x80, s26, s15, $0xb8;
	[tilespmem:$0x1E400] =	vst v63  }
0x10f: {  	_ =	swait.ge [sflag:s13], $0x4000  }
0x110: {  	[sflag:s13] =	ssyncset.done $0x0  }
0x111: {  	s26 =	simm.s32 $0xF00;
	[sflag:s13] =	ssyncadd.s32 $0xFFFFC000  }
0x112: {  	[tilespmem:s16], [sflag:$0x1] =	stream.indirect.gather [hbm4b:s6+s15], $0x80, s26, s15, $0xb8;
	[tilespmem:$0x1E400] =	vst v63  }
0x113: {  	_ =	swait.ge [sflag:s20], $0x4000  }
0x114: {  	[sflag:s20] =	ssyncset.done $0x0  }
0x115: {  	s26 =	simm.s32 $0x2280;
	[sflag:s20] =	ssyncadd.s32 $0xFFFFC000  }
0x116: {  	[spmem:s2] =	stream.indirect.scatter.add.f32 [tilespmem:s17], [sflag:$0x3], $0x80, s26, s15, $0xb8;
	[tilespmem:$0x1E400] =	vst v63  }
0x117: {  	_ =	swait.ge [sflag:s13], $0x4000  }
0x118: {  	[sflag:s13] =	ssyncset.done $0x0  }
0x119: {  	s26 =	simm.s32 $0xF80;
	[sflag:s13] =	ssyncadd.s32 $0xFFFFC000  }
0x11a: {  	[tilespmem:s17], [sflag:$0x2] =	stream.indirect.gather [hbm4b:s6+s15], $0x80, s26, s15, $0xb8;
	[tilespmem:$0x1E400] =	vst v63  }
0x11b: {  	_ =	swait.ge [sflag:s18], $0x4000  }
0x11c: {  	[sflag:s18] =	ssyncset.done $0x0  }
0x11d: {  	s26 =	simm.s32 $0x2300;
	[sflag:s18] =	ssyncadd.s32 $0xFFFFC000  }
0x11e: {  	[spmem:s2] =	stream.indirect.scatter.add.f32 [tilespmem:s16], [sflag:$0x3], $0x80, s26, s15, $0xb8;
	[tilespmem:$0x1E400] =	vst v63  }
0x11f: {  	_ =	swait.ge [sflag:s13], $0x4000  }
0x120: {  	[sflag:s13] =	ssyncset.done $0x0  }
0x121: {  	s26 =	simm.s32 $0x1000;
	[sflag:s13] =	ssyncadd.s32 $0xFFFFC000  }
0x122: {  	[tilespmem:s16], [sflag:$0x1] =	stream.indirect.gather [hbm4b:s6+s15], $0x80, s26, s15, $0xb8;
	[tilespmem:$0x1E400] =	vst v63  }
0x123: {  	_ =	swait.ge [sflag:s20], $0x4000  }
0x124: {  	[sflag:s20] =	ssyncset.done $0x0  }
0x125: {  	[sflag:s20] =	ssyncadd.s32 $0xFFFFC000  }
0x126: {  	[spmem:s2] =	stream.indirect.scatter.add.f32 [tilespmem:s17], [sflag:$0x3], $0x80, s22, s15, $0xb8;
	[tilespmem:$0x1E400] =	vst v63  }
0x127: {  	_ =	swait.ge [sflag:s13], $0x4000  }
0x128: {  	[sflag:s13] =	ssyncset.done $0x0  }
0x129: {  	[sflag:s13] =	ssyncadd.s32 $0xFFFFC000  }
0x12a: {  	[tilespmem:s17], [sflag:$0x2] =	stream.indirect.gather [hbm4b:s6+s15], $0x80, s23, s15, $0xb8;
	[tilespmem:$0x1E400] =	vst v63  }
0x12b: {  	_ =	swait.ge [sflag:s18], $0x4000  }
0x12c: {  	[sflag:s18] =	ssyncset.done $0x0  }
0x12d: {  	[sflag:s18] =	ssyncadd.s32 $0xFFFFC000  }
0x12e: {  	[spmem:s2] =	stream.indirect.scatter.add.f32 [tilespmem:s16], [sflag:$0x3], $0x80, s24, s15, $0xb8;
	[tilespmem:$0x1E400] =	vst v63  }
0x12f: {  	_ =	swait.ge [sflag:s13], $0x4000  }
0x130: {  	[sflag:s13] =	ssyncset.done $0x0  }
0x131: {  	[sflag:s13] =	ssyncadd.s32 $0xFFFFC000  }
0x132: {  	[tilespmem:s16], [sflag:$0x1] =	stream.indirect.gather [hbm4b:s6+s15], $0x80, s28, s15, $0xb8;
	[tilespmem:$0x1E400] =	vst v63  }
0x133: {  	_ =	swait.ge [sflag:s20], $0x4000  }
0x134: {  	[sflag:s20] =	ssyncset.done $0x0  }
0x135: {  	[sflag:s20] =	ssyncadd.s32 $0xFFFFC000  }
0x136: {  	[spmem:s2] =	stream.indirect.scatter.add.f32 [tilespmem:s17], [sflag:$0x3], $0x80, s29, s15, $0xb8;
	[tilespmem:$0x1E400] =	vst v63  }
0x137: {  	_ =	swait.ge [sflag:s13], $0x4000  }
0x138: {  	[sflag:s13] =	ssyncset.done $0x0  }
0x139: {  	[sflag:s13] =	ssyncadd.s32 $0xFFFFC000  }
0x13a: {  	[tilespmem:s17], [sflag:$0x2] =	stream.indirect.gather [hbm4b:s6+s15], $0x80, s30, s15, $0xb8;
	[tilespmem:$0x1E400] =	vst v63  }
0x13b: {  	_ =	swait.ge [sflag:s18], $0x4000  }
0x13c: {  	[sflag:s18] =	ssyncset.done $0x0  }
0x13d: {  	[sflag:s18] =	ssyncadd.s32 $0xFFFFC000  }
0x13e: {  	[spmem:s2] =	stream.indirect.scatter.add.f32 [tilespmem:s16], [sflag:$0x3], $0x80, s31, s15, $0xb8;
	[tilespmem:$0x1E400] =	vst v63  }
0x13f: {  	_ =	swait.ge [sflag:s13], $0x4000  }
0x140: {  	[sflag:s13] =	ssyncset.done $0x0  }
0x141: {  	[sflag:s13] =	ssyncadd.s32 $0xFFFFC000  }
0x142: {  	[tilespmem:s16], [sflag:$0x1] =	stream.indirect.gather [hbm4b:s6+s15], $0x80, s0, s15, $0xb8;
	[tilespmem:$0x1E400] =	vst v63  }
0x143: {  	_ =	swait.ge [sflag:s20], $0x4000  }
0x144: {  	[sflag:s20] =	ssyncset.done $0x0  }
0x145: {  	[sflag:s20] =	ssyncadd.s32 $0xFFFFC000  }
0x146: {  	[spmem:s2] =	stream.indirect.scatter.add.f32 [tilespmem:s17], [sflag:$0x3], $0x80, s1, s15, $0xb8;
	[tilespmem:$0x1E400] =	vst v63  }
0x147: {  	_ =	swait.ge [sflag:s13], $0x4000  }
0x148: {  	[sflag:s13] =	ssyncset.done $0x0  }
0x149: {  	[sflag:s13] =	ssyncadd.s32 $0xFFFFC000  }
0x14a: {  	[tilespmem:s17], [sflag:$0x2] =	stream.indirect.gather [hbm4b:s6+s15], $0x80, s7, s15, $0xb8;
	[tilespmem:$0x1E400] =	vst v63  }
0x14b: {  	_ =	swait.ge [sflag:s18], $0x4000  }
0x14c: {  	[sflag:s18] =	ssyncset.done $0x0  }
0x14d: {  	[sflag:s18] =	ssyncadd.s32 $0xFFFFC000  }
0x14e: {  	[spmem:s2] =	stream.indirect.scatter.add.f32 [tilespmem:s16], [sflag:$0x3], $0x80, s10, s15, $0xb8;
	[tilespmem:$0x1E400] =	vst v63  }
0x14f: {  	_ =	swait.ge [sflag:s13], $0x4000  }
0x150: {  	[sflag:s13] =	ssyncset.done $0x0  }
0x151: {  	[sflag:s13] =	ssyncadd.s32 $0xFFFFC000  }
0x152: {  	[tilespmem:s16], [sflag:$0x1] =	stream.indirect.gather [hbm4b:s6+s15], $0x80, s11, s15, $0xb8;
	[tilespmem:$0x1E400] =	vst v63  }
0x153: {  	_ =	swait.ge [sflag:s20], $0x4000  }
0x154: {  	[sflag:s20] =	ssyncset.done $0x0  }
0x155: {  	[sflag:s20] =	ssyncadd.s32 $0xFFFFC000  }
0x156: {  	[spmem:s2] =	stream.indirect.scatter.add.f32 [tilespmem:s17], [sflag:$0x3], $0x80, s8, s15, $0xb8;
	[tilespmem:$0x1E400] =	vst v63  }
0x157: {  	_ =	swait.ge [sflag:s13], $0x4000  }
0x158: {  	[sflag:s13] =	ssyncset.done $0x0  }
0x159: {  	[sflag:s13] =	ssyncadd.s32 $0xFFFFC000  }
0x15a: {  	[tilespmem:s17], [sflag:$0x2] =	stream.indirect.gather [hbm4b:s6+s15], $0x80, s12, s15, $0xb8;
	[tilespmem:$0x1E400] =	vst v63  }
0x15b: {  	_ =	swait.ge [sflag:s18], $0x4000  }
0x15c: {  	[sflag:s18] =	ssyncset.done $0x0  }
0x15d: {  	[sflag:s18] =	ssyncadd.s32 $0xFFFFC000  }
0x15e: {  	[spmem:s2] =	stream.indirect.scatter.add.f32 [tilespmem:s16], [sflag:$0x3], $0x80, s19, s15, $0xb8;
	[tilespmem:$0x1E400] =	vst v63  }
0x15f: {  	_ =	swait.ge [sflag:s13], $0x4000  }
0x160: {  	[sflag:s13] =	ssyncset.done $0x0  }
0x161: {  	[sflag:s13] =	ssyncadd.s32 $0xFFFFC000  }
0x162: {  	_ =	swait.ge [sflag:s20], $0x4000  }
0x163: {  	p1 =	por p0, p0;
	[sflag:s20] =	ssyncset.done $0x0  }
.Ltmp0:
0x164: {  	[sflag:s20] =	ssyncadd.s32 $0xFFFFC000;
	(pc) =	sbr.rel @p1 .LBB2_2-.Ltmp0, $4  }
0x165: {  	[spmem:s2] =	stream.indirect.scatter.add.f32 [tilespmem:s17], [sflag:$0x3], $0x80, s21, s15, $0xb8;
	[tilespmem:$0x1E400] =	vst v63  }
0x166: {  	_ =	swait.ge [sflag:s13], $0x4000  }
0x167: {  	[sflag:s13] =	ssyncset.done $0x0  }
0x168: {  	p0 =	por $0x0, $0x0;
	s25 =	simm.s32 $0x28;
	[sflag:s13] =	ssyncadd.s32 $0xFFFFC000  }
0x169: {  	[bflag:$0x0] =	sbarrier.arrive $0xFFFF  }
0x16a: {  	s26 =	rddreg [dreg:$0x4]  }
0x16b: {  	s25 =	rddreg [dreg:$0x5]  }
0x16c: {  	s28 =	rddreg [dreg:$0x7]  }
0x16d: {  	[hbm:s25], [sflag:s26] =	dma.local [spmem:s28], $0x2780  }
0x16e: {  	_ =	swait.ge [sflag:s13], $0x2780  }
0x16f: {  	s0 =	rddreg [dreg:$0x8]  }
0x170: {  	s25 =	rddreg [dreg:$0x6];
	s0 =	sadd.s32 $0x1, s0  }
0x171: {  	p0 =	sne.s32 s0, s25  }
.Ltmp1:
0x172: {  	_ = 	snop;
	(pc) =	sbr.rel @p0 .LBB2_1-.Ltmp1, $3  }
0x173: {  	_ =	sdelay $0x1  }
0x174: {  	[sflag:s13] =	ssyncset.done $0x0  }
0x175: {  	[sflag:s13] =	ssyncadd.s32 $0xFFFFD880  }
0x176: {  	_ =	sfence.sel $0x180000  }
0x177: {  	[bflag:$0x0] =	sbarrier.arrive $0xFFFF  }
0x178: {  	_ =	strace $0x9000004A  }
0x179: {  	s0 =	stileid.u32;
	[bflag:$0x2] =	sbarrier.arrive $0xFFFF  }
0x17a: {  	p0 =	sne.s32 s0, $0x0;
	s0 =	rddreg [dreg:$0x2]  }
0x17b: {  	s0 =	sadd.s32 @!p0 $0x100000, s0  }
0x17c: {  	[sflag:s0] =	ssyncadd.tile.s32 @!p0 $0x1;
	_ =	shalt  }
.Lfunc_end2:
_tile_overlayer_lowered:
.L_overlay_start_2:
0x17d: {  	(tag) =	ssettag $0x2  }
0x17e: {  	s0 =	rddreg [dreg:$0x0];
	s2 =	stileid.u32  }
0x17f: {  	s1 =	rddreg [dreg:$0x1];
	p0 =	sne.s32 s2, $0x0  }
0x180: {  	s3 =	rddreg [dreg:$0x2];
	[bflag:$0x3] =	sbarrier.arrive $0xFFFF;
	s2 =	simm.s32 @!p0 $0x1C03  }
0x181: {  	[timem:s3], [sflag:s2] =	dma.local @!p0 [hbm:s0], s1  }
0x182: {  	s0 =	simm.s32 @!p0 $0x3  }
0x183: {  	_ =	swait.ge @!p0 [sflag:s0], s1  }
0x184: {  	s1 =	ssub.s32 @!p0 $0x0, s1;
	[sflag:s0] =	ssyncset.done @!p0 $0x0  }
0x185: {  	[sflag:s0] =	ssyncadd.s32 @!p0 s1  }
0x186: {  	[bflag:$0x3] =	sbarrier.arrive $0xFFFF  }
0x187: {  	_ =	shalt  }

</sc_bundles>
